<compile_context>
chip_gen: v7x
topology: tpu7x:2x2x1
jax: 0.10.2.dev20260603
libtpu: 0.0.44.dev20260713+nightly
codegen_flags: <defaults>
</compile_context>

<pallas_src>
import functools

import jax
import jax.numpy as jnp
from jax import lax
from jax.experimental import pallas as pl
from jax.experimental.pallas import tpu as pltpu
from jax.experimental.pallas import tpu_sc as plsc

B, QLEN, NDOCS, DLEN = 32, 10, 8, 200
EMSIZE = 128
QPAD = 16
DROWS = B * NDOCS * DLEN
QROWS = B * QPAD
CHUNK = 80


def _sc_gather(table, didx, qidx):
    info = plsc.get_sparse_core_info()
    nc, ns = info.num_cores, info.num_subcores
    nw = nc * ns
    nchunk = didx.shape[1]
    qpw = qidx.shape[1]
    d_per_w = nchunk * CHUNK

    mesh = plsc.VectorSubcoreMesh(core_axis_name="c", subcore_axis_name="s")

    nbuf = 4

    @functools.partial(
        pl.kernel,
        mesh=mesh,
        out_type=[
            jax.ShapeDtypeStruct((didx.size, EMSIZE), jnp.float32),
            jax.ShapeDtypeStruct((qidx.size, EMSIZE), jnp.float32),
        ],
        scratch_types=(
            [pltpu.VMEM((nchunk, CHUNK), jnp.int32),
             pltpu.VMEM((qpw,), jnp.int32),
             pltpu.VMEM((qpw, EMSIZE), jnp.float32)]
            + [pltpu.VMEM((CHUNK, EMSIZE), jnp.float32) for _ in range(nbuf)]
            + [pltpu.SemaphoreType.DMA for _ in range(2 * nbuf + 1)]
        ),
    )
    def k(table_hbm, didx_hbm, qidx_hbm, dout_hbm, qout_hbm,
          didx_v, qidx_v, qbuf, *bufs_sems):
        bufs = bufs_sems[:nbuf]
        gsems = bufs_sems[nbuf:2 * nbuf]
        wsems = bufs_sems[2 * nbuf:3 * nbuf]
        qsem = bufs_sems[3 * nbuf]
        wid = lax.axis_index("s") * nc + lax.axis_index("c")
        dbase = wid * d_per_w
        qbase = wid * qpw
        pltpu.sync_copy(didx_hbm.at[wid], didx_v)
        pltpu.sync_copy(qidx_hbm.at[wid], qidx_v)

        qcp = pltpu.async_copy(table_hbm.at[qidx_v], qbuf, qsem)

        gcp = [None] * nchunk
        wcp = [None] * nchunk
        for c in range(nchunk):
            if c >= nbuf:
                wcp[c - nbuf].wait()
            gcp[c] = pltpu.async_copy(
                table_hbm.at[didx_v.at[c]], bufs[c % nbuf], gsems[c % nbuf])
            j = c - (nbuf - 1)
            if j >= 0:
                gcp[j].wait()
                wcp[j] = pltpu.async_copy(
                    bufs[j % nbuf],
                    dout_hbm.at[pl.ds(dbase + j * CHUNK, CHUNK)],
                    wsems[j % nbuf])
        for j in range(nchunk - (nbuf - 1), nchunk):
            gcp[j].wait()
            wcp[j] = pltpu.async_copy(
                bufs[j % nbuf],
                dout_hbm.at[pl.ds(dbase + j * CHUNK, CHUNK)],
                wsems[j % nbuf])
        qcp.wait()
        pltpu.sync_copy(qbuf, qout_hbm.at[pl.ds(qbase, qpw)])
        for j in range(nchunk - nbuf, nchunk):
            wcp[j].wait()

    return k(table, didx, qidx)


BPB = 8


def _tc_body(d_ref, q_ref, wg_ref, seg_ref, p_ref, o_ref):
    for i in range(BPB):
        _tc_one(d_ref[i], q_ref[i], wg_ref, seg_ref, p_ref, o_ref, i)


def _tc_one(d, q, wg_ref, seg_ref, p_ref, o_ref, i):
    wg = wg_ref[...]

    g = jnp.sum(q * wg, axis=1, keepdims=True) + p_ref[5]
    row = lax.broadcasted_iota(jnp.int32, (QPAD, 1), 0)
    g = jnp.where(row < QLEN, g, -jnp.inf)
    e = jnp.exp(g - jnp.max(g, axis=0, keepdims=True))
    tw = e / jnp.sum(e, axis=0, keepdims=True)

    qn = q / jnp.maximum(jnp.sqrt(jnp.sum(q * q, axis=1, keepdims=True)), 1e-8)
    dn = d / jnp.maximum(jnp.sqrt(jnp.sum(d * d, axis=1, keepdims=True)), 1e-8)

    cos = lax.dot_general(qn, dn, (((1,), (1,)), ((), ())),
                          precision=lax.Precision.DEFAULT)

    m1 = (cos >= -0.5).astype(jnp.bfloat16)
    m2 = (cos >= 0.0).astype(jnp.bfloat16)
    m3 = (cos >= 0.5).astype(jnp.bfloat16)
    m4 = (cos >= 1.0).astype(jnp.bfloat16)
    M = jnp.concatenate([m1, m2, m3, m4], axis=0)
    C = lax.dot_general(M, seg_ref[...], (((1,), (0,)), ((), ())),
                        preferred_element_type=jnp.float32)

    c1 = C[0:QPAD]
    c2 = C[QPAD:2 * QPAD]
    c3 = C[2 * QPAD:3 * QPAD]
    c4 = C[3 * QPAD:4 * QPAD]
    h1 = (((((float(DLEN) - c1) * p_ref[0]
             + (c1 - c2) * p_ref[1])
            + (c2 - c3) * p_ref[2])
           + (c3 - c4) * p_ref[3])
          + c4 * p_ref[4]) + p_ref[6]
    h2 = h1 * p_ref[7] + p_ref[8]
    sc = jnp.sum(h2 * tw, axis=0, keepdims=True)
    o_ref[i] = sc * p_ref[9] + p_ref[10]


NSPLIT = 2


def kernel(batch_queries, query_len, batch_docs, doc_len,
           W_emb, wg, bg, w1, b1, w2, b2, wo, bo):
    del query_len, doc_len
    nw = 32
    bh = B // NSPLIT

    seg = (jnp.arange(NDOCS * DLEN)[:, None] // DLEN
           == jnp.arange(NDOCS)[None, :]).astype(jnp.bfloat16)

    bw = lax.reduce_precision(w1, exponent_bits=8, mantissa_bits=7)
    params = jnp.stack([
        bw[0], bw[1], bw[2], bw[3], bw[4],
        bg, b1, w2, b2, wo, bo,
        jnp.zeros_like(bg), jnp.zeros_like(bg), jnp.zeros_like(bg),
        jnp.zeros_like(bg), jnp.zeros_like(bg),
    ])
    wg2 = wg.reshape(1, EMSIZE)

    bd = batch_docs.astype(jnp.int32).reshape(B, NDOCS * DLEN)
    bq = jnp.pad(batch_queries.astype(jnp.int32), ((0, 0), (0, QPAD - QLEN)))

    scores = []
    for h in range(NSPLIT):
        didx = bd[h * bh:(h + 1) * bh].reshape(nw, -1, CHUNK)
        qidx = bq[h * bh:(h + 1) * bh].reshape(nw, -1)
        drows, qrows = _sc_gather(W_emb, didx, qidx)
        docs = drows.reshape(bh, NDOCS * DLEN, EMSIZE)
        queries = qrows.reshape(bh, QPAD, EMSIZE)
        score = pl.pallas_call(
            _tc_body,
            grid=(bh // BPB,),
            in_specs=[
                pl.BlockSpec((BPB, NDOCS * DLEN, EMSIZE), lambda b: (b, 0, 0)),
                pl.BlockSpec((BPB, QPAD, EMSIZE), lambda b: (b, 0, 0)),
                pl.BlockSpec((1, EMSIZE), lambda b: (0, 0)),
                pl.BlockSpec((NDOCS * DLEN, NDOCS), lambda b: (0, 0)),
                pl.BlockSpec(memory_space=pltpu.SMEM),
            ],
            out_specs=pl.BlockSpec((BPB, 1, NDOCS), lambda b: (b, 0, 0)),
            out_shape=jax.ShapeDtypeStruct((bh, 1, NDOCS), jnp.float32),
        )(docs, queries, wg2, seg, params)
        scores.append(score.reshape(bh, NDOCS))

    return jnp.concatenate(scores, axis=0)

# --- scband reference (transcript-rebuilt; emitter-appended) ---
"""Pipeline reference for scband-drmm-14173392076891 (READ-ONLY COPY).

The authoritative reference and input builder live on the scoring server;
editing this copy changes nothing except your own understanding.
"""

import jax, jax.numpy as jnp
import numpy as np

B, QLEN, NDOCS, DLEN = 32, 10, 8, 200
VOCAB, EMSIZE, NBINS = 100000, 128, 5

def setup_inputs(seed: int = 0) -> dict:
    key = jax.random.key(seed)
    ks = jax.random.split(key, 12)
    batch_queries = jax.random.randint(ks[0], (B, QLEN), 0, VOCAB, dtype=jnp.int64 if jax.config.jax_enable_x64 else jnp.int32)
    query_len = jax.random.randint(ks[1], (B,), 1, QLEN + 1)
    batch_docs = jax.random.randint(ks[2], (B, NDOCS, DLEN), 0, VOCAB, dtype=batch_queries.dtype)
    doc_len = jax.random.randint(ks[3], (B, NDOCS), 1, DLEN + 1)
    W_emb = jax.random.normal(ks[4], (VOCAB, EMSIZE), dtype=jnp.float32) * 0.1
    wg = jax.random.normal(ks[5], (EMSIZE,), dtype=jnp.float32) * 0.05
    bg = jnp.zeros((), dtype=jnp.float32)
    w1 = jax.random.normal(ks[6], (NBINS,), dtype=jnp.float32) * 0.3
    b1 = jnp.zeros((), dtype=jnp.float32)
    w2 = jax.random.normal(ks[7], (), dtype=jnp.float32)
    b2 = jnp.zeros((), dtype=jnp.float32)
    wo = jax.random.normal(ks[8], (), dtype=jnp.float32)
    bo = jnp.zeros((), dtype=jnp.float32)
    return {"batch_queries": batch_queries, "query_len": query_len, "batch_docs": batch_docs,
            "doc_len": doc_len, "W_emb": W_emb, "wg": wg, "bg": bg, "w1": w1, "b1": b1,
            "w2": w2, "b2": b2, "wo": wo, "bo": bo}

def reference(batch_queries, query_len, batch_docs, doc_len, W_emb, wg, bg, w1, b1, w2, b2, wo, bo):
    batch_size, qlen = batch_queries.shape
    num_docs, dlen = batch_docs.shape[1], batch_docs.shape[2]
    # embedding lookup for queries (dropout in eval mode = identity)
    embedded_queries = jnp.take(W_emb, batch_queries, axis=0)  # [B, qlen, E]
    # gating network: Linear(E,1).squeeze + softmax over qlen
    dot_out = jnp.einsum('bqe,e->bq', embedded_queries, wg) + bg
    term_weights_q = jax.nn.softmax(dot_out, axis=1)  # [B, qlen]
    term_weights = jnp.broadcast_to(term_weights_q[:, None, :], (batch_size, num_docs, qlen))
    # embedding lookup for docs
    doc_rep = batch_docs.reshape(batch_size * num_docs, dlen)
    embedded_docs = jnp.take(W_emb, doc_rep, axis=0)  # [B*N, dlen, E]
    eq = jnp.broadcast_to(embedded_queries[:, None, :, :], (batch_size, num_docs, qlen, W_emb.shape[1]))
    eq = eq.reshape(batch_size * num_docs, qlen, W_emb.shape[1])
    # cosine similarity (eps=1e-8 like torch)
    qn = eq / jnp.maximum(jnp.linalg.norm(eq, axis=-1, keepdims=True), 1e-8)
    dn = embedded_docs / jnp.maximum(jnp.linalg.norm(embedded_docs, axis=-1, keepdims=True), 1e-8)
    cos_sim = jnp.einsum('bqe,bde->bqd', qn, dn)  # [B*N, qlen, dlen]
    # histogram over dlen axis with bins [-1,-0.5,0,0.5,1,1]; detached in original
    cos_sim = jax.lax.stop_gradient(cos_sim)
    edges = jnp.array([-1.0, -0.5, 0.0, 0.5, 1.0, 1.0], dtype=jnp.float32)
    idx = jnp.clip(jnp.searchsorted(edges, cos_sim, side='right') - 1, 0, NBINS - 1)
    histogram_feats = jnp.sum(jax.nn.one_hot(idx, NBINS, dtype=jnp.float32), axis=2)  # [B*N, qlen, NBINS]
    # ffnn: Linear(nbins,1) -> Linear(1,1), squeeze
    h1 = jnp.einsum('bqn,n->bq', histogram_feats, w1) + b1
    h2 = h1 * w2 + b2
    ffnn_out = h2.reshape(batch_size, num_docs, qlen)
    weighted_ffnn_out = ffnn_out * term_weights
    s = jnp.sum(weighted_ffnn_out, axis=2, keepdims=True)  # [B, N, 1]
    score = (s * wo + bo)[..., 0]
    return score.reshape(batch_size, num_docs)

if __name__ == "__main__":
    import jax
    _d = setup_inputs()
    print(jax.jit(kernel)(*tuple(_d.values())))

</pallas_src>

<mosaic_0001>
#map = affine_map<(d0, d1) -> (0, 0)>
#map1 = affine_map<(d0, d1) -> (0, 0, 0)>
module attributes {stable_mosaic.version = 14 : i64} {
  func.func @k(%arg0: i32, %arg1: i32, %arg2: memref<100000x128xf32, #tpu.memory_space<hbm>>, %arg3: memref<32x10x80xi32, #tpu.memory_space<hbm>>, %arg4: memref<32x8xi32, #tpu.memory_space<hbm>>, %arg5: memref<25600x128xf32, #tpu.memory_space<hbm>>, %arg6: memref<256x128xf32, #tpu.memory_space<hbm>>, %arg7: memref<10x80xi32, #tpu.memory_space<vmem>>, %arg8: memref<8xi32, #tpu.memory_space<vmem>>, %arg9: memref<8x128xf32, #tpu.memory_space<vmem>>, %arg10: memref<80x128xf32, #tpu.memory_space<vmem>>, %arg11: memref<80x128xf32, #tpu.memory_space<vmem>>, %arg12: memref<80x128xf32, #tpu.memory_space<vmem>>, %arg13: memref<80x128xf32, #tpu.memory_space<vmem>>, %arg14: memref<!tpu.dma_semaphore, #tpu.memory_space<semaphore_mem>>, %arg15: memref<!tpu.dma_semaphore, #tpu.memory_space<semaphore_mem>>, %arg16: memref<!tpu.dma_semaphore, #tpu.memory_space<semaphore_mem>>, %arg17: memref<!tpu.dma_semaphore, #tpu.memory_space<semaphore_mem>>, %arg18: memref<!tpu.dma_semaphore, #tpu.memory_space<semaphore_mem>>, %arg19: memref<!tpu.dma_semaphore, #tpu.memory_space<semaphore_mem>>, %arg20: memref<!tpu.dma_semaphore, #tpu.memory_space<semaphore_mem>>, %arg21: memref<!tpu.dma_semaphore, #tpu.memory_space<semaphore_mem>>, %arg22: memref<!tpu.dma_semaphore, #tpu.memory_space<semaphore_mem>>) attributes {dimension_semantics = [#tpu.dimension_semantics<core_parallel>, #tpu.dimension_semantics<subcore_parallel>], iteration_bounds = array<i64: 2, 16>, scalar_prefetch = 0 : i64, scratch_operands = 16 : i64, tpu.core_type = #tpu.core_type<sc_vector_subcore>, window_params = [{transform_indices = #map}, {transform_indices = #map1}, {transform_indices = #map}, {transform_indices = #map}, {transform_indices = #map}]} {
    %mul3A = arith.constant 2 : i32
    %mul3A_0 = arith.muli %arg1, %mul3A : i32
    %add3A = arith.addi %mul3A_0, %arg0 : i32
    %mul3A_1 = arith.constant 800 : i32
    %mul3A_2 = arith.muli %add3A, %mul3A_1 : i32
    %mul3A_3 = arith.constant 8 : i32
    %mul3A_4 = arith.muli %add3A, %mul3A_3 : i32
    "tpu.region"() ({
      %run_scoped3A = tpu.sem_alloc : memref<!tpu.dma_semaphore, #tpu.memory_space<semaphore_mem>>
      %dma_start3A_249 = arith.constant 0 : i32
      %dma_start3A_250 = arith.constant 0 : i32
      %dma_start3A_251 = tpu.memref_slice %arg3[%add3A, %dma_start3A_249, %dma_start3A_250] : memref<32x10x80xi32, #tpu.memory_space<hbm>> -> memref<1x10x80xi32, #tpu.memory_space<hbm>>
      %dma_start3A_252 = tpu.memref_squeeze %dma_start3A_251 : memref<1x10x80xi32, #tpu.memory_space<hbm>> -> memref<10x80xi32, #tpu.memory_space<hbm>>
      %dma_start3A_253 = arith.constant 0 : i32
      %dma_start3A_254 = arith.constant 0 : i32
      %dma_start3A_255 = tpu.memref_slice %arg3[%add3A, %dma_start3A_253, %dma_start3A_254] : memref<32x10x80xi32, #tpu.memory_space<hbm>> -> memref<1x10x80xi32, #tpu.memory_space<hbm>>
      %dma_start3A_256 = tpu.memref_squeeze %dma_start3A_255 : memref<1x10x80xi32, #tpu.memory_space<hbm>> -> memref<10x80xi32, #tpu.memory_space<hbm>>
      tpu.enqueue_dma source(%dma_start3A_256 : memref<10x80xi32, #tpu.memory_space<hbm>>) target(%arg7 : memref<10x80xi32, #tpu.memory_space<vmem>>) target_semaphore(%run_scoped3A : memref<!tpu.dma_semaphore, #tpu.memory_space<semaphore_mem>>)
      %dma_wait3A_257 = arith.constant 0 : i32
      %dma_wait3A_258 = arith.constant 0 : i32
      %dma_wait3A_259 = tpu.memref_slice %arg3[%add3A, %dma_wait3A_257, %dma_wait3A_258] : memref<32x10x80xi32, #tpu.memory_space<hbm>> -> memref<1x10x80xi32, #tpu.memory_space<hbm>>
      %dma_wait3A_260 = tpu.memref_squeeze %dma_wait3A_259 : memref<1x10x80xi32, #tpu.memory_space<hbm>> -> memref<10x80xi32, #tpu.memory_space<hbm>>
      %dma_wait3A_261 = arith.constant 0 : i32
      %dma_wait3A_262 = arith.constant 0 : i32
      %dma_wait3A_263 = tpu.memref_slice %arg3[%add3A, %dma_wait3A_261, %dma_wait3A_262] : memref<32x10x80xi32, #tpu.memory_space<hbm>> -> memref<1x10x80xi32, #tpu.memory_space<hbm>>
      %dma_wait3A_264 = tpu.memref_squeeze %dma_wait3A_263 : memref<1x10x80xi32, #tpu.memory_space<hbm>> -> memref<10x80xi32, #tpu.memory_space<hbm>>
      tpu.wait_dma2 semaphore(%run_scoped3A : memref<!tpu.dma_semaphore, #tpu.memory_space<semaphore_mem>>) src(%dma_wait3A_264 : memref<10x80xi32, #tpu.memory_space<hbm>>) dst(%arg7 : memref<10x80xi32, #tpu.memory_space<vmem>>)
      tpu.yield
    }) : () -> ()
    "tpu.region"() ({
      %run_scoped3A = tpu.sem_alloc : memref<!tpu.dma_semaphore, #tpu.memory_space<semaphore_mem>>
      %dma_start3A_249 = arith.constant 0 : i32
      %dma_start3A_250 = tpu.memref_slice %arg4[%add3A, %dma_start3A_249] : memref<32x8xi32, #tpu.memory_space<hbm>> -> memref<1x8xi32, #tpu.memory_space<hbm>>
      %dma_start3A_251 = tpu.memref_squeeze %dma_start3A_250 : memref<1x8xi32, #tpu.memory_space<hbm>> -> memref<8xi32, #tpu.memory_space<hbm>>
      %dma_start3A_252 = arith.constant 0 : i32
      %dma_start3A_253 = tpu.memref_slice %arg4[%add3A, %dma_start3A_252] : memref<32x8xi32, #tpu.memory_space<hbm>> -> memref<1x8xi32, #tpu.memory_space<hbm>>
      %dma_start3A_254 = tpu.memref_squeeze %dma_start3A_253 : memref<1x8xi32, #tpu.memory_space<hbm>> -> memref<8xi32, #tpu.memory_space<hbm>>
      tpu.enqueue_dma source(%dma_start3A_254 : memref<8xi32, #tpu.memory_space<hbm>>) target(%arg8 : memref<8xi32, #tpu.memory_space<vmem>>) target_semaphore(%run_scoped3A : memref<!tpu.dma_semaphore, #tpu.memory_space<semaphore_mem>>)
      %dma_wait3A_255 = arith.constant 0 : i32
      %dma_wait3A_256 = tpu.memref_slice %arg4[%add3A, %dma_wait3A_255] : memref<32x8xi32, #tpu.memory_space<hbm>> -> memref<1x8xi32, #tpu.memory_space<hbm>>
      %dma_wait3A_257 = tpu.memref_squeeze %dma_wait3A_256 : memref<1x8xi32, #tpu.memory_space<hbm>> -> memref<8xi32, #tpu.memory_space<hbm>>
      %dma_wait3A_258 = arith.constant 0 : i32
      %dma_wait3A_259 = tpu.memref_slice %arg4[%add3A, %dma_wait3A_258] : memref<32x8xi32, #tpu.memory_space<hbm>> -> memref<1x8xi32, #tpu.memory_space<hbm>>
      %dma_wait3A_260 = tpu.memref_squeeze %dma_wait3A_259 : memref<1x8xi32, #tpu.memory_space<hbm>> -> memref<8xi32, #tpu.memory_space<hbm>>
      tpu.wait_dma2 semaphore(%run_scoped3A : memref<!tpu.dma_semaphore, #tpu.memory_space<semaphore_mem>>) src(%dma_wait3A_260 : memref<8xi32, #tpu.memory_space<hbm>>) dst(%arg8 : memref<8xi32, #tpu.memory_space<vmem>>)
      tpu.yield
    }) : () -> ()
    %dma_start3A = arith.constant 0 : i32
    %dma_start3A_5 = arith.constant 0 : i32
    %dma_start3A_6 = tpu.memref_slice %arg2[%dma_start3A, %dma_start3A_5] : memref<100000x128xf32, #tpu.memory_space<hbm>> -> memref<100000x128xf32, #tpu.memory_space<hbm>>
    tpu.enqueue_indirect_dma source(%dma_start3A_6 : memref<100000x128xf32, #tpu.memory_space<hbm>>) target(%arg9 : memref<8x128xf32, #tpu.memory_space<vmem>>) offsets(%arg8 : memref<8xi32, #tpu.memory_space<vmem>>) semaphore(%arg22 : memref<!tpu.dma_semaphore, #tpu.memory_space<semaphore_mem>>)
    %dma_start3A_7 = arith.constant 0 : i32
    %dma_start3A_8 = arith.constant 0 : i32
    %dma_start3A_9 = tpu.memref_slice %arg7[%dma_start3A_7, %dma_start3A_8] : memref<10x80xi32, #tpu.memory_space<vmem>> -> memref<1x80xi32, #tpu.memory_space<vmem>>
    %dma_start3A_10 = tpu.memref_squeeze %dma_start3A_9 : memref<1x80xi32, #tpu.memory_space<vmem>> -> memref<80xi32, #tpu.memory_space<vmem>>
    %dma_start3A_11 = arith.constant 0 : i32
    %dma_start3A_12 = arith.constant 0 : i32
    %dma_start3A_13 = tpu.memref_slice %arg2[%dma_start3A_11, %dma_start3A_12] : memref<100000x128xf32, #tpu.memory_space<hbm>> -> memref<100000x128xf32, #tpu.memory_space<hbm>>
    tpu.enqueue_indirect_dma source(%dma_start3A_13 : memref<100000x128xf32, #tpu.memory_space<hbm>>) target(%arg10 : memref<80x128xf32, #tpu.memory_space<vmem>>) offsets(%dma_start3A_10 : memref<80xi32, #tpu.memory_space<vmem>>) semaphore(%arg14 : memref<!tpu.dma_semaphore, #tpu.memory_space<semaphore_mem>>)
    %dma_start3A_14 = arith.constant 1 : i32
    %dma_start3A_15 = arith.constant 0 : i32
    %dma_start3A_16 = tpu.memref_slice %arg7[%dma_start3A_14, %dma_start3A_15] : memref<10x80xi32, #tpu.memory_space<vmem>> -> memref<1x80xi32, #tpu.memory_space<vmem>>
    %dma_start3A_17 = tpu.memref_squeeze %dma_start3A_16 : memref<1x80xi32, #tpu.memory_space<vmem>> -> memref<80xi32, #tpu.memory_space<vmem>>
    %dma_start3A_18 = arith.constant 0 : i32
    %dma_start3A_19 = arith.constant 0 : i32
    %dma_start3A_20 = tpu.memref_slice %arg2[%dma_start3A_18, %dma_start3A_19] : memref<100000x128xf32, #tpu.memory_space<hbm>> -> memref<100000x128xf32, #tpu.memory_space<hbm>>
    tpu.enqueue_indirect_dma source(%dma_start3A_20 : memref<100000x128xf32, #tpu.memory_space<hbm>>) target(%arg11 : memref<80x128xf32, #tpu.memory_space<vmem>>) offsets(%dma_start3A_17 : memref<80xi32, #tpu.memory_space<vmem>>) semaphore(%arg15 : memref<!tpu.dma_semaphore, #tpu.memory_space<semaphore_mem>>)
    %dma_start3A_21 = arith.constant 2 : i32
    %dma_start3A_22 = arith.constant 0 : i32
    %dma_start3A_23 = tpu.memref_slice %arg7[%dma_start3A_21, %dma_start3A_22] : memref<10x80xi32, #tpu.memory_space<vmem>> -> memref<1x80xi32, #tpu.memory_space<vmem>>
    %dma_start3A_24 = tpu.memref_squeeze %dma_start3A_23 : memref<1x80xi32, #tpu.memory_space<vmem>> -> memref<80xi32, #tpu.memory_space<vmem>>
    %dma_start3A_25 = arith.constant 0 : i32
    %dma_start3A_26 = arith.constant 0 : i32
    %dma_start3A_27 = tpu.memref_slice %arg2[%dma_start3A_25, %dma_start3A_26] : memref<100000x128xf32, #tpu.memory_space<hbm>> -> memref<100000x128xf32, #tpu.memory_space<hbm>>
    tpu.enqueue_indirect_dma source(%dma_start3A_27 : memref<100000x128xf32, #tpu.memory_space<hbm>>) target(%arg12 : memref<80x128xf32, #tpu.memory_space<vmem>>) offsets(%dma_start3A_24 : memref<80xi32, #tpu.memory_space<vmem>>) semaphore(%arg16 : memref<!tpu.dma_semaphore, #tpu.memory_space<semaphore_mem>>)
    %dma_start3A_28 = arith.constant 3 : i32
    %dma_start3A_29 = arith.constant 0 : i32
    %dma_start3A_30 = tpu.memref_slice %arg7[%dma_start3A_28, %dma_start3A_29] : memref<10x80xi32, #tpu.memory_space<vmem>> -> memref<1x80xi32, #tpu.memory_space<vmem>>
    %dma_start3A_31 = tpu.memref_squeeze %dma_start3A_30 : memref<1x80xi32, #tpu.memory_space<vmem>> -> memref<80xi32, #tpu.memory_space<vmem>>
    %dma_start3A_32 = arith.constant 0 : i32
    %dma_start3A_33 = arith.constant 0 : i32
    %dma_start3A_34 = tpu.memref_slice %arg2[%dma_start3A_32, %dma_start3A_33] : memref<100000x128xf32, #tpu.memory_space<hbm>> -> memref<100000x128xf32, #tpu.memory_space<hbm>>
    tpu.enqueue_indirect_dma source(%dma_start3A_34 : memref<100000x128xf32, #tpu.memory_space<hbm>>) target(%arg13 : memref<80x128xf32, #tpu.memory_space<vmem>>) offsets(%dma_start3A_31 : memref<80xi32, #tpu.memory_space<vmem>>) semaphore(%arg17 : memref<!tpu.dma_semaphore, #tpu.memory_space<semaphore_mem>>)
    %dma_wait3A = arith.constant 0 : i32
    %dma_wait3A_35 = arith.constant 0 : i32
    %dma_wait3A_36 = tpu.memref_slice %arg7[%dma_wait3A, %dma_wait3A_35] : memref<10x80xi32, #tpu.memory_space<vmem>> -> memref<1x80xi32, #tpu.memory_space<vmem>>
    %dma_wait3A_37 = tpu.memref_squeeze %dma_wait3A_36 : memref<1x80xi32, #tpu.memory_space<vmem>> -> memref<80xi32, #tpu.memory_space<vmem>>
    %dma_wait3A_38 = arith.constant 0 : i32
    %dma_wait3A_39 = arith.constant 0 : i32
    %dma_wait3A_40 = tpu.memref_slice %arg2[%dma_wait3A_38, %dma_wait3A_39] : memref<100000x128xf32, #tpu.memory_space<hbm>> -> memref<100000x128xf32, #tpu.memory_space<hbm>>
    tpu.wait_indirect_dma semaphore(%arg14 : memref<!tpu.dma_semaphore, #tpu.memory_space<semaphore_mem>>) src(%dma_wait3A_40 : memref<100000x128xf32, #tpu.memory_space<hbm>>) dst(%arg10 : memref<80x128xf32, #tpu.memory_space<vmem>>)
    %add3A_41 = arith.constant 0 : i32
    %add3A_42 = arith.addi %mul3A_2, %add3A_41 : i32
    %dma_start3A_43 = arith.constant 0 : i32
    %dma_start3A_44 = tpu.memref_slice %arg5[%add3A_42, %dma_start3A_43] : memref<25600x128xf32, #tpu.memory_space<hbm>> -> memref<80x128xf32, #tpu.memory_space<hbm>>
    %dma_start3A_45 = arith.constant 0 : i32
    %dma_start3A_46 = tpu.memref_slice %arg5[%add3A_42, %dma_start3A_45] : memref<25600x128xf32, #tpu.memory_space<hbm>> -> memref<80x128xf32, #tpu.memory_space<hbm>>
    tpu.enqueue_dma source(%arg10 : memref<80x128xf32, #tpu.memory_space<vmem>>) target(%dma_start3A_46 : memref<80x128xf32, #tpu.memory_space<hbm>>) target_semaphore(%arg18 : memref<!tpu.dma_semaphore, #tpu.memory_space<semaphore_mem>>)
    %dma_wait3A_47 = arith.constant 0 : i32
    %dma_wait3A_48 = tpu.memref_slice %arg5[%add3A_42, %dma_wait3A_47] : memref<25600x128xf32, #tpu.memory_space<hbm>> -> memref<80x128xf32, #tpu.memory_space<hbm>>
    %dma_wait3A_49 = arith.constant 0 : i32
    %dma_wait3A_50 = tpu.memref_slice %arg5[%add3A_42, %dma_wait3A_49] : memref<25600x128xf32, #tpu.memory_space<hbm>> -> memref<80x128xf32, #tpu.memory_space<hbm>>
    tpu.wait_dma2 semaphore(%arg18 : memref<!tpu.dma_semaphore, #tpu.memory_space<semaphore_mem>>) src(%arg10 : memref<80x128xf32, #tpu.memory_space<vmem>>) dst(%dma_wait3A_50 : memref<80x128xf32, #tpu.memory_space<hbm>>)
    %dma_start3A_51 = arith.constant 4 : i32
    %dma_start3A_52 = arith.constant 0 : i32
    %dma_start3A_53 = tpu.memref_slice %arg7[%dma_start3A_51, %dma_start3A_52] : memref<10x80xi32, #tpu.memory_space<vmem>> -> memref<1x80xi32, #tpu.memory_space<vmem>>
    %dma_start3A_54 = tpu.memref_squeeze %dma_start3A_53 : memref<1x80xi32, #tpu.memory_space<vmem>> -> memref<80xi32, #tpu.memory_space<vmem>>
    %dma_start3A_55 = arith.constant 0 : i32
    %dma_start3A_56 = arith.constant 0 : i32
    %dma_start3A_57 = tpu.memref_slice %arg2[%dma_start3A_55, %dma_start3A_56] : memref<100000x128xf32, #tpu.memory_space<hbm>> -> memref<100000x128xf32, #tpu.memory_space<hbm>>
    tpu.enqueue_indirect_dma source(%dma_start3A_57 : memref<100000x128xf32, #tpu.memory_space<hbm>>) target(%arg10 : memref<80x128xf32, #tpu.memory_space<vmem>>) offsets(%dma_start3A_54 : memref<80xi32, #tpu.memory_space<vmem>>) semaphore(%arg14 : memref<!tpu.dma_semaphore, #tpu.memory_space<semaphore_mem>>)
    %dma_wait3A_58 = arith.constant 1 : i32
    %dma_wait3A_59 = arith.constant 0 : i32
    %dma_wait3A_60 = tpu.memref_slice %arg7[%dma_wait3A_58, %dma_wait3A_59] : memref<10x80xi32, #tpu.memory_space<vmem>> -> memref<1x80xi32, #tpu.memory_space<vmem>>
    %dma_wait3A_61 = tpu.memref_squeeze %dma_wait3A_60 : memref<1x80xi32, #tpu.memory_space<vmem>> -> memref<80xi32, #tpu.memory_space<vmem>>
    %dma_wait3A_62 = arith.constant 0 : i32
    %dma_wait3A_63 = arith.constant 0 : i32
    %dma_wait3A_64 = tpu.memref_slice %arg2[%dma_wait3A_62, %dma_wait3A_63] : memref<100000x128xf32, #tpu.memory_space<hbm>> -> memref<100000x128xf32, #tpu.memory_space<hbm>>
    tpu.wait_indirect_dma semaphore(%arg15 : memref<!tpu.dma_semaphore, #tpu.memory_space<semaphore_mem>>) src(%dma_wait3A_64 : memref<100000x128xf32, #tpu.memory_space<hbm>>) dst(%arg11 : memref<80x128xf32, #tpu.memory_space<vmem>>)
    %add3A_65 = arith.constant 80 : i32
    %add3A_66 = arith.addi %mul3A_2, %add3A_65 : i32
    %dma_start3A_67 = arith.constant 0 : i32
    %dma_start3A_68 = tpu.memref_slice %arg5[%add3A_66, %dma_start3A_67] : memref<25600x128xf32, #tpu.memory_space<hbm>> -> memref<80x128xf32, #tpu.memory_space<hbm>>
    %dma_start3A_69 = arith.constant 0 : i32
    %dma_start3A_70 = tpu.memref_slice %arg5[%add3A_66, %dma_start3A_69] : memref<25600x128xf32, #tpu.memory_space<hbm>> -> memref<80x128xf32, #tpu.memory_space<hbm>>
    tpu.enqueue_dma source(%arg11 : memref<80x128xf32, #tpu.memory_space<vmem>>) target(%dma_start3A_70 : memref<80x128xf32, #tpu.memory_space<hbm>>) target_semaphore(%arg19 : memref<!tpu.dma_semaphore, #tpu.memory_space<semaphore_mem>>)
    %dma_wait3A_71 = arith.constant 0 : i32
    %dma_wait3A_72 = tpu.memref_slice %arg5[%add3A_66, %dma_wait3A_71] : memref<25600x128xf32, #tpu.memory_space<hbm>> -> memref<80x128xf32, #tpu.memory_space<hbm>>
    %dma_wait3A_73 = arith.constant 0 : i32
    %dma_wait3A_74 = tpu.memref_slice %arg5[%add3A_66, %dma_wait3A_73] : memref<25600x128xf32, #tpu.memory_space<hbm>> -> memref<80x128xf32, #tpu.memory_space<hbm>>
    tpu.wait_dma2 semaphore(%arg19 : memref<!tpu.dma_semaphore, #tpu.memory_space<semaphore_mem>>) src(%arg11 : memref<80x128xf32, #tpu.memory_space<vmem>>) dst(%dma_wait3A_74 : memref<80x128xf32, #tpu.memory_space<hbm>>)
    %dma_start3A_75 = arith.constant 5 : i32
    %dma_start3A_76 = arith.constant 0 : i32
    %dma_start3A_77 = tpu.memref_slice %arg7[%dma_start3A_75, %dma_start3A_76] : memref<10x80xi32, #tpu.memory_space<vmem>> -> memref<1x80xi32, #tpu.memory_space<vmem>>
    %dma_start3A_78 = tpu.memref_squeeze %dma_start3A_77 : memref<1x80xi32, #tpu.memory_space<vmem>> -> memref<80xi32, #tpu.memory_space<vmem>>
    %dma_start3A_79 = arith.constant 0 : i32
    %dma_start3A_80 = arith.constant 0 : i32
    %dma_start3A_81 = tpu.memref_slice %arg2[%dma_start3A_79, %dma_start3A_80] : memref<100000x128xf32, #tpu.memory_space<hbm>> -> memref<100000x128xf32, #tpu.memory_space<hbm>>
    tpu.enqueue_indirect_dma source(%dma_start3A_81 : memref<100000x128xf32, #tpu.memory_space<hbm>>) target(%arg11 : memref<80x128xf32, #tpu.memory_space<vmem>>) offsets(%dma_start3A_78 : memref<80xi32, #tpu.memory_space<vmem>>) semaphore(%arg15 : memref<!tpu.dma_semaphore, #tpu.memory_space<semaphore_mem>>)
    %dma_wait3A_82 = arith.constant 2 : i32
    %dma_wait3A_83 = arith.constant 0 : i32
    %dma_wait3A_84 = tpu.memref_slice %arg7[%dma_wait3A_82, %dma_wait3A_83] : memref<10x80xi32, #tpu.memory_space<vmem>> -> memref<1x80xi32, #tpu.memory_space<vmem>>
    %dma_wait3A_85 = tpu.memref_squeeze %dma_wait3A_84 : memref<1x80xi32, #tpu.memory_space<vmem>> -> memref<80xi32, #tpu.memory_space<vmem>>
    %dma_wait3A_86 = arith.constant 0 : i32
    %dma_wait3A_87 = arith.constant 0 : i32
    %dma_wait3A_88 = tpu.memref_slice %arg2[%dma_wait3A_86, %dma_wait3A_87] : memref<100000x128xf32, #tpu.memory_space<hbm>> -> memref<100000x128xf32, #tpu.memory_space<hbm>>
    tpu.wait_indirect_dma semaphore(%arg16 : memref<!tpu.dma_semaphore, #tpu.memory_space<semaphore_mem>>) src(%dma_wait3A_88 : memref<100000x128xf32, #tpu.memory_space<hbm>>) dst(%arg12 : memref<80x128xf32, #tpu.memory_space<vmem>>)
    %add3A_89 = arith.constant 160 : i32
    %add3A_90 = arith.addi %mul3A_2, %add3A_89 : i32
    %dma_start3A_91 = arith.constant 0 : i32
    %dma_start3A_92 = tpu.memref_slice %arg5[%add3A_90, %dma_start3A_91] : memref<25600x128xf32, #tpu.memory_space<hbm>> -> memref<80x128xf32, #tpu.memory_space<hbm>>
    %dma_start3A_93 = arith.constant 0 : i32
    %dma_start3A_94 = tpu.memref_slice %arg5[%add3A_90, %dma_start3A_93] : memref<25600x128xf32, #tpu.memory_space<hbm>> -> memref<80x128xf32, #tpu.memory_space<hbm>>
    tpu.enqueue_dma source(%arg12 : memref<80x128xf32, #tpu.memory_space<vmem>>) target(%dma_start3A_94 : memref<80x128xf32, #tpu.memory_space<hbm>>) target_semaphore(%arg20 : memref<!tpu.dma_semaphore, #tpu.memory_space<semaphore_mem>>)
    %dma_wait3A_95 = arith.constant 0 : i32
    %dma_wait3A_96 = tpu.memref_slice %arg5[%add3A_90, %dma_wait3A_95] : memref<25600x128xf32, #tpu.memory_space<hbm>> -> memref<80x128xf32, #tpu.memory_space<hbm>>
    %dma_wait3A_97 = arith.constant 0 : i32
    %dma_wait3A_98 = tpu.memref_slice %arg5[%add3A_90, %dma_wait3A_97] : memref<25600x128xf32, #tpu.memory_space<hbm>> -> memref<80x128xf32, #tpu.memory_space<hbm>>
    tpu.wait_dma2 semaphore(%arg20 : memref<!tpu.dma_semaphore, #tpu.memory_space<semaphore_mem>>) src(%arg12 : memref<80x128xf32, #tpu.memory_space<vmem>>) dst(%dma_wait3A_98 : memref<80x128xf32, #tpu.memory_space<hbm>>)
    %dma_start3A_99 = arith.constant 6 : i32
    %dma_start3A_100 = arith.constant 0 : i32
    %dma_start3A_101 = tpu.memref_slice %arg7[%dma_start3A_99, %dma_start3A_100] : memref<10x80xi32, #tpu.memory_space<vmem>> -> memref<1x80xi32, #tpu.memory_space<vmem>>
    %dma_start3A_102 = tpu.memref_squeeze %dma_start3A_101 : memref<1x80xi32, #tpu.memory_space<vmem>> -> memref<80xi32, #tpu.memory_space<vmem>>
    %dma_start3A_103 = arith.constant 0 : i32
    %dma_start3A_104 = arith.constant 0 : i32
    %dma_start3A_105 = tpu.memref_slice %arg2[%dma_start3A_103, %dma_start3A_104] : memref<100000x128xf32, #tpu.memory_space<hbm>> -> memref<100000x128xf32, #tpu.memory_space<hbm>>
    tpu.enqueue_indirect_dma source(%dma_start3A_105 : memref<100000x128xf32, #tpu.memory_space<hbm>>) target(%arg12 : memref<80x128xf32, #tpu.memory_space<vmem>>) offsets(%dma_start3A_102 : memref<80xi32, #tpu.memory_space<vmem>>) semaphore(%arg16 : memref<!tpu.dma_semaphore, #tpu.memory_space<semaphore_mem>>)
    %dma_wait3A_106 = arith.constant 3 : i32
    %dma_wait3A_107 = arith.constant 0 : i32
    %dma_wait3A_108 = tpu.memref_slice %arg7[%dma_wait3A_106, %dma_wait3A_107] : memref<10x80xi32, #tpu.memory_space<vmem>> -> memref<1x80xi32, #tpu.memory_space<vmem>>
    %dma_wait3A_109 = tpu.memref_squeeze %dma_wait3A_108 : memref<1x80xi32, #tpu.memory_space<vmem>> -> memref<80xi32, #tpu.memory_space<vmem>>
    %dma_wait3A_110 = arith.constant 0 : i32
    %dma_wait3A_111 = arith.constant 0 : i32
    %dma_wait3A_112 = tpu.memref_slice %arg2[%dma_wait3A_110, %dma_wait3A_111] : memref<100000x128xf32, #tpu.memory_space<hbm>> -> memref<100000x128xf32, #tpu.memory_space<hbm>>
    tpu.wait_indirect_dma semaphore(%arg17 : memref<!tpu.dma_semaphore, #tpu.memory_space<semaphore_mem>>) src(%dma_wait3A_112 : memref<100000x128xf32, #tpu.memory_space<hbm>>) dst(%arg13 : memref<80x128xf32, #tpu.memory_space<vmem>>)
    %add3A_113 = arith.constant 240 : i32
    %add3A_114 = arith.addi %mul3A_2, %add3A_113 : i32
    %dma_start3A_115 = arith.constant 0 : i32
    %dma_start3A_116 = tpu.memref_slice %arg5[%add3A_114, %dma_start3A_115] : memref<25600x128xf32, #tpu.memory_space<hbm>> -> memref<80x128xf32, #tpu.memory_space<hbm>>
    %dma_start3A_117 = arith.constant 0 : i32
    %dma_start3A_118 = tpu.memref_slice %arg5[%add3A_114, %dma_start3A_117] : memref<25600x128xf32, #tpu.memory_space<hbm>> -> memref<80x128xf32, #tpu.memory_space<hbm>>
    tpu.enqueue_dma source(%arg13 : memref<80x128xf32, #tpu.memory_space<vmem>>) target(%dma_start3A_118 : memref<80x128xf32, #tpu.memory_space<hbm>>) target_semaphore(%arg21 : memref<!tpu.dma_semaphore, #tpu.memory_space<semaphore_mem>>)
    %dma_wait3A_119 = arith.constant 0 : i32
    %dma_wait3A_120 = tpu.memref_slice %arg5[%add3A_114, %dma_wait3A_119] : memref<25600x128xf32, #tpu.memory_space<hbm>> -> memref<80x128xf32, #tpu.memory_space<hbm>>
    %dma_wait3A_121 = arith.constant 0 : i32
    %dma_wait3A_122 = tpu.memref_slice %arg5[%add3A_114, %dma_wait3A_121] : memref<25600x128xf32, #tpu.memory_space<hbm>> -> memref<80x128xf32, #tpu.memory_space<hbm>>
    tpu.wait_dma2 semaphore(%arg21 : memref<!tpu.dma_semaphore, #tpu.memory_space<semaphore_mem>>) src(%arg13 : memref<80x128xf32, #tpu.memory_space<vmem>>) dst(%dma_wait3A_122 : memref<80x128xf32, #tpu.memory_space<hbm>>)
    %dma_start3A_123 = arith.constant 7 : i32
    %dma_start3A_124 = arith.constant 0 : i32
    %dma_start3A_125 = tpu.memref_slice %arg7[%dma_start3A_123, %dma_start3A_124] : memref<10x80xi32, #tpu.memory_space<vmem>> -> memref<1x80xi32, #tpu.memory_space<vmem>>
    %dma_start3A_126 = tpu.memref_squeeze %dma_start3A_125 : memref<1x80xi32, #tpu.memory_space<vmem>> -> memref<80xi32, #tpu.memory_space<vmem>>
    %dma_start3A_127 = arith.constant 0 : i32
    %dma_start3A_128 = arith.constant 0 : i32
    %dma_start3A_129 = tpu.memref_slice %arg2[%dma_start3A_127, %dma_start3A_128] : memref<100000x128xf32, #tpu.memory_space<hbm>> -> memref<100000x128xf32, #tpu.memory_space<hbm>>
    tpu.enqueue_indirect_dma source(%dma_start3A_129 : memref<100000x128xf32, #tpu.memory_space<hbm>>) target(%arg13 : memref<80x128xf32, #tpu.memory_space<vmem>>) offsets(%dma_start3A_126 : memref<80xi32, #tpu.memory_space<vmem>>) semaphore(%arg17 : memref<!tpu.dma_semaphore, #tpu.memory_space<semaphore_mem>>)
    %dma_wait3A_130 = arith.constant 4 : i32
    %dma_wait3A_131 = arith.constant 0 : i32
    %dma_wait3A_132 = tpu.memref_slice %arg7[%dma_wait3A_130, %dma_wait3A_131] : memref<10x80xi32, #tpu.memory_space<vmem>> -> memref<1x80xi32, #tpu.memory_space<vmem>>
    %dma_wait3A_133 = tpu.memref_squeeze %dma_wait3A_132 : memref<1x80xi32, #tpu.memory_space<vmem>> -> memref<80xi32, #tpu.memory_space<vmem>>
    %dma_wait3A_134 = arith.constant 0 : i32
    %dma_wait3A_135 = arith.constant 0 : i32
    %dma_wait3A_136 = tpu.memref_slice %arg2[%dma_wait3A_134, %dma_wait3A_135] : memref<100000x128xf32, #tpu.memory_space<hbm>> -> memref<100000x128xf32, #tpu.memory_space<hbm>>
    tpu.wait_indirect_dma semaphore(%arg14 : memref<!tpu.dma_semaphore, #tpu.memory_space<semaphore_mem>>) src(%dma_wait3A_136 : memref<100000x128xf32, #tpu.memory_space<hbm>>) dst(%arg10 : memref<80x128xf32, #tpu.memory_space<vmem>>)
    %add3A_137 = arith.constant 320 : i32
    %add3A_138 = arith.addi %mul3A_2, %add3A_137 : i32
    %dma_start3A_139 = arith.constant 0 : i32
    %dma_start3A_140 = tpu.memref_slice %arg5[%add3A_138, %dma_start3A_139] : memref<25600x128xf32, #tpu.memory_space<hbm>> -> memref<80x128xf32, #tpu.memory_space<hbm>>
    %dma_start3A_141 = arith.constant 0 : i32
    %dma_start3A_142 = tpu.memref_slice %arg5[%add3A_138, %dma_start3A_141] : memref<25600x128xf32, #tpu.memory_space<hbm>> -> memref<80x128xf32, #tpu.memory_space<hbm>>
    tpu.enqueue_dma source(%arg10 : memref<80x128xf32, #tpu.memory_space<vmem>>) target(%dma_start3A_142 : memref<80x128xf32, #tpu.memory_space<hbm>>) target_semaphore(%arg18 : memref<!tpu.dma_semaphore, #tpu.memory_space<semaphore_mem>>)
    %dma_wait3A_143 = arith.constant 0 : i32
    %dma_wait3A_144 = tpu.memref_slice %arg5[%add3A_138, %dma_wait3A_143] : memref<25600x128xf32, #tpu.memory_space<hbm>> -> memref<80x128xf32, #tpu.memory_space<hbm>>
    %dma_wait3A_145 = arith.constant 0 : i32
    %dma_wait3A_146 = tpu.memref_slice %arg5[%add3A_138, %dma_wait3A_145] : memref<25600x128xf32, #tpu.memory_space<hbm>> -> memref<80x128xf32, #tpu.memory_space<hbm>>
    tpu.wait_dma2 semaphore(%arg18 : memref<!tpu.dma_semaphore, #tpu.memory_space<semaphore_mem>>) src(%arg10 : memref<80x128xf32, #tpu.memory_space<vmem>>) dst(%dma_wait3A_146 : memref<80x128xf32, #tpu.memory_space<hbm>>)
    %dma_start3A_147 = arith.constant 8 : i32
    %dma_start3A_148 = arith.constant 0 : i32
    %dma_start3A_149 = tpu.memref_slice %arg7[%dma_start3A_147, %dma_start3A_148] : memref<10x80xi32, #tpu.memory_space<vmem>> -> memref<1x80xi32, #tpu.memory_space<vmem>>
    %dma_start3A_150 = tpu.memref_squeeze %dma_start3A_149 : memref<1x80xi32, #tpu.memory_space<vmem>> -> memref<80xi32, #tpu.memory_space<vmem>>
    %dma_start3A_151 = arith.constant 0 : i32
    %dma_start3A_152 = arith.constant 0 : i32
    %dma_start3A_153 = tpu.memref_slice %arg2[%dma_start3A_151, %dma_start3A_152] : memref<100000x128xf32, #tpu.memory_space<hbm>> -> memref<100000x128xf32, #tpu.memory_space<hbm>>
    tpu.enqueue_indirect_dma source(%dma_start3A_153 : memref<100000x128xf32, #tpu.memory_space<hbm>>) target(%arg10 : memref<80x128xf32, #tpu.memory_space<vmem>>) offsets(%dma_start3A_150 : memref<80xi32, #tpu.memory_space<vmem>>) semaphore(%arg14 : memref<!tpu.dma_semaphore, #tpu.memory_space<semaphore_mem>>)
    %dma_wait3A_154 = arith.constant 5 : i32
    %dma_wait3A_155 = arith.constant 0 : i32
    %dma_wait3A_156 = tpu.memref_slice %arg7[%dma_wait3A_154, %dma_wait3A_155] : memref<10x80xi32, #tpu.memory_space<vmem>> -> memref<1x80xi32, #tpu.memory_space<vmem>>
    %dma_wait3A_157 = tpu.memref_squeeze %dma_wait3A_156 : memref<1x80xi32, #tpu.memory_space<vmem>> -> memref<80xi32, #tpu.memory_space<vmem>>
    %dma_wait3A_158 = arith.constant 0 : i32
    %dma_wait3A_159 = arith.constant 0 : i32
    %dma_wait3A_160 = tpu.memref_slice %arg2[%dma_wait3A_158, %dma_wait3A_159] : memref<100000x128xf32, #tpu.memory_space<hbm>> -> memref<100000x128xf32, #tpu.memory_space<hbm>>
    tpu.wait_indirect_dma semaphore(%arg15 : memref<!tpu.dma_semaphore, #tpu.memory_space<semaphore_mem>>) src(%dma_wait3A_160 : memref<100000x128xf32, #tpu.memory_space<hbm>>) dst(%arg11 : memref<80x128xf32, #tpu.memory_space<vmem>>)
    %add3A_161 = arith.constant 400 : i32
    %add3A_162 = arith.addi %mul3A_2, %add3A_161 : i32
    %dma_start3A_163 = arith.constant 0 : i32
    %dma_start3A_164 = tpu.memref_slice %arg5[%add3A_162, %dma_start3A_163] : memref<25600x128xf32, #tpu.memory_space<hbm>> -> memref<80x128xf32, #tpu.memory_space<hbm>>
    %dma_start3A_165 = arith.constant 0 : i32
    %dma_start3A_166 = tpu.memref_slice %arg5[%add3A_162, %dma_start3A_165] : memref<25600x128xf32, #tpu.memory_space<hbm>> -> memref<80x128xf32, #tpu.memory_space<hbm>>
    tpu.enqueue_dma source(%arg11 : memref<80x128xf32, #tpu.memory_space<vmem>>) target(%dma_start3A_166 : memref<80x128xf32, #tpu.memory_space<hbm>>) target_semaphore(%arg19 : memref<!tpu.dma_semaphore, #tpu.memory_space<semaphore_mem>>)
    %dma_wait3A_167 = arith.constant 0 : i32
    %dma_wait3A_168 = tpu.memref_slice %arg5[%add3A_162, %dma_wait3A_167] : memref<25600x128xf32, #tpu.memory_space<hbm>> -> memref<80x128xf32, #tpu.memory_space<hbm>>
    %dma_wait3A_169 = arith.constant 0 : i32
    %dma_wait3A_170 = tpu.memref_slice %arg5[%add3A_162, %dma_wait3A_169] : memref<25600x128xf32, #tpu.memory_space<hbm>> -> memref<80x128xf32, #tpu.memory_space<hbm>>
    tpu.wait_dma2 semaphore(%arg19 : memref<!tpu.dma_semaphore, #tpu.memory_space<semaphore_mem>>) src(%arg11 : memref<80x128xf32, #tpu.memory_space<vmem>>) dst(%dma_wait3A_170 : memref<80x128xf32, #tpu.memory_space<hbm>>)
    %dma_start3A_171 = arith.constant 9 : i32
    %dma_start3A_172 = arith.constant 0 : i32
    %dma_start3A_173 = tpu.memref_slice %arg7[%dma_start3A_171, %dma_start3A_172] : memref<10x80xi32, #tpu.memory_space<vmem>> -> memref<1x80xi32, #tpu.memory_space<vmem>>
    %dma_start3A_174 = tpu.memref_squeeze %dma_start3A_173 : memref<1x80xi32, #tpu.memory_space<vmem>> -> memref<80xi32, #tpu.memory_space<vmem>>
    %dma_start3A_175 = arith.constant 0 : i32
    %dma_start3A_176 = arith.constant 0 : i32
    %dma_start3A_177 = tpu.memref_slice %arg2[%dma_start3A_175, %dma_start3A_176] : memref<100000x128xf32, #tpu.memory_space<hbm>> -> memref<100000x128xf32, #tpu.memory_space<hbm>>
    tpu.enqueue_indirect_dma source(%dma_start3A_177 : memref<100000x128xf32, #tpu.memory_space<hbm>>) target(%arg11 : memref<80x128xf32, #tpu.memory_space<vmem>>) offsets(%dma_start3A_174 : memref<80xi32, #tpu.memory_space<vmem>>) semaphore(%arg15 : memref<!tpu.dma_semaphore, #tpu.memory_space<semaphore_mem>>)
    %dma_wait3A_178 = arith.constant 6 : i32
    %dma_wait3A_179 = arith.constant 0 : i32
    %dma_wait3A_180 = tpu.memref_slice %arg7[%dma_wait3A_178, %dma_wait3A_179] : memref<10x80xi32, #tpu.memory_space<vmem>> -> memref<1x80xi32, #tpu.memory_space<vmem>>
    %dma_wait3A_181 = tpu.memref_squeeze %dma_wait3A_180 : memref<1x80xi32, #tpu.memory_space<vmem>> -> memref<80xi32, #tpu.memory_space<vmem>>
    %dma_wait3A_182 = arith.constant 0 : i32
    %dma_wait3A_183 = arith.constant 0 : i32
    %dma_wait3A_184 = tpu.memref_slice %arg2[%dma_wait3A_182, %dma_wait3A_183] : memref<100000x128xf32, #tpu.memory_space<hbm>> -> memref<100000x128xf32, #tpu.memory_space<hbm>>
    tpu.wait_indirect_dma semaphore(%arg16 : memref<!tpu.dma_semaphore, #tpu.memory_space<semaphore_mem>>) src(%dma_wait3A_184 : memref<100000x128xf32, #tpu.memory_space<hbm>>) dst(%arg12 : memref<80x128xf32, #tpu.memory_space<vmem>>)
    %add3A_185 = arith.constant 480 : i32
    %add3A_186 = arith.addi %mul3A_2, %add3A_185 : i32
    %dma_start3A_187 = arith.constant 0 : i32
    %dma_start3A_188 = tpu.memref_slice %arg5[%add3A_186, %dma_start3A_187] : memref<25600x128xf32, #tpu.memory_space<hbm>> -> memref<80x128xf32, #tpu.memory_space<hbm>>
    %dma_start3A_189 = arith.constant 0 : i32
    %dma_start3A_190 = tpu.memref_slice %arg5[%add3A_186, %dma_start3A_189] : memref<25600x128xf32, #tpu.memory_space<hbm>> -> memref<80x128xf32, #tpu.memory_space<hbm>>
    tpu.enqueue_dma source(%arg12 : memref<80x128xf32, #tpu.memory_space<vmem>>) target(%dma_start3A_190 : memref<80x128xf32, #tpu.memory_space<hbm>>) target_semaphore(%arg20 : memref<!tpu.dma_semaphore, #tpu.memory_space<semaphore_mem>>)
    %dma_wait3A_191 = arith.constant 7 : i32
    %dma_wait3A_192 = arith.constant 0 : i32
    %dma_wait3A_193 = tpu.memref_slice %arg7[%dma_wait3A_191, %dma_wait3A_192] : memref<10x80xi32, #tpu.memory_space<vmem>> -> memref<1x80xi32, #tpu.memory_space<vmem>>
    %dma_wait3A_194 = tpu.memref_squeeze %dma_wait3A_193 : memref<1x80xi32, #tpu.memory_space<vmem>> -> memref<80xi32, #tpu.memory_space<vmem>>
    %dma_wait3A_195 = arith.constant 0 : i32
    %dma_wait3A_196 = arith.constant 0 : i32
    %dma_wait3A_197 = tpu.memref_slice %arg2[%dma_wait3A_195, %dma_wait3A_196] : memref<100000x128xf32, #tpu.memory_space<hbm>> -> memref<100000x128xf32, #tpu.memory_space<hbm>>
    tpu.wait_indirect_dma semaphore(%arg17 : memref<!tpu.dma_semaphore, #tpu.memory_space<semaphore_mem>>) src(%dma_wait3A_197 : memref<100000x128xf32, #tpu.memory_space<hbm>>) dst(%arg13 : memref<80x128xf32, #tpu.memory_space<vmem>>)
    %add3A_198 = arith.constant 560 : i32
    %add3A_199 = arith.addi %mul3A_2, %add3A_198 : i32
    %dma_start3A_200 = arith.constant 0 : i32
    %dma_start3A_201 = tpu.memref_slice %arg5[%add3A_199, %dma_start3A_200] : memref<25600x128xf32, #tpu.memory_space<hbm>> -> memref<80x128xf32, #tpu.memory_space<hbm>>
    %dma_start3A_202 = arith.constant 0 : i32
    %dma_start3A_203 = tpu.memref_slice %arg5[%add3A_199, %dma_start3A_202] : memref<25600x128xf32, #tpu.memory_space<hbm>> -> memref<80x128xf32, #tpu.memory_space<hbm>>
    tpu.enqueue_dma source(%arg13 : memref<80x128xf32, #tpu.memory_space<vmem>>) target(%dma_start3A_203 : memref<80x128xf32, #tpu.memory_space<hbm>>) target_semaphore(%arg21 : memref<!tpu.dma_semaphore, #tpu.memory_space<semaphore_mem>>)
    %dma_wait3A_204 = arith.constant 8 : i32
    %dma_wait3A_205 = arith.constant 0 : i32
    %dma_wait3A_206 = tpu.memref_slice %arg7[%dma_wait3A_204, %dma_wait3A_205] : memref<10x80xi32, #tpu.memory_space<vmem>> -> memref<1x80xi32, #tpu.memory_space<vmem>>
    %dma_wait3A_207 = tpu.memref_squeeze %dma_wait3A_206 : memref<1x80xi32, #tpu.memory_space<vmem>> -> memref<80xi32, #tpu.memory_space<vmem>>
    %dma_wait3A_208 = arith.constant 0 : i32
    %dma_wait3A_209 = arith.constant 0 : i32
    %dma_wait3A_210 = tpu.memref_slice %arg2[%dma_wait3A_208, %dma_wait3A_209] : memref<100000x128xf32, #tpu.memory_space<hbm>> -> memref<100000x128xf32, #tpu.memory_space<hbm>>
    tpu.wait_indirect_dma semaphore(%arg14 : memref<!tpu.dma_semaphore, #tpu.memory_space<semaphore_mem>>) src(%dma_wait3A_210 : memref<100000x128xf32, #tpu.memory_space<hbm>>) dst(%arg10 : memref<80x128xf32, #tpu.memory_space<vmem>>)
    %add3A_211 = arith.constant 640 : i32
    %add3A_212 = arith.addi %mul3A_2, %add3A_211 : i32
    %dma_start3A_213 = arith.constant 0 : i32
    %dma_start3A_214 = tpu.memref_slice %arg5[%add3A_212, %dma_start3A_213] : memref<25600x128xf32, #tpu.memory_space<hbm>> -> memref<80x128xf32, #tpu.memory_space<hbm>>
    %dma_start3A_215 = arith.constant 0 : i32
    %dma_start3A_216 = tpu.memref_slice %arg5[%add3A_212, %dma_start3A_215] : memref<25600x128xf32, #tpu.memory_space<hbm>> -> memref<80x128xf32, #tpu.memory_space<hbm>>
    tpu.enqueue_dma source(%arg10 : memref<80x128xf32, #tpu.memory_space<vmem>>) target(%dma_start3A_216 : memref<80x128xf32, #tpu.memory_space<hbm>>) target_semaphore(%arg18 : memref<!tpu.dma_semaphore, #tpu.memory_space<semaphore_mem>>)
    %dma_wait3A_217 = arith.constant 9 : i32
    %dma_wait3A_218 = arith.constant 0 : i32
    %dma_wait3A_219 = tpu.memref_slice %arg7[%dma_wait3A_217, %dma_wait3A_218] : memref<10x80xi32, #tpu.memory_space<vmem>> -> memref<1x80xi32, #tpu.memory_space<vmem>>
    %dma_wait3A_220 = tpu.memref_squeeze %dma_wait3A_219 : memref<1x80xi32, #tpu.memory_space<vmem>> -> memref<80xi32, #tpu.memory_space<vmem>>
    %dma_wait3A_221 = arith.constant 0 : i32
    %dma_wait3A_222 = arith.constant 0 : i32
    %dma_wait3A_223 = tpu.memref_slice %arg2[%dma_wait3A_221, %dma_wait3A_222] : memref<100000x128xf32, #tpu.memory_space<hbm>> -> memref<100000x128xf32, #tpu.memory_space<hbm>>
    tpu.wait_indirect_dma semaphore(%arg15 : memref<!tpu.dma_semaphore, #tpu.memory_space<semaphore_mem>>) src(%dma_wait3A_223 : memref<100000x128xf32, #tpu.memory_space<hbm>>) dst(%arg11 : memref<80x128xf32, #tpu.memory_space<vmem>>)
    %add3A_224 = arith.constant 720 : i32
    %add3A_225 = arith.addi %mul3A_2, %add3A_224 : i32
    %dma_start3A_226 = arith.constant 0 : i32
    %dma_start3A_227 = tpu.memref_slice %arg5[%add3A_225, %dma_start3A_226] : memref<25600x128xf32, #tpu.memory_space<hbm>> -> memref<80x128xf32, #tpu.memory_space<hbm>>
    %dma_start3A_228 = arith.constant 0 : i32
    %dma_start3A_229 = tpu.memref_slice %arg5[%add3A_225, %dma_start3A_228] : memref<25600x128xf32, #tpu.memory_space<hbm>> -> memref<80x128xf32, #tpu.memory_space<hbm>>
    tpu.enqueue_dma source(%arg11 : memref<80x128xf32, #tpu.memory_space<vmem>>) target(%dma_start3A_229 : memref<80x128xf32, #tpu.memory_space<hbm>>) target_semaphore(%arg19 : memref<!tpu.dma_semaphore, #tpu.memory_space<semaphore_mem>>)
    %dma_wait3A_230 = arith.constant 0 : i32
    %dma_wait3A_231 = arith.constant 0 : i32
    %dma_wait3A_232 = tpu.memref_slice %arg2[%dma_wait3A_230, %dma_wait3A_231] : memref<100000x128xf32, #tpu.memory_space<hbm>> -> memref<100000x128xf32, #tpu.memory_space<hbm>>
    tpu.wait_indirect_dma semaphore(%arg22 : memref<!tpu.dma_semaphore, #tpu.memory_space<semaphore_mem>>) src(%dma_wait3A_232 : memref<100000x128xf32, #tpu.memory_space<hbm>>) dst(%arg9 : memref<8x128xf32, #tpu.memory_space<vmem>>)
    "tpu.region"() ({
      %run_scoped3A = tpu.sem_alloc : memref<!tpu.dma_semaphore, #tpu.memory_space<semaphore_mem>>
      %dma_start3A_249 = arith.constant 0 : i32
      %dma_start3A_250 = tpu.memref_slice %arg6[%mul3A_4, %dma_start3A_249] : memref<256x128xf32, #tpu.memory_space<hbm>> -> memref<8x128xf32, #tpu.memory_space<hbm>>
      %dma_start3A_251 = arith.constant 0 : i32
      %dma_start3A_252 = tpu.memref_slice %arg6[%mul3A_4, %dma_start3A_251] : memref<256x128xf32, #tpu.memory_space<hbm>> -> memref<8x128xf32, #tpu.memory_space<hbm>>
      tpu.enqueue_dma source(%arg9 : memref<8x128xf32, #tpu.memory_space<vmem>>) target(%dma_start3A_252 : memref<8x128xf32, #tpu.memory_space<hbm>>) target_semaphore(%run_scoped3A : memref<!tpu.dma_semaphore, #tpu.memory_space<semaphore_mem>>)
      %dma_wait3A_253 = arith.constant 0 : i32
      %dma_wait3A_254 = tpu.memref_slice %arg6[%mul3A_4, %dma_wait3A_253] : memref<256x128xf32, #tpu.memory_space<hbm>> -> memref<8x128xf32, #tpu.memory_space<hbm>>
      %dma_wait3A_255 = arith.constant 0 : i32
      %dma_wait3A_256 = tpu.memref_slice %arg6[%mul3A_4, %dma_wait3A_255] : memref<256x128xf32, #tpu.memory_space<hbm>> -> memref<8x128xf32, #tpu.memory_space<hbm>>
      tpu.wait_dma2 semaphore(%run_scoped3A : memref<!tpu.dma_semaphore, #tpu.memory_space<semaphore_mem>>) src(%arg9 : memref<8x128xf32, #tpu.memory_space<vmem>>) dst(%dma_wait3A_256 : memref<8x128xf32, #tpu.memory_space<hbm>>)
      tpu.yield
    }) : () -> ()
    %dma_wait3A_233 = arith.constant 0 : i32
    %dma_wait3A_234 = tpu.memref_slice %arg5[%add3A_186, %dma_wait3A_233] : memref<25600x128xf32, #tpu.memory_space<hbm>> -> memref<80x128xf32, #tpu.memory_space<hbm>>
    %dma_wait3A_235 = arith.constant 0 : i32
    %dma_wait3A_236 = tpu.memref_slice %arg5[%add3A_186, %dma_wait3A_235] : memref<25600x128xf32, #tpu.memory_space<hbm>> -> memref<80x128xf32, #tpu.memory_space<hbm>>
    tpu.wait_dma2 semaphore(%arg20 : memref<!tpu.dma_semaphore, #tpu.memory_space<semaphore_mem>>) src(%arg12 : memref<80x128xf32, #tpu.memory_space<vmem>>) dst(%dma_wait3A_236 : memref<80x128xf32, #tpu.memory_space<hbm>>)
    %dma_wait3A_237 = arith.constant 0 : i32
    %dma_wait3A_238 = tpu.memref_slice %arg5[%add3A_199, %dma_wait3A_237] : memref<25600x128xf32, #tpu.memory_space<hbm>> -> memref<80x128xf32, #tpu.memory_space<hbm>>
    %dma_wait3A_239 = arith.constant 0 : i32
    %dma_wait3A_240 = tpu.memref_slice %arg5[%add3A_199, %dma_wait3A_239] : memref<25600x128xf32, #tpu.memory_space<hbm>> -> memref<80x128xf32, #tpu.memory_space<hbm>>
    tpu.wait_dma2 semaphore(%arg21 : memref<!tpu.dma_semaphore, #tpu.memory_space<semaphore_mem>>) src(%arg13 : memref<80x128xf32, #tpu.memory_space<vmem>>) dst(%dma_wait3A_240 : memref<80x128xf32, #tpu.memory_space<hbm>>)
    %dma_wait3A_241 = arith.constant 0 : i32
    %dma_wait3A_242 = tpu.memref_slice %arg5[%add3A_212, %dma_wait3A_241] : memref<25600x128xf32, #tpu.memory_space<hbm>> -> memref<80x128xf32, #tpu.memory_space<hbm>>
    %dma_wait3A_243 = arith.constant 0 : i32
    %dma_wait3A_244 = tpu.memref_slice %arg5[%add3A_212, %dma_wait3A_243] : memref<25600x128xf32, #tpu.memory_space<hbm>> -> memref<80x128xf32, #tpu.memory_space<hbm>>
    tpu.wait_dma2 semaphore(%arg18 : memref<!tpu.dma_semaphore, #tpu.memory_space<semaphore_mem>>) src(%arg10 : memref<80x128xf32, #tpu.memory_space<vmem>>) dst(%dma_wait3A_244 : memref<80x128xf32, #tpu.memory_space<hbm>>)
    %dma_wait3A_245 = arith.constant 0 : i32
    %dma_wait3A_246 = tpu.memref_slice %arg5[%add3A_225, %dma_wait3A_245] : memref<25600x128xf32, #tpu.memory_space<hbm>> -> memref<80x128xf32, #tpu.memory_space<hbm>>
    %dma_wait3A_247 = arith.constant 0 : i32
    %dma_wait3A_248 = tpu.memref_slice %arg5[%add3A_225, %dma_wait3A_247] : memref<25600x128xf32, #tpu.memory_space<hbm>> -> memref<80x128xf32, #tpu.memory_space<hbm>>
    tpu.wait_dma2 semaphore(%arg19 : memref<!tpu.dma_semaphore, #tpu.memory_space<semaphore_mem>>) src(%arg11 : memref<80x128xf32, #tpu.memory_space<vmem>>) dst(%dma_wait3A_248 : memref<80x128xf32, #tpu.memory_space<hbm>>)
    return
  }
}

#map = affine_map<(d0, d1) -> (0, 0)>
#map1 = affine_map<(d0, d1) -> (0, 0, 0)>
module attributes {stable_mosaic.version = 14 : i64} {
  func.func @k(%arg0: i32, %arg1: i32, %arg2: memref<100000x128xf32, #tpu.memory_space<hbm>>, %arg3: memref<32x10x80xi32, #tpu.memory_space<hbm>>, %arg4: memref<32x8xi32, #tpu.memory_space<hbm>>, %arg5: memref<25600x128xf32, #tpu.memory_space<hbm>>, %arg6: memref<256x128xf32, #tpu.memory_space<hbm>>, %arg7: memref<10x80xi32, #tpu.memory_space<vmem>>, %arg8: memref<8xi32, #tpu.memory_space<vmem>>, %arg9: memref<8x128xf32, #tpu.memory_space<vmem>>, %arg10: memref<80x128xf32, #tpu.memory_space<vmem>>, %arg11: memref<80x128xf32, #tpu.memory_space<vmem>>, %arg12: memref<80x128xf32, #tpu.memory_space<vmem>>, %arg13: memref<80x128xf32, #tpu.memory_space<vmem>>, %arg14: memref<!tpu.dma_semaphore, #tpu.memory_space<semaphore_mem>>, %arg15: memref<!tpu.dma_semaphore, #tpu.memory_space<semaphore_mem>>, %arg16: memref<!tpu.dma_semaphore, #tpu.memory_space<semaphore_mem>>, %arg17: memref<!tpu.dma_semaphore, #tpu.memory_space<semaphore_mem>>, %arg18: memref<!tpu.dma_semaphore, #tpu.memory_space<semaphore_mem>>, %arg19: memref<!tpu.dma_semaphore, #tpu.memory_space<semaphore_mem>>, %arg20: memref<!tpu.dma_semaphore, #tpu.memory_space<semaphore_mem>>, %arg21: memref<!tpu.dma_semaphore, #tpu.memory_space<semaphore_mem>>, %arg22: memref<!tpu.dma_semaphore, #tpu.memory_space<semaphore_mem>>) attributes {dimension_semantics = [#tpu.dimension_semantics<core_parallel>, #tpu.dimension_semantics<subcore_parallel>], iteration_bounds = array<i64: 2, 16>, scalar_prefetch = 0 : i64, scratch_operands = 16 : i64, tpu.core_type = #tpu.core_type<sc_vector_subcore>, window_params = [{transform_indices = #map}, {transform_indices = #map1}, {transform_indices = #map}, {transform_indices = #map}, {transform_indices = #map}]} {
    %mul3A = arith.constant 2 : i32
    %mul3A_0 = arith.muli %arg1, %mul3A : i32
    %add3A = arith.addi %mul3A_0, %arg0 : i32
    %mul3A_1 = arith.constant 800 : i32
    %mul3A_2 = arith.muli %add3A, %mul3A_1 : i32
    %mul3A_3 = arith.constant 8 : i32
    %mul3A_4 = arith.muli %add3A, %mul3A_3 : i32
    "tpu.region"() ({
      %run_scoped3A = tpu.sem_alloc : memref<!tpu.dma_semaphore, #tpu.memory_space<semaphore_mem>>
      %dma_start3A_249 = arith.constant 0 : i32
      %dma_start3A_250 = arith.constant 0 : i32
      %dma_start3A_251 = tpu.memref_slice %arg3[%add3A, %dma_start3A_249, %dma_start3A_250] : memref<32x10x80xi32, #tpu.memory_space<hbm>> -> memref<1x10x80xi32, #tpu.memory_space<hbm>>
      %dma_start3A_252 = tpu.memref_squeeze %dma_start3A_251 : memref<1x10x80xi32, #tpu.memory_space<hbm>> -> memref<10x80xi32, #tpu.memory_space<hbm>>
      %dma_start3A_253 = arith.constant 0 : i32
      %dma_start3A_254 = arith.constant 0 : i32
      %dma_start3A_255 = tpu.memref_slice %arg3[%add3A, %dma_start3A_253, %dma_start3A_254] : memref<32x10x80xi32, #tpu.memory_space<hbm>> -> memref<1x10x80xi32, #tpu.memory_space<hbm>>
      %dma_start3A_256 = tpu.memref_squeeze %dma_start3A_255 : memref<1x10x80xi32, #tpu.memory_space<hbm>> -> memref<10x80xi32, #tpu.memory_space<hbm>>
      tpu.enqueue_dma source(%dma_start3A_256 : memref<10x80xi32, #tpu.memory_space<hbm>>) target(%arg7 : memref<10x80xi32, #tpu.memory_space<vmem>>) target_semaphore(%run_scoped3A : memref<!tpu.dma_semaphore, #tpu.memory_space<semaphore_mem>>)
      %dma_wait3A_257 = arith.constant 0 : i32
      %dma_wait3A_258 = arith.constant 0 : i32
      %dma_wait3A_259 = tpu.memref_slice %arg3[%add3A, %dma_wait3A_257, %dma_wait3A_258] : memref<32x10x80xi32, #tpu.memory_space<hbm>> -> memref<1x10x80xi32, #tpu.memory_space<hbm>>
      %dma_wait3A_260 = tpu.memref_squeeze %dma_wait3A_259 : memref<1x10x80xi32, #tpu.memory_space<hbm>> -> memref<10x80xi32, #tpu.memory_space<hbm>>
      %dma_wait3A_261 = arith.constant 0 : i32
      %dma_wait3A_262 = arith.constant 0 : i32
      %dma_wait3A_263 = tpu.memref_slice %arg3[%add3A, %dma_wait3A_261, %dma_wait3A_262] : memref<32x10x80xi32, #tpu.memory_space<hbm>> -> memref<1x10x80xi32, #tpu.memory_space<hbm>>
      %dma_wait3A_264 = tpu.memref_squeeze %dma_wait3A_263 : memref<1x10x80xi32, #tpu.memory_space<hbm>> -> memref<10x80xi32, #tpu.memory_space<hbm>>
      tpu.wait_dma2 semaphore(%run_scoped3A : memref<!tpu.dma_semaphore, #tpu.memory_space<semaphore_mem>>) src(%dma_wait3A_264 : memref<10x80xi32, #tpu.memory_space<hbm>>) dst(%arg7 : memref<10x80xi32, #tpu.memory_space<vmem>>)
      tpu.yield
    }) : () -> ()
    "tpu.region"() ({
      %run_scoped3A = tpu.sem_alloc : memref<!tpu.dma_semaphore, #tpu.memory_space<semaphore_mem>>
      %dma_start3A_249 = arith.constant 0 : i32
      %dma_start3A_250 = tpu.memref_slice %arg4[%add3A, %dma_start3A_249] : memref<32x8xi32, #tpu.memory_space<hbm>> -> memref<1x8xi32, #tpu.memory_space<hbm>>
      %dma_start3A_251 = tpu.memref_squeeze %dma_start3A_250 : memref<1x8xi32, #tpu.memory_space<hbm>> -> memref<8xi32, #tpu.memory_space<hbm>>
      %dma_start3A_252 = arith.constant 0 : i32
      %dma_start3A_253 = tpu.memref_slice %arg4[%add3A, %dma_start3A_252] : memref<32x8xi32, #tpu.memory_space<hbm>> -> memref<1x8xi32, #tpu.memory_space<hbm>>
      %dma_start3A_254 = tpu.memref_squeeze %dma_start3A_253 : memref<1x8xi32, #tpu.memory_space<hbm>> -> memref<8xi32, #tpu.memory_space<hbm>>
      tpu.enqueue_dma source(%dma_start3A_254 : memref<8xi32, #tpu.memory_space<hbm>>) target(%arg8 : memref<8xi32, #tpu.memory_space<vmem>>) target_semaphore(%run_scoped3A : memref<!tpu.dma_semaphore, #tpu.memory_space<semaphore_mem>>)
      %dma_wait3A_255 = arith.constant 0 : i32
      %dma_wait3A_256 = tpu.memref_slice %arg4[%add3A, %dma_wait3A_255] : memref<32x8xi32, #tpu.memory_space<hbm>> -> memref<1x8xi32, #tpu.memory_space<hbm>>
      %dma_wait3A_257 = tpu.memref_squeeze %dma_wait3A_256 : memref<1x8xi32, #tpu.memory_space<hbm>> -> memref<8xi32, #tpu.memory_space<hbm>>
      %dma_wait3A_258 = arith.constant 0 : i32
      %dma_wait3A_259 = tpu.memref_slice %arg4[%add3A, %dma_wait3A_258] : memref<32x8xi32, #tpu.memory_space<hbm>> -> memref<1x8xi32, #tpu.memory_space<hbm>>
      %dma_wait3A_260 = tpu.memref_squeeze %dma_wait3A_259 : memref<1x8xi32, #tpu.memory_space<hbm>> -> memref<8xi32, #tpu.memory_space<hbm>>
      tpu.wait_dma2 semaphore(%run_scoped3A : memref<!tpu.dma_semaphore, #tpu.memory_space<semaphore_mem>>) src(%dma_wait3A_260 : memref<8xi32, #tpu.memory_space<hbm>>) dst(%arg8 : memref<8xi32, #tpu.memory_space<vmem>>)
      tpu.yield
    }) : () -> ()
    %dma_start3A = arith.constant 0 : i32
    %dma_start3A_5 = arith.constant 0 : i32
    %dma_start3A_6 = tpu.memref_slice %arg2[%dma_start3A, %dma_start3A_5] : memref<100000x128xf32, #tpu.memory_space<hbm>> -> memref<100000x128xf32, #tpu.memory_space<hbm>>
    tpu.enqueue_indirect_dma source(%dma_start3A_6 : memref<100000x128xf32, #tpu.memory_space<hbm>>) target(%arg9 : memref<8x128xf32, #tpu.memory_space<vmem>>) offsets(%arg8 : memref<8xi32, #tpu.memory_space<vmem>>) semaphore(%arg22 : memref<!tpu.dma_semaphore, #tpu.memory_space<semaphore_mem>>)
    %dma_start3A_7 = arith.constant 0 : i32
    %dma_start3A_8 = arith.constant 0 : i32
    %dma_start3A_9 = tpu.memref_slice %arg7[%dma_start3A_7, %dma_start3A_8] : memref<10x80xi32, #tpu.memory_space<vmem>> -> memref<1x80xi32, #tpu.memory_space<vmem>>
    %dma_start3A_10 = tpu.memref_squeeze %dma_start3A_9 : memref<1x80xi32, #tpu.memory_space<vmem>> -> memref<80xi32, #tpu.memory_space<vmem>>
    %dma_start3A_11 = arith.constant 0 : i32
    %dma_start3A_12 = arith.constant 0 : i32
    %dma_start3A_13 = tpu.memref_slice %arg2[%dma_start3A_11, %dma_start3A_12] : memref<100000x128xf32, #tpu.memory_space<hbm>> -> memref<100000x128xf32, #tpu.memory_space<hbm>>
    tpu.enqueue_indirect_dma source(%dma_start3A_13 : memref<100000x128xf32, #tpu.memory_space<hbm>>) target(%arg10 : memref<80x128xf32, #tpu.memory_space<vmem>>) offsets(%dma_start3A_10 : memref<80xi32, #tpu.memory_space<vmem>>) semaphore(%arg14 : memref<!tpu.dma_semaphore, #tpu.memory_space<semaphore_mem>>)
    %dma_start3A_14 = arith.constant 1 : i32
    %dma_start3A_15 = arith.constant 0 : i32
    %dma_start3A_16 = tpu.memref_slice %arg7[%dma_start3A_14, %dma_start3A_15] : memref<10x80xi32, #tpu.memory_space<vmem>> -> memref<1x80xi32, #tpu.memory_space<vmem>>
    %dma_start3A_17 = tpu.memref_squeeze %dma_start3A_16 : memref<1x80xi32, #tpu.memory_space<vmem>> -> memref<80xi32, #tpu.memory_space<vmem>>
    %dma_start3A_18 = arith.constant 0 : i32
    %dma_start3A_19 = arith.constant 0 : i32
    %dma_start3A_20 = tpu.memref_slice %arg2[%dma_start3A_18, %dma_start3A_19] : memref<100000x128xf32, #tpu.memory_space<hbm>> -> memref<100000x128xf32, #tpu.memory_space<hbm>>
    tpu.enqueue_indirect_dma source(%dma_start3A_20 : memref<100000x128xf32, #tpu.memory_space<hbm>>) target(%arg11 : memref<80x128xf32, #tpu.memory_space<vmem>>) offsets(%dma_start3A_17 : memref<80xi32, #tpu.memory_space<vmem>>) semaphore(%arg15 : memref<!tpu.dma_semaphore, #tpu.memory_space<semaphore_mem>>)
    %dma_start3A_21 = arith.constant 2 : i32
    %dma_start3A_22 = arith.constant 0 : i32
    %dma_start3A_23 = tpu.memref_slice %arg7[%dma_start3A_21, %dma_start3A_22] : memref<10x80xi32, #tpu.memory_space<vmem>> -> memref<1x80xi32, #tpu.memory_space<vmem>>
    %dma_start3A_24 = tpu.memref_squeeze %dma_start3A_23 : memref<1x80xi32, #tpu.memory_space<vmem>> -> memref<80xi32, #tpu.memory_space<vmem>>
    %dma_start3A_25 = arith.constant 0 : i32
    %dma_start3A_26 = arith.constant 0 : i32
    %dma_start3A_27 = tpu.memref_slice %arg2[%dma_start3A_25, %dma_start3A_26] : memref<100000x128xf32, #tpu.memory_space<hbm>> -> memref<100000x128xf32, #tpu.memory_space<hbm>>
    tpu.enqueue_indirect_dma source(%dma_start3A_27 : memref<100000x128xf32, #tpu.memory_space<hbm>>) target(%arg12 : memref<80x128xf32, #tpu.memory_space<vmem>>) offsets(%dma_start3A_24 : memref<80xi32, #tpu.memory_space<vmem>>) semaphore(%arg16 : memref<!tpu.dma_semaphore, #tpu.memory_space<semaphore_mem>>)
    %dma_start3A_28 = arith.constant 3 : i32
    %dma_start3A_29 = arith.constant 0 : i32
    %dma_start3A_30 = tpu.memref_slice %arg7[%dma_start3A_28, %dma_start3A_29] : memref<10x80xi32, #tpu.memory_space<vmem>> -> memref<1x80xi32, #tpu.memory_space<vmem>>
    %dma_start3A_31 = tpu.memref_squeeze %dma_start3A_30 : memref<1x80xi32, #tpu.memory_space<vmem>> -> memref<80xi32, #tpu.memory_space<vmem>>
    %dma_start3A_32 = arith.constant 0 : i32
    %dma_start3A_33 = arith.constant 0 : i32
    %dma_start3A_34 = tpu.memref_slice %arg2[%dma_start3A_32, %dma_start3A_33] : memref<100000x128xf32, #tpu.memory_space<hbm>> -> memref<100000x128xf32, #tpu.memory_space<hbm>>
    tpu.enqueue_indirect_dma source(%dma_start3A_34 : memref<100000x128xf32, #tpu.memory_space<hbm>>) target(%arg13 : memref<80x128xf32, #tpu.memory_space<vmem>>) offsets(%dma_start3A_31 : memref<80xi32, #tpu.memory_space<vmem>>) semaphore(%arg17 : memref<!tpu.dma_semaphore, #tpu.memory_space<semaphore_mem>>)
    %dma_wait3A = arith.constant 0 : i32
    %dma_wait3A_35 = arith.constant 0 : i32
    %dma_wait3A_36 = tpu.memref_slice %arg7[%dma_wait3A, %dma_wait3A_35] : memref<10x80xi32, #tpu.memory_space<vmem>> -> memref<1x80xi32, #tpu.memory_space<vmem>>
    %dma_wait3A_37 = tpu.memref_squeeze %dma_wait3A_36 : memref<1x80xi32, #tpu.memory_space<vmem>> -> memref<80xi32, #tpu.memory_space<vmem>>
    %dma_wait3A_38 = arith.constant 0 : i32
    %dma_wait3A_39 = arith.constant 0 : i32
    %dma_wait3A_40 = tpu.memref_slice %arg2[%dma_wait3A_38, %dma_wait3A_39] : memref<100000x128xf32, #tpu.memory_space<hbm>> -> memref<100000x128xf32, #tpu.memory_space<hbm>>
    tpu.wait_indirect_dma semaphore(%arg14 : memref<!tpu.dma_semaphore, #tpu.memory_space<semaphore_mem>>) src(%dma_wait3A_40 : memref<100000x128xf32, #tpu.memory_space<hbm>>) dst(%arg10 : memref<80x128xf32, #tpu.memory_space<vmem>>)
    %add3A_41 = arith.constant 0 : i32
    %add3A_42 = arith.addi %mul3A_2, %add3A_41 : i32
    %dma_start3A_43 = arith.constant 0 : i32
    %dma_start3A_44 = tpu.memref_slice %arg5[%add3A_42, %dma_start3A_43] : memref<25600x128xf32, #tpu.memory_space<hbm>> -> memref<80x128xf32, #tpu.memory_space<hbm>>
    %dma_start3A_45 = arith.constant 0 : i32
    %dma_start3A_46 = tpu.memref_slice %arg5[%add3A_42, %dma_start3A_45] : memref<25600x128xf32, #tpu.memory_space<hbm>> -> memref<80x128xf32, #tpu.memory_space<hbm>>
    tpu.enqueue_dma source(%arg10 : memref<80x128xf32, #tpu.memory_space<vmem>>) target(%dma_start3A_46 : memref<80x128xf32, #tpu.memory_space<hbm>>) target_semaphore(%arg18 : memref<!tpu.dma_semaphore, #tpu.memory_space<semaphore_mem>>)
    %dma_wait3A_47 = arith.constant 0 : i32
    %dma_wait3A_48 = tpu.memref_slice %arg5[%add3A_42, %dma_wait3A_47] : memref<25600x128xf32, #tpu.memory_space<hbm>> -> memref<80x128xf32, #tpu.memory_space<hbm>>
    %dma_wait3A_49 = arith.constant 0 : i32
    %dma_wait3A_50 = tpu.memref_slice %arg5[%add3A_42, %dma_wait3A_49] : memref<25600x128xf32, #tpu.memory_space<hbm>> -> memref<80x128xf32, #tpu.memory_space<hbm>>
    tpu.wait_dma2 semaphore(%arg18 : memref<!tpu.dma_semaphore, #tpu.memory_space<semaphore_mem>>) src(%arg10 : memref<80x128xf32, #tpu.memory_space<vmem>>) dst(%dma_wait3A_50 : memref<80x128xf32, #tpu.memory_space<hbm>>)
    %dma_start3A_51 = arith.constant 4 : i32
    %dma_start3A_52 = arith.constant 0 : i32
    %dma_start3A_53 = tpu.memref_slice %arg7[%dma_start3A_51, %dma_start3A_52] : memref<10x80xi32, #tpu.memory_space<vmem>> -> memref<1x80xi32, #tpu.memory_space<vmem>>
    %dma_start3A_54 = tpu.memref_squeeze %dma_start3A_53 : memref<1x80xi32, #tpu.memory_space<vmem>> -> memref<80xi32, #tpu.memory_space<vmem>>
    %dma_start3A_55 = arith.constant 0 : i32
    %dma_start3A_56 = arith.constant 0 : i32
    %dma_start3A_57 = tpu.memref_slice %arg2[%dma_start3A_55, %dma_start3A_56] : memref<100000x128xf32, #tpu.memory_space<hbm>> -> memref<100000x128xf32, #tpu.memory_space<hbm>>
    tpu.enqueue_indirect_dma source(%dma_start3A_57 : memref<100000x128xf32, #tpu.memory_space<hbm>>) target(%arg10 : memref<80x128xf32, #tpu.memory_space<vmem>>) offsets(%dma_start3A_54 : memref<80xi32, #tpu.memory_space<vmem>>) semaphore(%arg14 : memref<!tpu.dma_semaphore, #tpu.memory_space<semaphore_mem>>)
    %dma_wait3A_58 = arith.constant 1 : i32
    %dma_wait3A_59 = arith.constant 0 : i32
    %dma_wait3A_60 = tpu.memref_slice %arg7[%dma_wait3A_58, %dma_wait3A_59] : memref<10x80xi32, #tpu.memory_space<vmem>> -> memref<1x80xi32, #tpu.memory_space<vmem>>
    %dma_wait3A_61 = tpu.memref_squeeze %dma_wait3A_60 : memref<1x80xi32, #tpu.memory_space<vmem>> -> memref<80xi32, #tpu.memory_space<vmem>>
    %dma_wait3A_62 = arith.constant 0 : i32
    %dma_wait3A_63 = arith.constant 0 : i32
    %dma_wait3A_64 = tpu.memref_slice %arg2[%dma_wait3A_62, %dma_wait3A_63] : memref<100000x128xf32, #tpu.memory_space<hbm>> -> memref<100000x128xf32, #tpu.memory_space<hbm>>
    tpu.wait_indirect_dma semaphore(%arg15 : memref<!tpu.dma_semaphore, #tpu.memory_space<semaphore_mem>>) src(%dma_wait3A_64 : memref<100000x128xf32, #tpu.memory_space<hbm>>) dst(%arg11 : memref<80x128xf32, #tpu.memory_space<vmem>>)
    %add3A_65 = arith.constant 80 : i32
    %add3A_66 = arith.addi %mul3A_2, %add3A_65 : i32
    %dma_start3A_67 = arith.constant 0 : i32
    %dma_start3A_68 = tpu.memref_slice %arg5[%add3A_66, %dma_start3A_67] : memref<25600x128xf32, #tpu.memory_space<hbm>> -> memref<80x128xf32, #tpu.memory_space<hbm>>
    %dma_start3A_69 = arith.constant 0 : i32
    %dma_start3A_70 = tpu.memref_slice %arg5[%add3A_66, %dma_start3A_69] : memref<25600x128xf32, #tpu.memory_space<hbm>> -> memref<80x128xf32, #tpu.memory_space<hbm>>
    tpu.enqueue_dma source(%arg11 : memref<80x128xf32, #tpu.memory_space<vmem>>) target(%dma_start3A_70 : memref<80x128xf32, #tpu.memory_space<hbm>>) target_semaphore(%arg19 : memref<!tpu.dma_semaphore, #tpu.memory_space<semaphore_mem>>)
    %dma_wait3A_71 = arith.constant 0 : i32
    %dma_wait3A_72 = tpu.memref_slice %arg5[%add3A_66, %dma_wait3A_71] : memref<25600x128xf32, #tpu.memory_space<hbm>> -> memref<80x128xf32, #tpu.memory_space<hbm>>
    %dma_wait3A_73 = arith.constant 0 : i32
    %dma_wait3A_74 = tpu.memref_slice %arg5[%add3A_66, %dma_wait3A_73] : memref<25600x128xf32, #tpu.memory_space<hbm>> -> memref<80x128xf32, #tpu.memory_space<hbm>>
    tpu.wait_dma2 semaphore(%arg19 : memref<!tpu.dma_semaphore, #tpu.memory_space<semaphore_mem>>) src(%arg11 : memref<80x128xf32, #tpu.memory_space<vmem>>) dst(%dma_wait3A_74 : memref<80x128xf32, #tpu.memory_space<hbm>>)
    %dma_start3A_75 = arith.constant 5 : i32
    %dma_start3A_76 = arith.constant 0 : i32
    %dma_start3A_77 = tpu.memref_slice %arg7[%dma_start3A_75, %dma_start3A_76] : memref<10x80xi32, #tpu.memory_space<vmem>> -> memref<1x80xi32, #tpu.memory_space<vmem>>
    %dma_start3A_78 = tpu.memref_squeeze %dma_start3A_77 : memref<1x80xi32, #tpu.memory_space<vmem>> -> memref<80xi32, #tpu.memory_space<vmem>>
    %dma_start3A_79 = arith.constant 0 : i32
    %dma_start3A_80 = arith.constant 0 : i32
    %dma_start3A_81 = tpu.memref_slice %arg2[%dma_start3A_79, %dma_start3A_80] : memref<100000x128xf32, #tpu.memory_space<hbm>> -> memref<100000x128xf32, #tpu.memory_space<hbm>>
    tpu.enqueue_indirect_dma source(%dma_start3A_81 : memref<100000x128xf32, #tpu.memory_space<hbm>>) target(%arg11 : memref<80x128xf32, #tpu.memory_space<vmem>>) offsets(%dma_start3A_78 : memref<80xi32, #tpu.memory_space<vmem>>) semaphore(%arg15 : memref<!tpu.dma_semaphore, #tpu.memory_space<semaphore_mem>>)
    %dma_wait3A_82 = arith.constant 2 : i32
    %dma_wait3A_83 = arith.constant 0 : i32
    %dma_wait3A_84 = tpu.memref_slice %arg7[%dma_wait3A_82, %dma_wait3A_83] : memref<10x80xi32, #tpu.memory_space<vmem>> -> memref<1x80xi32, #tpu.memory_space<vmem>>
    %dma_wait3A_85 = tpu.memref_squeeze %dma_wait3A_84 : memref<1x80xi32, #tpu.memory_space<vmem>> -> memref<80xi32, #tpu.memory_space<vmem>>
    %dma_wait3A_86 = arith.constant 0 : i32
    %dma_wait3A_87 = arith.constant 0 : i32
    %dma_wait3A_88 = tpu.memref_slice %arg2[%dma_wait3A_86, %dma_wait3A_87] : memref<100000x128xf32, #tpu.memory_space<hbm>> -> memref<100000x128xf32, #tpu.memory_space<hbm>>
    tpu.wait_indirect_dma semaphore(%arg16 : memref<!tpu.dma_semaphore, #tpu.memory_space<semaphore_mem>>) src(%dma_wait3A_88 : memref<100000x128xf32, #tpu.memory_space<hbm>>) dst(%arg12 : memref<80x128xf32, #tpu.memory_space<vmem>>)
    %add3A_89 = arith.constant 160 : i32
    %add3A_90 = arith.addi %mul3A_2, %add3A_89 : i32
    %dma_start3A_91 = arith.constant 0 : i32
    %dma_start3A_92 = tpu.memref_slice %arg5[%add3A_90, %dma_start3A_91] : memref<25600x128xf32, #tpu.memory_space<hbm>> -> memref<80x128xf32, #tpu.memory_space<hbm>>
    %dma_start3A_93 = arith.constant 0 : i32
    %dma_start3A_94 = tpu.memref_slice %arg5[%add3A_90, %dma_start3A_93] : memref<25600x128xf32, #tpu.memory_space<hbm>> -> memref<80x128xf32, #tpu.memory_space<hbm>>
    tpu.enqueue_dma source(%arg12 : memref<80x128xf32, #tpu.memory_space<vmem>>) target(%dma_start3A_94 : memref<80x128xf32, #tpu.memory_space<hbm>>) target_semaphore(%arg20 : memref<!tpu.dma_semaphore, #tpu.memory_space<semaphore_mem>>)
    %dma_wait3A_95 = arith.constant 0 : i32
    %dma_wait3A_96 = tpu.memref_slice %arg5[%add3A_90, %dma_wait3A_95] : memref<25600x128xf32, #tpu.memory_space<hbm>> -> memref<80x128xf32, #tpu.memory_space<hbm>>
    %dma_wait3A_97 = arith.constant 0 : i32
    %dma_wait3A_98 = tpu.memref_slice %arg5[%add3A_90, %dma_wait3A_97] : memref<25600x128xf32, #tpu.memory_space<hbm>> -> memref<80x128xf32, #tpu.memory_space<hbm>>
    tpu.wait_dma2 semaphore(%arg20 : memref<!tpu.dma_semaphore, #tpu.memory_space<semaphore_mem>>) src(%arg12 : memref<80x128xf32, #tpu.memory_space<vmem>>) dst(%dma_wait3A_98 : memref<80x128xf32, #tpu.memory_space<hbm>>)
    %dma_start3A_99 = arith.constant 6 : i32
    %dma_start3A_100 = arith.constant 0 : i32
    %dma_start3A_101 = tpu.memref_slice %arg7[%dma_start3A_99, %dma_start3A_100] : memref<10x80xi32, #tpu.memory_space<vmem>> -> memref<1x80xi32, #tpu.memory_space<vmem>>
    %dma_start3A_102 = tpu.memref_squeeze %dma_start3A_101 : memref<1x80xi32, #tpu.memory_space<vmem>> -> memref<80xi32, #tpu.memory_space<vmem>>
    %dma_start3A_103 = arith.constant 0 : i32
    %dma_start3A_104 = arith.constant 0 : i32
    %dma_start3A_105 = tpu.memref_slice %arg2[%dma_start3A_103, %dma_start3A_104] : memref<100000x128xf32, #tpu.memory_space<hbm>> -> memref<100000x128xf32, #tpu.memory_space<hbm>>
    tpu.enqueue_indirect_dma source(%dma_start3A_105 : memref<100000x128xf32, #tpu.memory_space<hbm>>) target(%arg12 : memref<80x128xf32, #tpu.memory_space<vmem>>) offsets(%dma_start3A_102 : memref<80xi32, #tpu.memory_space<vmem>>) semaphore(%arg16 : memref<!tpu.dma_semaphore, #tpu.memory_space<semaphore_mem>>)
    %dma_wait3A_106 = arith.constant 3 : i32
    %dma_wait3A_107 = arith.constant 0 : i32
    %dma_wait3A_108 = tpu.memref_slice %arg7[%dma_wait3A_106, %dma_wait3A_107] : memref<10x80xi32, #tpu.memory_space<vmem>> -> memref<1x80xi32, #tpu.memory_space<vmem>>
    %dma_wait3A_109 = tpu.memref_squeeze %dma_wait3A_108 : memref<1x80xi32, #tpu.memory_space<vmem>> -> memref<80xi32, #tpu.memory_space<vmem>>
    %dma_wait3A_110 = arith.constant 0 : i32
    %dma_wait3A_111 = arith.constant 0 : i32
    %dma_wait3A_112 = tpu.memref_slice %arg2[%dma_wait3A_110, %dma_wait3A_111] : memref<100000x128xf32, #tpu.memory_space<hbm>> -> memref<100000x128xf32, #tpu.memory_space<hbm>>
    tpu.wait_indirect_dma semaphore(%arg17 : memref<!tpu.dma_semaphore, #tpu.memory_space<semaphore_mem>>) src(%dma_wait3A_112 : memref<100000x128xf32, #tpu.memory_space<hbm>>) dst(%arg13 : memref<80x128xf32, #tpu.memory_space<vmem>>)
    %add3A_113 = arith.constant 240 : i32
    %add3A_114 = arith.addi %mul3A_2, %add3A_113 : i32
    %dma_start3A_115 = arith.constant 0 : i32
    %dma_start3A_116 = tpu.memref_slice %arg5[%add3A_114, %dma_start3A_115] : memref<25600x128xf32, #tpu.memory_space<hbm>> -> memref<80x128xf32, #tpu.memory_space<hbm>>
    %dma_start3A_117 = arith.constant 0 : i32
    %dma_start3A_118 = tpu.memref_slice %arg5[%add3A_114, %dma_start3A_117] : memref<25600x128xf32, #tpu.memory_space<hbm>> -> memref<80x128xf32, #tpu.memory_space<hbm>>
    tpu.enqueue_dma source(%arg13 : memref<80x128xf32, #tpu.memory_space<vmem>>) target(%dma_start3A_118 : memref<80x128xf32, #tpu.memory_space<hbm>>) target_semaphore(%arg21 : memref<!tpu.dma_semaphore, #tpu.memory_space<semaphore_mem>>)
    %dma_wait3A_119 = arith.constant 0 : i32
    %dma_wait3A_120 = tpu.memref_slice %arg5[%add3A_114, %dma_wait3A_119] : memref<25600x128xf32, #tpu.memory_space<hbm>> -> memref<80x128xf32, #tpu.memory_space<hbm>>
    %dma_wait3A_121 = arith.constant 0 : i32
    %dma_wait3A_122 = tpu.memref_slice %arg5[%add3A_114, %dma_wait3A_121] : memref<25600x128xf32, #tpu.memory_space<hbm>> -> memref<80x128xf32, #tpu.memory_space<hbm>>
    tpu.wait_dma2 semaphore(%arg21 : memref<!tpu.dma_semaphore, #tpu.memory_space<semaphore_mem>>) src(%arg13 : memref<80x128xf32, #tpu.memory_space<vmem>>) dst(%dma_wait3A_122 : memref<80x128xf32, #tpu.memory_space<hbm>>)
    %dma_start3A_123 = arith.constant 7 : i32
    %dma_start3A_124 = arith.constant 0 : i32
    %dma_start3A_125 = tpu.memref_slice %arg7[%dma_start3A_123, %dma_start3A_124] : memref<10x80xi32, #tpu.memory_space<vmem>> -> memref<1x80xi32, #tpu.memory_space<vmem>>
    %dma_start3A_126 = tpu.memref_squeeze %dma_start3A_125 : memref<1x80xi32, #tpu.memory_space<vmem>> -> memref<80xi32, #tpu.memory_space<vmem>>
    %dma_start3A_127 = arith.constant 0 : i32
    %dma_start3A_128 = arith.constant 0 : i32
    %dma_start3A_129 = tpu.memref_slice %arg2[%dma_start3A_127, %dma_start3A_128] : memref<100000x128xf32, #tpu.memory_space<hbm>> -> memref<100000x128xf32, #tpu.memory_space<hbm>>
    tpu.enqueue_indirect_dma source(%dma_start3A_129 : memref<100000x128xf32, #tpu.memory_space<hbm>>) target(%arg13 : memref<80x128xf32, #tpu.memory_space<vmem>>) offsets(%dma_start3A_126 : memref<80xi32, #tpu.memory_space<vmem>>) semaphore(%arg17 : memref<!tpu.dma_semaphore, #tpu.memory_space<semaphore_mem>>)
    %dma_wait3A_130 = arith.constant 4 : i32
    %dma_wait3A_131 = arith.constant 0 : i32
    %dma_wait3A_132 = tpu.memref_slice %arg7[%dma_wait3A_130, %dma_wait3A_131] : memref<10x80xi32, #tpu.memory_space<vmem>> -> memref<1x80xi32, #tpu.memory_space<vmem>>
    %dma_wait3A_133 = tpu.memref_squeeze %dma_wait3A_132 : memref<1x80xi32, #tpu.memory_space<vmem>> -> memref<80xi32, #tpu.memory_space<vmem>>
    %dma_wait3A_134 = arith.constant 0 : i32
    %dma_wait3A_135 = arith.constant 0 : i32
    %dma_wait3A_136 = tpu.memref_slice %arg2[%dma_wait3A_134, %dma_wait3A_135] : memref<100000x128xf32, #tpu.memory_space<hbm>> -> memref<100000x128xf32, #tpu.memory_space<hbm>>
    tpu.wait_indirect_dma semaphore(%arg14 : memref<!tpu.dma_semaphore, #tpu.memory_space<semaphore_mem>>) src(%dma_wait3A_136 : memref<100000x128xf32, #tpu.memory_space<hbm>>) dst(%arg10 : memref<80x128xf32, #tpu.memory_space<vmem>>)
    %add3A_137 = arith.constant 320 : i32
    %add3A_138 = arith.addi %mul3A_2, %add3A_137 : i32
    %dma_start3A_139 = arith.constant 0 : i32
    %dma_start3A_140 = tpu.memref_slice %arg5[%add3A_138, %dma_start3A_139] : memref<25600x128xf32, #tpu.memory_space<hbm>> -> memref<80x128xf32, #tpu.memory_space<hbm>>
    %dma_start3A_141 = arith.constant 0 : i32
    %dma_start3A_142 = tpu.memref_slice %arg5[%add3A_138, %dma_start3A_141] : memref<25600x128xf32, #tpu.memory_space<hbm>> -> memref<80x128xf32, #tpu.memory_space<hbm>>
    tpu.enqueue_dma source(%arg10 : memref<80x128xf32, #tpu.memory_space<vmem>>) target(%dma_start3A_142 : memref<80x128xf32, #tpu.memory_space<hbm>>) target_semaphore(%arg18 : memref<!tpu.dma_semaphore, #tpu.memory_space<semaphore_mem>>)
    %dma_wait3A_143 = arith.constant 0 : i32
    %dma_wait3A_144 = tpu.memref_slice %arg5[%add3A_138, %dma_wait3A_143] : memref<25600x128xf32, #tpu.memory_space<hbm>> -> memref<80x128xf32, #tpu.memory_space<hbm>>
    %dma_wait3A_145 = arith.constant 0 : i32
    %dma_wait3A_146 = tpu.memref_slice %arg5[%add3A_138, %dma_wait3A_145] : memref<25600x128xf32, #tpu.memory_space<hbm>> -> memref<80x128xf32, #tpu.memory_space<hbm>>
    tpu.wait_dma2 semaphore(%arg18 : memref<!tpu.dma_semaphore, #tpu.memory_space<semaphore_mem>>) src(%arg10 : memref<80x128xf32, #tpu.memory_space<vmem>>) dst(%dma_wait3A_146 : memref<80x128xf32, #tpu.memory_space<hbm>>)
    %dma_start3A_147 = arith.constant 8 : i32
    %dma_start3A_148 = arith.constant 0 : i32
    %dma_start3A_149 = tpu.memref_slice %arg7[%dma_start3A_147, %dma_start3A_148] : memref<10x80xi32, #tpu.memory_space<vmem>> -> memref<1x80xi32, #tpu.memory_space<vmem>>
    %dma_start3A_150 = tpu.memref_squeeze %dma_start3A_149 : memref<1x80xi32, #tpu.memory_space<vmem>> -> memref<80xi32, #tpu.memory_space<vmem>>
    %dma_start3A_151 = arith.constant 0 : i32
    %dma_start3A_152 = arith.constant 0 : i32
    %dma_start3A_153 = tpu.memref_slice %arg2[%dma_start3A_151, %dma_start3A_152] : memref<100000x128xf32, #tpu.memory_space<hbm>> -> memref<100000x128xf32, #tpu.memory_space<hbm>>
    tpu.enqueue_indirect_dma source(%dma_start3A_153 : memref<100000x128xf32, #tpu.memory_space<hbm>>) target(%arg10 : memref<80x128xf32, #tpu.memory_space<vmem>>) offsets(%dma_start3A_150 : memref<80xi32, #tpu.memory_space<vmem>>) semaphore(%arg14 : memref<!tpu.dma_semaphore, #tpu.memory_space<semaphore_mem>>)
    %dma_wait3A_154 = arith.constant 5 : i32
    %dma_wait3A_155 = arith.constant 0 : i32
    %dma_wait3A_156 = tpu.memref_slice %arg7[%dma_wait3A_154, %dma_wait3A_155] : memref<10x80xi32, #tpu.memory_space<vmem>> -> memref<1x80xi32, #tpu.memory_space<vmem>>
    %dma_wait3A_157 = tpu.memref_squeeze %dma_wait3A_156 : memref<1x80xi32, #tpu.memory_space<vmem>> -> memref<80xi32, #tpu.memory_space<vmem>>
    %dma_wait3A_158 = arith.constant 0 : i32
    %dma_wait3A_159 = arith.constant 0 : i32
    %dma_wait3A_160 = tpu.memref_slice %arg2[%dma_wait3A_158, %dma_wait3A_159] : memref<100000x128xf32, #tpu.memory_space<hbm>> -> memref<100000x128xf32, #tpu.memory_space<hbm>>
    tpu.wait_indirect_dma semaphore(%arg15 : memref<!tpu.dma_semaphore, #tpu.memory_space<semaphore_mem>>) src(%dma_wait3A_160 : memref<100000x128xf32, #tpu.memory_space<hbm>>) dst(%arg11 : memref<80x128xf32, #tpu.memory_space<vmem>>)
    %add3A_161 = arith.constant 400 : i32
    %add3A_162 = arith.addi %mul3A_2, %add3A_161 : i32
    %dma_start3A_163 = arith.constant 0 : i32
    %dma_start3A_164 = tpu.memref_slice %arg5[%add3A_162, %dma_start3A_163] : memref<25600x128xf32, #tpu.memory_space<hbm>> -> memref<80x128xf32, #tpu.memory_space<hbm>>
    %dma_start3A_165 = arith.constant 0 : i32
    %dma_start3A_166 = tpu.memref_slice %arg5[%add3A_162, %dma_start3A_165] : memref<25600x128xf32, #tpu.memory_space<hbm>> -> memref<80x128xf32, #tpu.memory_space<hbm>>
    tpu.enqueue_dma source(%arg11 : memref<80x128xf32, #tpu.memory_space<vmem>>) target(%dma_start3A_166 : memref<80x128xf32, #tpu.memory_space<hbm>>) target_semaphore(%arg19 : memref<!tpu.dma_semaphore, #tpu.memory_space<semaphore_mem>>)
    %dma_wait3A_167 = arith.constant 0 : i32
    %dma_wait3A_168 = tpu.memref_slice %arg5[%add3A_162, %dma_wait3A_167] : memref<25600x128xf32, #tpu.memory_space<hbm>> -> memref<80x128xf32, #tpu.memory_space<hbm>>
    %dma_wait3A_169 = arith.constant 0 : i32
    %dma_wait3A_170 = tpu.memref_slice %arg5[%add3A_162, %dma_wait3A_169] : memref<25600x128xf32, #tpu.memory_space<hbm>> -> memref<80x128xf32, #tpu.memory_space<hbm>>
    tpu.wait_dma2 semaphore(%arg19 : memref<!tpu.dma_semaphore, #tpu.memory_space<semaphore_mem>>) src(%arg11 : memref<80x128xf32, #tpu.memory_space<vmem>>) dst(%dma_wait3A_170 : memref<80x128xf32, #tpu.memory_space<hbm>>)
    %dma_start3A_171 = arith.constant 9 : i32
    %dma_start3A_172 = arith.constant 0 : i32
    %dma_start3A_173 = tpu.memref_slice %arg7[%dma_start3A_171, %dma_start3A_172] : memref<10x80xi32, #tpu.memory_space<vmem>> -> memref<1x80xi32, #tpu.memory_space<vmem>>
    %dma_start3A_174 = tpu.memref_squeeze %dma_start3A_173 : memref<1x80xi32, #tpu.memory_space<vmem>> -> memref<80xi32, #tpu.memory_space<vmem>>
    %dma_start3A_175 = arith.constant 0 : i32
    %dma_start3A_176 = arith.constant 0 : i32
    %dma_start3A_177 = tpu.memref_slice %arg2[%dma_start3A_175, %dma_start3A_176] : memref<100000x128xf32, #tpu.memory_space<hbm>> -> memref<100000x128xf32, #tpu.memory_space<hbm>>
    tpu.enqueue_indirect_dma source(%dma_start3A_177 : memref<100000x128xf32, #tpu.memory_space<hbm>>) target(%arg11 : memref<80x128xf32, #tpu.memory_space<vmem>>) offsets(%dma_start3A_174 : memref<80xi32, #tpu.memory_space<vmem>>) semaphore(%arg15 : memref<!tpu.dma_semaphore, #tpu.memory_space<semaphore_mem>>)
    %dma_wait3A_178 = arith.constant 6 : i32
    %dma_wait3A_179 = arith.constant 0 : i32
    %dma_wait3A_180 = tpu.memref_slice %arg7[%dma_wait3A_178, %dma_wait3A_179] : memref<10x80xi32, #tpu.memory_space<vmem>> -> memref<1x80xi32, #tpu.memory_space<vmem>>
    %dma_wait3A_181 = tpu.memref_squeeze %dma_wait3A_180 : memref<1x80xi32, #tpu.memory_space<vmem>> -> memref<80xi32, #tpu.memory_space<vmem>>
    %dma_wait3A_182 = arith.constant 0 : i32
    %dma_wait3A_183 = arith.constant 0 : i32
    %dma_wait3A_184 = tpu.memref_slice %arg2[%dma_wait3A_182, %dma_wait3A_183] : memref<100000x128xf32, #tpu.memory_space<hbm>> -> memref<100000x128xf32, #tpu.memory_space<hbm>>
    tpu.wait_indirect_dma semaphore(%arg16 : memref<!tpu.dma_semaphore, #tpu.memory_space<semaphore_mem>>) src(%dma_wait3A_184 : memref<100000x128xf32, #tpu.memory_space<hbm>>) dst(%arg12 : memref<80x128xf32, #tpu.memory_space<vmem>>)
    %add3A_185 = arith.constant 480 : i32
    %add3A_186 = arith.addi %mul3A_2, %add3A_185 : i32
    %dma_start3A_187 = arith.constant 0 : i32
    %dma_start3A_188 = tpu.memref_slice %arg5[%add3A_186, %dma_start3A_187] : memref<25600x128xf32, #tpu.memory_space<hbm>> -> memref<80x128xf32, #tpu.memory_space<hbm>>
    %dma_start3A_189 = arith.constant 0 : i32
    %dma_start3A_190 = tpu.memref_slice %arg5[%add3A_186, %dma_start3A_189] : memref<25600x128xf32, #tpu.memory_space<hbm>> -> memref<80x128xf32, #tpu.memory_space<hbm>>
    tpu.enqueue_dma source(%arg12 : memref<80x128xf32, #tpu.memory_space<vmem>>) target(%dma_start3A_190 : memref<80x128xf32, #tpu.memory_space<hbm>>) target_semaphore(%arg20 : memref<!tpu.dma_semaphore, #tpu.memory_space<semaphore_mem>>)
    %dma_wait3A_191 = arith.constant 7 : i32
    %dma_wait3A_192 = arith.constant 0 : i32
    %dma_wait3A_193 = tpu.memref_slice %arg7[%dma_wait3A_191, %dma_wait3A_192] : memref<10x80xi32, #tpu.memory_space<vmem>> -> memref<1x80xi32, #tpu.memory_space<vmem>>
    %dma_wait3A_194 = tpu.memref_squeeze %dma_wait3A_193 : memref<1x80xi32, #tpu.memory_space<vmem>> -> memref<80xi32, #tpu.memory_space<vmem>>
    %dma_wait3A_195 = arith.constant 0 : i32
    %dma_wait3A_196 = arith.constant 0 : i32
    %dma_wait3A_197 = tpu.memref_slice %arg2[%dma_wait3A_195, %dma_wait3A_196] : memref<100000x128xf32, #tpu.memory_space<hbm>> -> memref<100000x128xf32, #tpu.memory_space<hbm>>
    tpu.wait_indirect_dma semaphore(%arg17 : memref<!tpu.dma_semaphore, #tpu.memory_space<semaphore_mem>>) src(%dma_wait3A_197 : memref<100000x128xf32, #tpu.memory_space<hbm>>) dst(%arg13 : memref<80x128xf32, #tpu.memory_space<vmem>>)
    %add3A_198 = arith.constant 560 : i32
    %add3A_199 = arith.addi %mul3A_2, %add3A_198 : i32
    %dma_start3A_200 = arith.constant 0 : i32
    %dma_start3A_201 = tpu.memref_slice %arg5[%add3A_199, %dma_start3A_200] : memref<25600x128xf32, #tpu.memory_space<hbm>> -> memref<80x128xf32, #tpu.memory_space<hbm>>
    %dma_start3A_202 = arith.constant 0 : i32
    %dma_start3A_203 = tpu.memref_slice %arg5[%add3A_199, %dma_start3A_202] : memref<25600x128xf32, #tpu.memory_space<hbm>> -> memref<80x128xf32, #tpu.memory_space<hbm>>
    tpu.enqueue_dma source(%arg13 : memref<80x128xf32, #tpu.memory_space<vmem>>) target(%dma_start3A_203 : memref<80x128xf32, #tpu.memory_space<hbm>>) target_semaphore(%arg21 : memref<!tpu.dma_semaphore, #tpu.memory_space<semaphore_mem>>)
    %dma_wait3A_204 = arith.constant 8 : i32
    %dma_wait3A_205 = arith.constant 0 : i32
    %dma_wait3A_206 = tpu.memref_slice %arg7[%dma_wait3A_204, %dma_wait3A_205] : memref<10x80xi32, #tpu.memory_space<vmem>> -> memref<1x80xi32, #tpu.memory_space<vmem>>
    %dma_wait3A_207 = tpu.memref_squeeze %dma_wait3A_206 : memref<1x80xi32, #tpu.memory_space<vmem>> -> memref<80xi32, #tpu.memory_space<vmem>>
    %dma_wait3A_208 = arith.constant 0 : i32
    %dma_wait3A_209 = arith.constant 0 : i32
    %dma_wait3A_210 = tpu.memref_slice %arg2[%dma_wait3A_208, %dma_wait3A_209] : memref<100000x128xf32, #tpu.memory_space<hbm>> -> memref<100000x128xf32, #tpu.memory_space<hbm>>
    tpu.wait_indirect_dma semaphore(%arg14 : memref<!tpu.dma_semaphore, #tpu.memory_space<semaphore_mem>>) src(%dma_wait3A_210 : memref<100000x128xf32, #tpu.memory_space<hbm>>) dst(%arg10 : memref<80x128xf32, #tpu.memory_space<vmem>>)
    %add3A_211 = arith.constant 640 : i32
    %add3A_212 = arith.addi %mul3A_2, %add3A_211 : i32
    %dma_start3A_213 = arith.constant 0 : i32
    %dma_start3A_214 = tpu.memref_slice %arg5[%add3A_212, %dma_start3A_213] : memref<25600x128xf32, #tpu.memory_space<hbm>> -> memref<80x128xf32, #tpu.memory_space<hbm>>
    %dma_start3A_215 = arith.constant 0 : i32
    %dma_start3A_216 = tpu.memref_slice %arg5[%add3A_212, %dma_start3A_215] : memref<25600x128xf32, #tpu.memory_space<hbm>> -> memref<80x128xf32, #tpu.memory_space<hbm>>
    tpu.enqueue_dma source(%arg10 : memref<80x128xf32, #tpu.memory_space<vmem>>) target(%dma_start3A_216 : memref<80x128xf32, #tpu.memory_space<hbm>>) target_semaphore(%arg18 : memref<!tpu.dma_semaphore, #tpu.memory_space<semaphore_mem>>)
    %dma_wait3A_217 = arith.constant 9 : i32
    %dma_wait3A_218 = arith.constant 0 : i32
    %dma_wait3A_219 = tpu.memref_slice %arg7[%dma_wait3A_217, %dma_wait3A_218] : memref<10x80xi32, #tpu.memory_space<vmem>> -> memref<1x80xi32, #tpu.memory_space<vmem>>
    %dma_wait3A_220 = tpu.memref_squeeze %dma_wait3A_219 : memref<1x80xi32, #tpu.memory_space<vmem>> -> memref<80xi32, #tpu.memory_space<vmem>>
    %dma_wait3A_221 = arith.constant 0 : i32
    %dma_wait3A_222 = arith.constant 0 : i32
    %dma_wait3A_223 = tpu.memref_slice %arg2[%dma_wait3A_221, %dma_wait3A_222] : memref<100000x128xf32, #tpu.memory_space<hbm>> -> memref<100000x128xf32, #tpu.memory_space<hbm>>
    tpu.wait_indirect_dma semaphore(%arg15 : memref<!tpu.dma_semaphore, #tpu.memory_space<semaphore_mem>>) src(%dma_wait3A_223 : memref<100000x128xf32, #tpu.memory_space<hbm>>) dst(%arg11 : memref<80x128xf32, #tpu.memory_space<vmem>>)
    %add3A_224 = arith.constant 720 : i32
    %add3A_225 = arith.addi %mul3A_2, %add3A_224 : i32
    %dma_start3A_226 = arith.constant 0 : i32
    %dma_start3A_227 = tpu.memref_slice %arg5[%add3A_225, %dma_start3A_226] : memref<25600x128xf32, #tpu.memory_space<hbm>> -> memref<80x128xf32, #tpu.memory_space<hbm>>
    %dma_start3A_228 = arith.constant 0 : i32
    %dma_start3A_229 = tpu.memref_slice %arg5[%add3A_225, %dma_start3A_228] : memref<25600x128xf32, #tpu.memory_space<hbm>> -> memref<80x128xf32, #tpu.memory_space<hbm>>
    tpu.enqueue_dma source(%arg11 : memref<80x128xf32, #tpu.memory_space<vmem>>) target(%dma_start3A_229 : memref<80x128xf32, #tpu.memory_space<hbm>>) target_semaphore(%arg19 : memref<!tpu.dma_semaphore, #tpu.memory_space<semaphore_mem>>)
    %dma_wait3A_230 = arith.constant 0 : i32
    %dma_wait3A_231 = arith.constant 0 : i32
    %dma_wait3A_232 = tpu.memref_slice %arg2[%dma_wait3A_230, %dma_wait3A_231] : memref<100000x128xf32, #tpu.memory_space<hbm>> -> memref<100000x128xf32, #tpu.memory_space<hbm>>
    tpu.wait_indirect_dma semaphore(%arg22 : memref<!tpu.dma_semaphore, #tpu.memory_space<semaphore_mem>>) src(%dma_wait3A_232 : memref<100000x128xf32, #tpu.memory_space<hbm>>) dst(%arg9 : memref<8x128xf32, #tpu.memory_space<vmem>>)
    "tpu.region"() ({
      %run_scoped3A = tpu.sem_alloc : memref<!tpu.dma_semaphore, #tpu.memory_space<semaphore_mem>>
      %dma_start3A_249 = arith.constant 0 : i32
      %dma_start3A_250 = tpu.memref_slice %arg6[%mul3A_4, %dma_start3A_249] : memref<256x128xf32, #tpu.memory_space<hbm>> -> memref<8x128xf32, #tpu.memory_space<hbm>>
      %dma_start3A_251 = arith.constant 0 : i32
      %dma_start3A_252 = tpu.memref_slice %arg6[%mul3A_4, %dma_start3A_251] : memref<256x128xf32, #tpu.memory_space<hbm>> -> memref<8x128xf32, #tpu.memory_space<hbm>>
      tpu.enqueue_dma source(%arg9 : memref<8x128xf32, #tpu.memory_space<vmem>>) target(%dma_start3A_252 : memref<8x128xf32, #tpu.memory_space<hbm>>) target_semaphore(%run_scoped3A : memref<!tpu.dma_semaphore, #tpu.memory_space<semaphore_mem>>)
      %dma_wait3A_253 = arith.constant 0 : i32
      %dma_wait3A_254 = tpu.memref_slice %arg6[%mul3A_4, %dma_wait3A_253] : memref<256x128xf32, #tpu.memory_space<hbm>> -> memref<8x128xf32, #tpu.memory_space<hbm>>
      %dma_wait3A_255 = arith.constant 0 : i32
      %dma_wait3A_256 = tpu.memref_slice %arg6[%mul3A_4, %dma_wait3A_255] : memref<256x128xf32, #tpu.memory_space<hbm>> -> memref<8x128xf32, #tpu.memory_space<hbm>>
      tpu.wait_dma2 semaphore(%run_scoped3A : memref<!tpu.dma_semaphore, #tpu.memory_space<semaphore_mem>>) src(%arg9 : memref<8x128xf32, #tpu.memory_space<vmem>>) dst(%dma_wait3A_256 : memref<8x128xf32, #tpu.memory_space<hbm>>)
      tpu.yield
    }) : () -> ()
    %dma_wait3A_233 = arith.constant 0 : i32
    %dma_wait3A_234 = tpu.memref_slice %arg5[%add3A_186, %dma_wait3A_233] : memref<25600x128xf32, #tpu.memory_space<hbm>> -> memref<80x128xf32, #tpu.memory_space<hbm>>
    %dma_wait3A_235 = arith.constant 0 : i32
    %dma_wait3A_236 = tpu.memref_slice %arg5[%add3A_186, %dma_wait3A_235] : memref<25600x128xf32, #tpu.memory_space<hbm>> -> memref<80x128xf32, #tpu.memory_space<hbm>>
    tpu.wait_dma2 semaphore(%arg20 : memref<!tpu.dma_semaphore, #tpu.memory_space<semaphore_mem>>) src(%arg12 : memref<80x128xf32, #tpu.memory_space<vmem>>) dst(%dma_wait3A_236 : memref<80x128xf32, #tpu.memory_space<hbm>>)
    %dma_wait3A_237 = arith.constant 0 : i32
    %dma_wait3A_238 = tpu.memref_slice %arg5[%add3A_199, %dma_wait3A_237] : memref<25600x128xf32, #tpu.memory_space<hbm>> -> memref<80x128xf32, #tpu.memory_space<hbm>>
    %dma_wait3A_239 = arith.constant 0 : i32
    %dma_wait3A_240 = tpu.memref_slice %arg5[%add3A_199, %dma_wait3A_239] : memref<25600x128xf32, #tpu.memory_space<hbm>> -> memref<80x128xf32, #tpu.memory_space<hbm>>
    tpu.wait_dma2 semaphore(%arg21 : memref<!tpu.dma_semaphore, #tpu.memory_space<semaphore_mem>>) src(%arg13 : memref<80x128xf32, #tpu.memory_space<vmem>>) dst(%dma_wait3A_240 : memref<80x128xf32, #tpu.memory_space<hbm>>)
    %dma_wait3A_241 = arith.constant 0 : i32
    %dma_wait3A_242 = tpu.memref_slice %arg5[%add3A_212, %dma_wait3A_241] : memref<25600x128xf32, #tpu.memory_space<hbm>> -> memref<80x128xf32, #tpu.memory_space<hbm>>
    %dma_wait3A_243 = arith.constant 0 : i32
    %dma_wait3A_244 = tpu.memref_slice %arg5[%add3A_212, %dma_wait3A_243] : memref<25600x128xf32, #tpu.memory_space<hbm>> -> memref<80x128xf32, #tpu.memory_space<hbm>>
    tpu.wait_dma2 semaphore(%arg18 : memref<!tpu.dma_semaphore, #tpu.memory_space<semaphore_mem>>) src(%arg10 : memref<80x128xf32, #tpu.memory_space<vmem>>) dst(%dma_wait3A_244 : memref<80x128xf32, #tpu.memory_space<hbm>>)
    %dma_wait3A_245 = arith.constant 0 : i32
    %dma_wait3A_246 = tpu.memref_slice %arg5[%add3A_225, %dma_wait3A_245] : memref<25600x128xf32, #tpu.memory_space<hbm>> -> memref<80x128xf32, #tpu.memory_space<hbm>>
    %dma_wait3A_247 = arith.constant 0 : i32
    %dma_wait3A_248 = tpu.memref_slice %arg5[%add3A_225, %dma_wait3A_247] : memref<25600x128xf32, #tpu.memory_space<hbm>> -> memref<80x128xf32, #tpu.memory_space<hbm>>
    tpu.wait_dma2 semaphore(%arg19 : memref<!tpu.dma_semaphore, #tpu.memory_space<semaphore_mem>>) src(%arg11 : memref<80x128xf32, #tpu.memory_space<vmem>>) dst(%dma_wait3A_248 : memref<80x128xf32, #tpu.memory_space<hbm>>)
    return
  }
}

module attributes {stable_mosaic.version = 14 : i64} {
  func.func @_tc_body(%arg0: i32, %arg1: memref<8x1600x128xf32, #tpu.memory_space<vmem>>, %arg2: memref<8x16x128xf32, #tpu.memory_space<vmem>>, %arg3: memref<1x128xf32, #tpu.memory_space<vmem>>, %arg4: memref<1600x8xbf16, #tpu.memory_space<vmem>>, %arg5: memref<16xf32, #tpu.memory_space<smem>>, %arg6: memref<8x1x8xf32, #tpu.memory_space<vmem>>) attributes {dimension_semantics = [#tpu.dimension_semantics<arbitrary>], iteration_bounds = array<i64: 2>, scalar_prefetch = 0 : i64, scratch_operands = 0 : i64, tpu.core_type = #tpu.core_type<tc>, window_params = [{transform_indices = @transform_0, window_bounds = array<i64: 8, 1600, 128>}, {transform_indices = @transform_1, window_bounds = array<i64: 8, 16, 128>}, {pipeline_mode = #tpu.pipeline_mode<synchronous>, transform_indices = @transform_2, window_bounds = array<i64: 1, 128>}, {pipeline_mode = #tpu.pipeline_mode<synchronous>, transform_indices = @transform_3, window_bounds = array<i64: 1600, 8>}, {transform_indices = @transform_4, window_bounds = array<i64: 16>}, {transform_indices = @transform_5, window_bounds = array<i64: 8, 1, 8>}]} {
    %get3A = arith.constant 0 : index
    %get3A_0 = arith.constant 0 : index
    %get3A_1 = arith.constant 0 : index
    %get3A_2 = vector.load %arg1[%get3A, %get3A_0, %get3A_1] : memref<8x1600x128xf32, #tpu.memory_space<vmem>>, vector<1x1600x128xf32>
    %get3A_3 = vector.shape_cast %get3A_2 : vector<1x1600x128xf32> to vector<1600x128xf32>
    %get3A_4 = arith.constant 0 : index
    %get3A_5 = arith.constant 0 : index
    %get3A_6 = arith.constant 0 : index
    %get3A_7 = vector.load %arg2[%get3A_4, %get3A_5, %get3A_6] : memref<8x16x128xf32, #tpu.memory_space<vmem>>, vector<1x16x128xf32>
    %get3A_8 = vector.shape_cast %get3A_7 : vector<1x16x128xf32> to vector<16x128xf32>
    %get3A_9 = arith.constant 0 : index
    %get3A_10 = arith.constant 0 : index
    %get3A_11 = vector.load %arg3[%get3A_9, %get3A_10] : memref<1x128xf32, #tpu.memory_space<vmem>>, vector<1x128xf32>
    %mul3A = vector.broadcast %get3A_11 : vector<1x128xf32> to vector<16x128xf32>
    %mul3A_12 = arith.mulf %get3A_8, %mul3A : vector<16x128xf32>
    %reduce_sum3A = arith.constant dense<0.000000e+00> : vector<16xf32>
    %reduce_sum3A_13 = vector.multi_reduction <add>, %mul3A_12, %reduce_sum3A [1] : vector<16x128xf32> to vector<16xf32>
    %broadcast_in_dim3A = vector.shape_cast %reduce_sum3A_13 : vector<16xf32> to vector<16x1xf32>
    %get3A_14 = arith.constant 5 : index
    %get3A_15 = memref.load %arg5[%get3A_14] : memref<16xf32, #tpu.memory_space<smem>>
    %add3A = vector.broadcast %get3A_15 : f32 to vector<16x1xf32>
    %add3A_16 = arith.addf %broadcast_in_dim3A, %add3A : vector<16x1xf32>
    %iota3A = tpu.iota {dimensions = array<i32: 0>} : vector<16x1xi32>
    %lt3A = arith.constant 10 : i32
    %lt3A_17 = vector.broadcast %lt3A : i32 to vector<16x1xi32>
    %lt3A_18 = arith.cmpi slt, %iota3A, %lt3A_17 : vector<16x1xi32>
    %jit3A = arith.constant 0xFF800000 : f32
    %broadcast_in_dim3A_19 = vector.broadcast %jit3A : f32 to vector<16x1xf32>
    %select_n3A = arith.select %lt3A_18, %add3A_16, %broadcast_in_dim3A_19 : vector<16x1xi1>, vector<16x1xf32>
    %reduce_max3A = arith.constant dense<0xFF800000> : vector<1xf32>
    %reduce_max3A_20 = vector.multi_reduction <maximumf>, %select_n3A, %reduce_max3A [0] : vector<16x1xf32> to vector<1xf32>
    %broadcast_in_dim3A_21 = vector.shape_cast %reduce_max3A_20 : vector<1xf32> to vector<1x1xf32>
    %sub3A = vector.broadcast %broadcast_in_dim3A_21 : vector<1x1xf32> to vector<16x1xf32>
    %sub3A_22 = arith.subf %select_n3A, %sub3A : vector<16x1xf32>
    %exp3A = math.exp %sub3A_22 : vector<16x1xf32>
    %reduce_sum3A_23 = arith.constant dense<0.000000e+00> : vector<1xf32>
    %reduce_sum3A_24 = vector.multi_reduction <add>, %exp3A, %reduce_sum3A_23 [0] : vector<16x1xf32> to vector<1xf32>
    %broadcast_in_dim3A_25 = vector.shape_cast %reduce_sum3A_24 : vector<1xf32> to vector<1x1xf32>
    %div3A = vector.broadcast %broadcast_in_dim3A_25 : vector<1x1xf32> to vector<16x1xf32>
    %div3A_26 = arith.divf %exp3A, %div3A : vector<16x1xf32>
    %mul3A_27 = arith.mulf %get3A_8, %get3A_8 : vector<16x128xf32>
    %reduce_sum3A_28 = arith.constant dense<0.000000e+00> : vector<16xf32>
    %reduce_sum3A_29 = vector.multi_reduction <add>, %mul3A_27, %reduce_sum3A_28 [1] : vector<16x128xf32> to vector<16xf32>
    %broadcast_in_dim3A_30 = vector.shape_cast %reduce_sum3A_29 : vector<16xf32> to vector<16x1xf32>
    %sqrt3A = math.sqrt %broadcast_in_dim3A_30 : vector<16x1xf32>
    %max3A = arith.constant 9.99999993E-9 : f32
    %max3A_31 = vector.broadcast %max3A : f32 to vector<16x1xf32>
    %max3A_32 = arith.maximumf %sqrt3A, %max3A_31 : vector<16x1xf32>
    %div3A_33 = vector.broadcast %max3A_32 : vector<16x1xf32> to vector<16x128xf32>
    %div3A_34 = arith.divf %get3A_8, %div3A_33 : vector<16x128xf32>
    %mul3A_35 = arith.mulf %get3A_3, %get3A_3 : vector<1600x128xf32>
    %reduce_sum3A_36 = arith.constant dense<0.000000e+00> : vector<1600xf32>
    %reduce_sum3A_37 = vector.multi_reduction <add>, %mul3A_35, %reduce_sum3A_36 [1] : vector<1600x128xf32> to vector<1600xf32>
    %broadcast_in_dim3A_38 = vector.shape_cast %reduce_sum3A_37 : vector<1600xf32> to vector<1600x1xf32>
    %sqrt3A_39 = math.sqrt %broadcast_in_dim3A_38 : vector<1600x1xf32>
    %max3A_40 = arith.constant 9.99999993E-9 : f32
    %max3A_41 = vector.broadcast %max3A_40 : f32 to vector<1600x1xf32>
    %max3A_42 = arith.maximumf %sqrt3A_39, %max3A_41 : vector<1600x1xf32>
    %div3A_43 = vector.broadcast %max3A_42 : vector<1600x1xf32> to vector<1600x128xf32>
    %div3A_44 = arith.divf %get3A_3, %div3A_43 : vector<1600x128xf32>
    %dot_general3A = arith.constant dense<0.000000e+00> : vector<16x1600xf32>
    %dot_general3A_45 = tpu.matmul %div3A_34, %div3A_44, %dot_general3A {dimension_numbers = #tpu.dot_dimension_numbers<[1], [1], [0], [0], [0, 0, 1, 0], [], []>, transpose_lhs_hint = false} : vector<16x128xf32>, vector<1600x128xf32>, vector<16x1600xf32> -> vector<16x1600xf32>
    %ge3A = arith.constant -5.000000e-01 : f32
    %ge3A_46 = vector.broadcast %ge3A : f32 to vector<16x1600xf32>
    %ge3A_47 = arith.cmpf oge, %dot_general3A_45, %ge3A_46 : vector<16x1600xf32>
    %convert_element_type3A = arith.extui %ge3A_47 : vector<16x1600xi1> to vector<16x1600xi32>
    %convert_element_type3A_48 = arith.sitofp %convert_element_type3A : vector<16x1600xi32> to vector<16x1600xf32>
    %convert_element_type3A_49 = arith.truncf %convert_element_type3A_48 : vector<16x1600xf32> to vector<16x1600xbf16>
    %ge3A_50 = arith.constant 0.000000e+00 : f32
    %ge3A_51 = vector.broadcast %ge3A_50 : f32 to vector<16x1600xf32>
    %ge3A_52 = arith.cmpf oge, %dot_general3A_45, %ge3A_51 : vector<16x1600xf32>
    %convert_element_type3A_53 = arith.extui %ge3A_52 : vector<16x1600xi1> to vector<16x1600xi32>
    %convert_element_type3A_54 = arith.sitofp %convert_element_type3A_53 : vector<16x1600xi32> to vector<16x1600xf32>
    %convert_element_type3A_55 = arith.truncf %convert_element_type3A_54 : vector<16x1600xf32> to vector<16x1600xbf16>
    %ge3A_56 = arith.constant 5.000000e-01 : f32
    %ge3A_57 = vector.broadcast %ge3A_56 : f32 to vector<16x1600xf32>
    %ge3A_58 = arith.cmpf oge, %dot_general3A_45, %ge3A_57 : vector<16x1600xf32>
    %convert_element_type3A_59 = arith.extui %ge3A_58 : vector<16x1600xi1> to vector<16x1600xi32>
    %convert_element_type3A_60 = arith.sitofp %convert_element_type3A_59 : vector<16x1600xi32> to vector<16x1600xf32>
    %convert_element_type3A_61 = arith.truncf %convert_element_type3A_60 : vector<16x1600xf32> to vector<16x1600xbf16>
    %ge3A_62 = arith.constant 1.000000e+00 : f32
    %ge3A_63 = vector.broadcast %ge3A_62 : f32 to vector<16x1600xf32>
    %ge3A_64 = arith.cmpf oge, %dot_general3A_45, %ge3A_63 : vector<16x1600xf32>
    %convert_element_type3A_65 = arith.extui %ge3A_64 : vector<16x1600xi1> to vector<16x1600xi32>
    %convert_element_type3A_66 = arith.sitofp %convert_element_type3A_65 : vector<16x1600xi32> to vector<16x1600xf32>
    %convert_element_type3A_67 = arith.truncf %convert_element_type3A_66 : vector<16x1600xf32> to vector<16x1600xbf16>
    %concatenate3A = tpu.concatenate %convert_element_type3A_49, %convert_element_type3A_55, %convert_element_type3A_61, %convert_element_type3A_67 in 0 : vector<16x1600xbf16>, vector<16x1600xbf16>, vector<16x1600xbf16>, vector<16x1600xbf16> -> vector<64x1600xbf16>
    %get3A_68 = arith.constant 0 : index
    %get3A_69 = arith.constant 0 : index
    %get3A_70 = vector.load %arg4[%get3A_68, %get3A_69] : memref<1600x8xbf16, #tpu.memory_space<vmem>>, vector<1600x8xbf16>
    %dot_general3A_71 = arith.constant dense<0.000000e+00> : vector<64x8xf32>
    %dot_general3A_72 = tpu.matmul %concatenate3A, %get3A_70, %dot_general3A_71 {dimension_numbers = #tpu.dot_dimension_numbers<[1], [0], [0], [1], [0, 0, 1, 1], [], []>, transpose_lhs_hint = false} : vector<64x1600xbf16>, vector<1600x8xbf16>, vector<64x8xf32> -> vector<64x8xf32>
    %slice3A = vector.extract_strided_slice %dot_general3A_72 {offsets = [0, 0], sizes = [16, 8], strides = [1, 1]} : vector<64x8xf32> to vector<16x8xf32>
    %slice3A_73 = vector.extract_strided_slice %dot_general3A_72 {offsets = [16, 0], sizes = [16, 8], strides = [1, 1]} : vector<64x8xf32> to vector<16x8xf32>
    %slice3A_74 = vector.extract_strided_slice %dot_general3A_72 {offsets = [32, 0], sizes = [16, 8], strides = [1, 1]} : vector<64x8xf32> to vector<16x8xf32>
    %slice3A_75 = vector.extract_strided_slice %dot_general3A_72 {offsets = [48, 0], sizes = [16, 8], strides = [1, 1]} : vector<64x8xf32> to vector<16x8xf32>
    %sub3A_76 = arith.constant 2.000000e+02 : f32
    %sub3A_77 = vector.broadcast %sub3A_76 : f32 to vector<16x8xf32>
    %sub3A_78 = arith.subf %sub3A_77, %slice3A : vector<16x8xf32>
    %get3A_79 = arith.constant 0 : index
    %get3A_80 = memref.load %arg5[%get3A_79] : memref<16xf32, #tpu.memory_space<smem>>
    %mul3A_81 = vector.broadcast %get3A_80 : f32 to vector<16x8xf32>
    %mul3A_82 = arith.mulf %sub3A_78, %mul3A_81 : vector<16x8xf32>
    %sub3A_83 = arith.subf %slice3A, %slice3A_73 : vector<16x8xf32>
    %get3A_84 = arith.constant 1 : index
    %get3A_85 = memref.load %arg5[%get3A_84] : memref<16xf32, #tpu.memory_space<smem>>
    %mul3A_86 = vector.broadcast %get3A_85 : f32 to vector<16x8xf32>
    %mul3A_87 = arith.mulf %sub3A_83, %mul3A_86 : vector<16x8xf32>
    %add3A_88 = arith.addf %mul3A_82, %mul3A_87 : vector<16x8xf32>
    %sub3A_89 = arith.subf %slice3A_73, %slice3A_74 : vector<16x8xf32>
    %get3A_90 = arith.constant 2 : index
    %get3A_91 = memref.load %arg5[%get3A_90] : memref<16xf32, #tpu.memory_space<smem>>
    %mul3A_92 = vector.broadcast %get3A_91 : f32 to vector<16x8xf32>
    %mul3A_93 = arith.mulf %sub3A_89, %mul3A_92 : vector<16x8xf32>
    %add3A_94 = arith.addf %add3A_88, %mul3A_93 : vector<16x8xf32>
    %sub3A_95 = arith.subf %slice3A_74, %slice3A_75 : vector<16x8xf32>
    %get3A_96 = arith.constant 3 : index
    %get3A_97 = memref.load %arg5[%get3A_96] : memref<16xf32, #tpu.memory_space<smem>>
    %mul3A_98 = vector.broadcast %get3A_97 : f32 to vector<16x8xf32>
    %mul3A_99 = arith.mulf %sub3A_95, %mul3A_98 : vector<16x8xf32>
    %add3A_100 = arith.addf %add3A_94, %mul3A_99 : vector<16x8xf32>
    %get3A_101 = arith.constant 4 : index
    %get3A_102 = memref.load %arg5[%get3A_101] : memref<16xf32, #tpu.memory_space<smem>>
    %mul3A_103 = vector.broadcast %get3A_102 : f32 to vector<16x8xf32>
    %mul3A_104 = arith.mulf %slice3A_75, %mul3A_103 : vector<16x8xf32>
    %add3A_105 = arith.addf %add3A_100, %mul3A_104 : vector<16x8xf32>
    %get3A_106 = arith.constant 6 : index
    %get3A_107 = memref.load %arg5[%get3A_106] : memref<16xf32, #tpu.memory_space<smem>>
    %add3A_108 = vector.broadcast %get3A_107 : f32 to vector<16x8xf32>
    %add3A_109 = arith.addf %add3A_105, %add3A_108 : vector<16x8xf32>
    %get3A_110 = arith.constant 7 : index
    %get3A_111 = memref.load %arg5[%get3A_110] : memref<16xf32, #tpu.memory_space<smem>>
    %mul3A_112 = vector.broadcast %get3A_111 : f32 to vector<16x8xf32>
    %mul3A_113 = arith.mulf %add3A_109, %mul3A_112 : vector<16x8xf32>
    %get3A_114 = arith.constant 8 : index
    %get3A_115 = memref.load %arg5[%get3A_114] : memref<16xf32, #tpu.memory_space<smem>>
    %add3A_116 = vector.broadcast %get3A_115 : f32 to vector<16x8xf32>
    %add3A_117 = arith.addf %mul3A_113, %add3A_116 : vector<16x8xf32>
    %mul3A_118 = vector.broadcast %div3A_26 : vector<16x1xf32> to vector<16x8xf32>
    %mul3A_119 = arith.mulf %add3A_117, %mul3A_118 : vector<16x8xf32>
    %reduce_sum3A_120 = arith.constant dense<0.000000e+00> : vector<8xf32>
    %reduce_sum3A_121 = vector.multi_reduction <add>, %mul3A_119, %reduce_sum3A_120 [0] : vector<16x8xf32> to vector<8xf32>
    %broadcast_in_dim3A_122 = vector.shape_cast %reduce_sum3A_121 : vector<8xf32> to vector<1x8xf32>
    %get3A_123 = arith.constant 9 : index
    %get3A_124 = memref.load %arg5[%get3A_123] : memref<16xf32, #tpu.memory_space<smem>>
    %mul3A_125 = vector.broadcast %get3A_124 : f32 to vector<1x8xf32>
    %mul3A_126 = arith.mulf %broadcast_in_dim3A_122, %mul3A_125 : vector<1x8xf32>
    %get3A_127 = arith.constant 10 : index
    %get3A_128 = memref.load %arg5[%get3A_127] : memref<16xf32, #tpu.memory_space<smem>>
    %add3A_129 = vector.broadcast %get3A_128 : f32 to vector<1x8xf32>
    %add3A_130 = arith.addf %mul3A_126, %add3A_129 : vector<1x8xf32>
    %swap3A = arith.constant 0 : index
    %swap3A_131 = arith.constant 0 : index
    %swap3A_132 = arith.constant 0 : index
    %swap3A_133 = vector.load %arg6[%swap3A, %swap3A_131, %swap3A_132] : memref<8x1x8xf32, #tpu.memory_space<vmem>>, vector<1x1x8xf32>
    %swap3A_134 = vector.shape_cast %swap3A_133 : vector<1x1x8xf32> to vector<1x8xf32>
    %swap3A_135 = vector.shape_cast %add3A_130 : vector<1x8xf32> to vector<1x1x8xf32>
    tpu.vector_store %arg6[%swap3A, %swap3A_131, %swap3A_132], %swap3A_135 {strides = array<i32>} : memref<8x1x8xf32, #tpu.memory_space<vmem>>, vector<1x1x8xf32>,
    %get3A_136 = arith.constant 1 : index
    %get3A_137 = arith.constant 0 : index
    %get3A_138 = arith.constant 0 : index
    %get3A_139 = vector.load %arg1[%get3A_136, %get3A_137, %get3A_138] : memref<8x1600x128xf32, #tpu.memory_space<vmem>>, vector<1x1600x128xf32>
    %get3A_140 = vector.shape_cast %get3A_139 : vector<1x1600x128xf32> to vector<1600x128xf32>
    %get3A_141 = arith.constant 1 : index
    %get3A_142 = arith.constant 0 : index
    %get3A_143 = arith.constant 0 : index
    %get3A_144 = vector.load %arg2[%get3A_141, %get3A_142, %get3A_143] : memref<8x16x128xf32, #tpu.memory_space<vmem>>, vector<1x16x128xf32>
    %get3A_145 = vector.shape_cast %get3A_144 : vector<1x16x128xf32> to vector<16x128xf32>
    %get3A_146 = arith.constant 0 : index
    %get3A_147 = arith.constant 0 : index
    %get3A_148 = vector.load %arg3[%get3A_146, %get3A_147] : memref<1x128xf32, #tpu.memory_space<vmem>>, vector<1x128xf32>
    %mul3A_149 = vector.broadcast %get3A_148 : vector<1x128xf32> to vector<16x128xf32>
    %mul3A_150 = arith.mulf %get3A_145, %mul3A_149 : vector<16x128xf32>
    %reduce_sum3A_151 = arith.constant dense<0.000000e+00> : vector<16xf32>
    %reduce_sum3A_152 = vector.multi_reduction <add>, %mul3A_150, %reduce_sum3A_151 [1] : vector<16x128xf32> to vector<16xf32>
    %broadcast_in_dim3A_153 = vector.shape_cast %reduce_sum3A_152 : vector<16xf32> to vector<16x1xf32>
    %get3A_154 = arith.constant 5 : index
    %get3A_155 = memref.load %arg5[%get3A_154] : memref<16xf32, #tpu.memory_space<smem>>
    %add3A_156 = vector.broadcast %get3A_155 : f32 to vector<16x1xf32>
    %add3A_157 = arith.addf %broadcast_in_dim3A_153, %add3A_156 : vector<16x1xf32>
    %iota3A_158 = tpu.iota {dimensions = array<i32: 0>} : vector<16x1xi32>
    %lt3A_159 = arith.constant 10 : i32
    %lt3A_160 = vector.broadcast %lt3A_159 : i32 to vector<16x1xi32>
    %lt3A_161 = arith.cmpi slt, %iota3A_158, %lt3A_160 : vector<16x1xi32>
    %jit3A_162 = arith.constant 0xFF800000 : f32
    %broadcast_in_dim3A_163 = vector.broadcast %jit3A_162 : f32 to vector<16x1xf32>
    %select_n3A_164 = arith.select %lt3A_161, %add3A_157, %broadcast_in_dim3A_163 : vector<16x1xi1>, vector<16x1xf32>
    %reduce_max3A_165 = arith.constant dense<0xFF800000> : vector<1xf32>
    %reduce_max3A_166 = vector.multi_reduction <maximumf>, %select_n3A_164, %reduce_max3A_165 [0] : vector<16x1xf32> to vector<1xf32>
    %broadcast_in_dim3A_167 = vector.shape_cast %reduce_max3A_166 : vector<1xf32> to vector<1x1xf32>
    %sub3A_168 = vector.broadcast %broadcast_in_dim3A_167 : vector<1x1xf32> to vector<16x1xf32>
    %sub3A_169 = arith.subf %select_n3A_164, %sub3A_168 : vector<16x1xf32>
    %exp3A_170 = math.exp %sub3A_169 : vector<16x1xf32>
    %reduce_sum3A_171 = arith.constant dense<0.000000e+00> : vector<1xf32>
    %reduce_sum3A_172 = vector.multi_reduction <add>, %exp3A_170, %reduce_sum3A_171 [0] : vector<16x1xf32> to vector<1xf32>
    %broadcast_in_dim3A_173 = vector.shape_cast %reduce_sum3A_172 : vector<1xf32> to vector<1x1xf32>
    %div3A_174 = vector.broadcast %broadcast_in_dim3A_173 : vector<1x1xf32> to vector<16x1xf32>
    %div3A_175 = arith.divf %exp3A_170, %div3A_174 : vector<16x1xf32>
    %mul3A_176 = arith.mulf %get3A_145, %get3A_145 : vector<16x128xf32>
    %reduce_sum3A_177 = arith.constant dense<0.000000e+00> : vector<16xf32>
    %reduce_sum3A_178 = vector.multi_reduction <add>, %mul3A_176, %reduce_sum3A_177 [1] : vector<16x128xf32> to vector<16xf32>
    %broadcast_in_dim3A_179 = vector.shape_cast %reduce_sum3A_178 : vector<16xf32> to vector<16x1xf32>
    %sqrt3A_180 = math.sqrt %broadcast_in_dim3A_179 : vector<16x1xf32>
    %max3A_181 = arith.constant 9.99999993E-9 : f32
    %max3A_182 = vector.broadcast %max3A_181 : f32 to vector<16x1xf32>
    %max3A_183 = arith.maximumf %sqrt3A_180, %max3A_182 : vector<16x1xf32>
    %div3A_184 = vector.broadcast %max3A_183 : vector<16x1xf32> to vector<16x128xf32>
    %div3A_185 = arith.divf %get3A_145, %div3A_184 : vector<16x128xf32>
    %mul3A_186 = arith.mulf %get3A_140, %get3A_140 : vector<1600x128xf32>
    %reduce_sum3A_187 = arith.constant dense<0.000000e+00> : vector<1600xf32>
    %reduce_sum3A_188 = vector.multi_reduction <add>, %mul3A_186, %reduce_sum3A_187 [1] : vector<1600x128xf32> to vector<1600xf32>
    %broadcast_in_dim3A_189 = vector.shape_cast %reduce_sum3A_188 : vector<1600xf32> to vector<1600x1xf32>
    %sqrt3A_190 = math.sqrt %broadcast_in_dim3A_189 : vector<1600x1xf32>
    %max3A_191 = arith.constant 9.99999993E-9 : f32
    %max3A_192 = vector.broadcast %max3A_191 : f32 to vector<1600x1xf32>
    %max3A_193 = arith.maximumf %sqrt3A_190, %max3A_192 : vector<1600x1xf32>
    %div3A_194 = vector.broadcast %max3A_193 : vector<1600x1xf32> to vector<1600x128xf32>
    %div3A_195 = arith.divf %get3A_140, %div3A_194 : vector<1600x128xf32>
    %dot_general3A_196 = arith.constant dense<0.000000e+00> : vector<16x1600xf32>
    %dot_general3A_197 = tpu.matmul %div3A_185, %div3A_195, %dot_general3A_196 {dimension_numbers = #tpu.dot_dimension_numbers<[1], [1], [0], [0], [0, 0, 1, 0], [], []>, transpose_lhs_hint = false} : vector<16x128xf32>, vector<1600x128xf32>, vector<16x1600xf32> -> vector<16x1600xf32>
    %ge3A_198 = arith.constant -5.000000e-01 : f32
    %ge3A_199 = vector.broadcast %ge3A_198 : f32 to vector<16x1600xf32>
    %ge3A_200 = arith.cmpf oge, %dot_general3A_197, %ge3A_199 : vector<16x1600xf32>
    %convert_element_type3A_201 = arith.extui %ge3A_200 : vector<16x1600xi1> to vector<16x1600xi32>
    %convert_element_type3A_202 = arith.sitofp %convert_element_type3A_201 : vector<16x1600xi32> to vector<16x1600xf32>
    %convert_element_type3A_203 = arith.truncf %convert_element_type3A_202 : vector<16x1600xf32> to vector<16x1600xbf16>
    %ge3A_204 = arith.constant 0.000000e+00 : f32
    %ge3A_205 = vector.broadcast %ge3A_204 : f32 to vector<16x1600xf32>
    %ge3A_206 = arith.cmpf oge, %dot_general3A_197, %ge3A_205 : vector<16x1600xf32>
    %convert_element_type3A_207 = arith.extui %ge3A_206 : vector<16x1600xi1> to vector<16x1600xi32>
    %convert_element_type3A_208 = arith.sitofp %convert_element_type3A_207 : vector<16x1600xi32> to vector<16x1600xf32>
    %convert_element_type3A_209 = arith.truncf %convert_element_type3A_208 : vector<16x1600xf32> to vector<16x1600xbf16>
    %ge3A_210 = arith.constant 5.000000e-01 : f32
    %ge3A_211 = vector.broadcast %ge3A_210 : f32 to vector<16x1600xf32>
    %ge3A_212 = arith.cmpf oge, %dot_general3A_197, %ge3A_211 : vector<16x1600xf32>
    %convert_element_type3A_213 = arith.extui %ge3A_212 : vector<16x1600xi1> to vector<16x1600xi32>
    %convert_element_type3A_214 = arith.sitofp %convert_element_type3A_213 : vector<16x1600xi32> to vector<16x1600xf32>
    %convert_element_type3A_215 = arith.truncf %convert_element_type3A_214 : vector<16x1600xf32> to vector<16x1600xbf16>
    %ge3A_216 = arith.constant 1.000000e+00 : f32
    %ge3A_217 = vector.broadcast %ge3A_216 : f32 to vector<16x1600xf32>
    %ge3A_218 = arith.cmpf oge, %dot_general3A_197, %ge3A_217 : vector<16x1600xf32>
    %convert_element_type3A_219 = arith.extui %ge3A_218 : vector<16x1600xi1> to vector<16x1600xi32>
    %convert_element_type3A_220 = arith.sitofp %convert_element_type3A_219 : vector<16x1600xi32> to vector<16x1600xf32>
    %convert_element_type3A_221 = arith.truncf %convert_element_type3A_220 : vector<16x1600xf32> to vector<16x1600xbf16>
    %concatenate3A_222 = tpu.concatenate %convert_element_type3A_203, %convert_element_type3A_209, %convert_element_type3A_215, %convert_element_type3A_221 in 0 : vector<16x1600xbf16>, vector<16x1600xbf16>, vector<16x1600xbf16>, vector<16x1600xbf16> -> vector<64x1600xbf16>
    %get3A_223 = arith.constant 0 : index
    %get3A_224 = arith.constant 0 : index
    %get3A_225 = vector.load %arg4[%get3A_223, %get3A_224] : memref<1600x8xbf16, #tpu.memory_space<vmem>>, vector<1600x8xbf16>
    %dot_general3A_226 = arith.constant dense<0.000000e+00> : vector<64x8xf32>
    %dot_general3A_227 = tpu.matmul %concatenate3A_222, %get3A_225, %dot_general3A_226 {dimension_numbers = #tpu.dot_dimension_numbers<[1], [0], [0], [1], [0, 0, 1, 1], [], []>, transpose_lhs_hint = false} : vector<64x1600xbf16>, vector<1600x8xbf16>, vector<64x8xf32> -> vector<64x8xf32>
    %slice3A_228 = vector.extract_strided_slice %dot_general3A_227 {offsets = [0, 0], sizes = [16, 8], strides = [1, 1]} : vector<64x8xf32> to vector<16x8xf32>
    %slice3A_229 = vector.extract_strided_slice %dot_general3A_227 {offsets = [16, 0], sizes = [16, 8], strides = [1, 1]} : vector<64x8xf32> to vector<16x8xf32>
    %slice3A_230 = vector.extract_strided_slice %dot_general3A_227 {offsets = [32, 0], sizes = [16, 8], strides = [1, 1]} : vector<64x8xf32> to vector<16x8xf32>
    %slice3A_231 = vector.extract_strided_slice %dot_general3A_227 {offsets = [48, 0], sizes = [16, 8], strides = [1, 1]} : vector<64x8xf32> to vector<16x8xf32>
    %sub3A_232 = arith.constant 2.000000e+02 : f32
    %sub3A_233 = vector.broadcast %sub3A_232 : f32 to vector<16x8xf32>
    %sub3A_234 = arith.subf %sub3A_233, %slice3A_228 : vector<16x8xf32>
    %get3A_235 = arith.constant 0 : index
    %get3A_236 = memref.load %arg5[%get3A_235] : memref<16xf32, #tpu.memory_space<smem>>
    %mul3A_237 = vector.broadcast %get3A_236 : f32 to vector<16x8xf32>
    %mul3A_238 = arith.mulf %sub3A_234, %mul3A_237 : vector<16x8xf32>
    %sub3A_239 = arith.subf %slice3A_228, %slice3A_229 : vector<16x8xf32>
    %get3A_240 = arith.constant 1 : index
    %get3A_241 = memref.load %arg5[%get3A_240] : memref<16xf32, #tpu.memory_space<smem>>
    %mul3A_242 = vector.broadcast %get3A_241 : f32 to vector<16x8xf32>
    %mul3A_243 = arith.mulf %sub3A_239, %mul3A_242 : vector<16x8xf32>
    %add3A_244 = arith.addf %mul3A_238, %mul3A_243 : vector<16x8xf32>
    %sub3A_245 = arith.subf %slice3A_229, %slice3A_230 : vector<16x8xf32>
    %get3A_246 = arith.constant 2 : index
    %get3A_247 = memref.load %arg5[%get3A_246] : memref<16xf32, #tpu.memory_space<smem>>
    %mul3A_248 = vector.broadcast %get3A_247 : f32 to vector<16x8xf32>
    %mul3A_249 = arith.mulf %sub3A_245, %mul3A_248 : vector<16x8xf32>
    %add3A_250 = arith.addf %add3A_244, %mul3A_249 : vector<16x8xf32>
    %sub3A_251 = arith.subf %slice3A_230, %slice3A_231 : vector<16x8xf32>
    %get3A_252 = arith.constant 3 : index
    %get3A_253 = memref.load %arg5[%get3A_252] : memref<16xf32, #tpu.memory_space<smem>>
    %mul3A_254 = vector.broadcast %get3A_253 : f32 to vector<16x8xf32>
    %mul3A_255 = arith.mulf %sub3A_251, %mul3A_254 : vector<16x8xf32>
    %add3A_256 = arith.addf %add3A_250, %mul3A_255 : vector<16x8xf32>
    %get3A_257 = arith.constant 4 : index
    %get3A_258 = memref.load %arg5[%get3A_257] : memref<16xf32, #tpu.memory_space<smem>>
    %mul3A_259 = vector.broadcast %get3A_258 : f32 to vector<16x8xf32>
    %mul3A_260 = arith.mulf %slice3A_231, %mul3A_259 : vector<16x8xf32>
    %add3A_261 = arith.addf %add3A_256, %mul3A_260 : vector<16x8xf32>
    %get3A_262 = arith.constant 6 : index
    %get3A_263 = memref.load %arg5[%get3A_262] : memref<16xf32, #tpu.memory_space<smem>>
    %add3A_264 = vector.broadcast %get3A_263 : f32 to vector<16x8xf32>
    %add3A_265 = arith.addf %add3A_261, %add3A_264 : vector<16x8xf32>
    %get3A_266 = arith.constant 7 : index
    %get3A_267 = memref.load %arg5[%get3A_266] : memref<16xf32, #tpu.memory_space<smem>>
    %mul3A_268 = vector.broadcast %get3A_267 : f32 to vector<16x8xf32>
    %mul3A_269 = arith.mulf %add3A_265, %mul3A_268 : vector<16x8xf32>
    %get3A_270 = arith.constant 8 : index
    %get3A_271 = memref.load %arg5[%get3A_270] : memref<16xf32, #tpu.memory_space<smem>>
    %add3A_272 = vector.broadcast %get3A_271 : f32 to vector<16x8xf32>
    %add3A_273 = arith.addf %mul3A_269, %add3A_272 : vector<16x8xf32>
    %mul3A_274 = vector.broadcast %div3A_175 : vector<16x1xf32> to vector<16x8xf32>
    %mul3A_275 = arith.mulf %add3A_273, %mul3A_274 : vector<16x8xf32>
    %reduce_sum3A_276 = arith.constant dense<0.000000e+00> : vector<8xf32>
    %reduce_sum3A_277 = vector.multi_reduction <add>, %mul3A_275, %reduce_sum3A_276 [0] : vector<16x8xf32> to vector<8xf32>
    %broadcast_in_dim3A_278 = vector.shape_cast %reduce_sum3A_277 : vector<8xf32> to vector<1x8xf32>
    %get3A_279 = arith.constant 9 : index
    %get3A_280 = memref.load %arg5[%get3A_279] : memref<16xf32, #tpu.memory_space<smem>>
    %mul3A_281 = vector.broadcast %get3A_280 : f32 to vector<1x8xf32>
    %mul3A_282 = arith.mulf %broadcast_in_dim3A_278, %mul3A_281 : vector<1x8xf32>
    %get3A_283 = arith.constant 10 : index
    %get3A_284 = memref.load %arg5[%get3A_283] : memref<16xf32, #tpu.memory_space<smem>>
    %add3A_285 = vector.broadcast %get3A_284 : f32 to vector<1x8xf32>
    %add3A_286 = arith.addf %mul3A_282, %add3A_285 : vector<1x8xf32>
    %swap3A_287 = arith.constant 1 : index
    %swap3A_288 = arith.constant 0 : index
    %swap3A_289 = arith.constant 0 : index
    %swap3A_290 = vector.load %arg6[%swap3A_287, %swap3A_288, %swap3A_289] : memref<8x1x8xf32, #tpu.memory_space<vmem>>, vector<1x1x8xf32>
    %swap3A_291 = vector.shape_cast %swap3A_290 : vector<1x1x8xf32> to vector<1x8xf32>
    %swap3A_292 = vector.shape_cast %add3A_286 : vector<1x8xf32> to vector<1x1x8xf32>
    tpu.vector_store %arg6[%swap3A_287, %swap3A_288, %swap3A_289], %swap3A_292 {strides = array<i32>} : memref<8x1x8xf32, #tpu.memory_space<vmem>>, vector<1x1x8xf32>,
    %get3A_293 = arith.constant 2 : index
    %get3A_294 = arith.constant 0 : index
    %get3A_295 = arith.constant 0 : index
    %get3A_296 = vector.load %arg1[%get3A_293, %get3A_294, %get3A_295] : memref<8x1600x128xf32, #tpu.memory_space<vmem>>, vector<1x1600x128xf32>
    %get3A_297 = vector.shape_cast %get3A_296 : vector<1x1600x128xf32> to vector<1600x128xf32>
    %get3A_298 = arith.constant 2 : index
    %get3A_299 = arith.constant 0 : index
    %get3A_300 = arith.constant 0 : index
    %get3A_301 = vector.load %arg2[%get3A_298, %get3A_299, %get3A_300] : memref<8x16x128xf32, #tpu.memory_space<vmem>>, vector<1x16x128xf32>
    %get3A_302 = vector.shape_cast %get3A_301 : vector<1x16x128xf32> to vector<16x128xf32>
    %get3A_303 = arith.constant 0 : index
    %get3A_304 = arith.constant 0 : index
    %get3A_305 = vector.load %arg3[%get3A_303, %get3A_304] : memref<1x128xf32, #tpu.memory_space<vmem>>, vector<1x128xf32>
    %mul3A_306 = vector.broadcast %get3A_305 : vector<1x128xf32> to vector<16x128xf32>
    %mul3A_307 = arith.mulf %get3A_302, %mul3A_306 : vector<16x128xf32>
    %reduce_sum3A_308 = arith.constant dense<0.000000e+00> : vector<16xf32>
    %reduce_sum3A_309 = vector.multi_reduction <add>, %mul3A_307, %reduce_sum3A_308 [1] : vector<16x128xf32> to vector<16xf32>
    %broadcast_in_dim3A_310 = vector.shape_cast %reduce_sum3A_309 : vector<16xf32> to vector<16x1xf32>
    %get3A_311 = arith.constant 5 : index
    %get3A_312 = memref.load %arg5[%get3A_311] : memref<16xf32, #tpu.memory_space<smem>>
    %add3A_313 = vector.broadcast %get3A_312 : f32 to vector<16x1xf32>
    %add3A_314 = arith.addf %broadcast_in_dim3A_310, %add3A_313 : vector<16x1xf32>
    %iota3A_315 = tpu.iota {dimensions = array<i32: 0>} : vector<16x1xi32>
    %lt3A_316 = arith.constant 10 : i32
    %lt3A_317 = vector.broadcast %lt3A_316 : i32 to vector<16x1xi32>
    %lt3A_318 = arith.cmpi slt, %iota3A_315, %lt3A_317 : vector<16x1xi32>
    %jit3A_319 = arith.constant 0xFF800000 : f32
    %broadcast_in_dim3A_320 = vector.broadcast %jit3A_319 : f32 to vector<16x1xf32>
    %select_n3A_321 = arith.select %lt3A_318, %add3A_314, %broadcast_in_dim3A_320 : vector<16x1xi1>, vector<16x1xf32>
    %reduce_max3A_322 = arith.constant dense<0xFF800000> : vector<1xf32>
    %reduce_max3A_323 = vector.multi_reduction <maximumf>, %select_n3A_321, %reduce_max3A_322 [0] : vector<16x1xf32> to vector<1xf32>
    %broadcast_in_dim3A_324 = vector.shape_cast %reduce_max3A_323 : vector<1xf32> to vector<1x1xf32>
    %sub3A_325 = vector.broadcast %broadcast_in_dim3A_324 : vector<1x1xf32> to vector<16x1xf32>
    %sub3A_326 = arith.subf %select_n3A_321, %sub3A_325 : vector<16x1xf32>
    %exp3A_327 = math.exp %sub3A_326 : vector<16x1xf32>
    %reduce_sum3A_328 = arith.constant dense<0.000000e+00> : vector<1xf32>
    %reduce_sum3A_329 = vector.multi_reduction <add>, %exp3A_327, %reduce_sum3A_328 [0] : vector<16x1xf32> to vector<1xf32>
    %broadcast_in_dim3A_330 = vector.shape_cast %reduce_sum3A_329 : vector<1xf32> to vector<1x1xf32>
    %div3A_331 = vector.broadcast %broadcast_in_dim3A_330 : vector<1x1xf32> to vector<16x1xf32>
    %div3A_332 = arith.divf %exp3A_327, %div3A_331 : vector<16x1xf32>
    %mul3A_333 = arith.mulf %get3A_302, %get3A_302 : vector<16x128xf32>
    %reduce_sum3A_334 = arith.constant dense<0.000000e+00> : vector<16xf32>
    %reduce_sum3A_335 = vector.multi_reduction <add>, %mul3A_333, %reduce_sum3A_334 [1] : vector<16x128xf32> to vector<16xf32>
    %broadcast_in_dim3A_336 = vector.shape_cast %reduce_sum3A_335 : vector<16xf32> to vector<16x1xf32>
    %sqrt3A_337 = math.sqrt %broadcast_in_dim3A_336 : vector<16x1xf32>
    %max3A_338 = arith.constant 9.99999993E-9 : f32
    %max3A_339 = vector.broadcast %max3A_338 : f32 to vector<16x1xf32>
    %max3A_340 = arith.maximumf %sqrt3A_337, %max3A_339 : vector<16x1xf32>
    %div3A_341 = vector.broadcast %max3A_340 : vector<16x1xf32> to vector<16x128xf32>
    %div3A_342 = arith.divf %get3A_302, %div3A_341 : vector<16x128xf32>
    %mul3A_343 = arith.mulf %get3A_297, %get3A_297 : vector<1600x128xf32>
    %reduce_sum3A_344 = arith.constant dense<0.000000e+00> : vector<1600xf32>
    %reduce_sum3A_345 = vector.multi_reduction <add>, %mul3A_343, %reduce_sum3A_344 [1] : vector<1600x128xf32> to vector<1600xf32>
    %broadcast_in_dim3A_346 = vector.shape_cast %reduce_sum3A_345 : vector<1600xf32> to vector<1600x1xf32>
    %sqrt3A_347 = math.sqrt %broadcast_in_dim3A_346 : vector<1600x1xf32>
    %max3A_348 = arith.constant 9.99999993E-9 : f32
    %max3A_349 = vector.broadcast %max3A_348 : f32 to vector<1600x1xf32>
    %max3A_350 = arith.maximumf %sqrt3A_347, %max3A_349 : vector<1600x1xf32>
    %div3A_351 = vector.broadcast %max3A_350 : vector<1600x1xf32> to vector<1600x128xf32>
    %div3A_352 = arith.divf %get3A_297, %div3A_351 : vector<1600x128xf32>
    %dot_general3A_353 = arith.constant dense<0.000000e+00> : vector<16x1600xf32>
    %dot_general3A_354 = tpu.matmul %div3A_342, %div3A_352, %dot_general3A_353 {dimension_numbers = #tpu.dot_dimension_numbers<[1], [1], [0], [0], [0, 0, 1, 0], [], []>, transpose_lhs_hint = false} : vector<16x128xf32>, vector<1600x128xf32>, vector<16x1600xf32> -> vector<16x1600xf32>
    %ge3A_355 = arith.constant -5.000000e-01 : f32
    %ge3A_356 = vector.broadcast %ge3A_355 : f32 to vector<16x1600xf32>
    %ge3A_357 = arith.cmpf oge, %dot_general3A_354, %ge3A_356 : vector<16x1600xf32>
    %convert_element_type3A_358 = arith.extui %ge3A_357 : vector<16x1600xi1> to vector<16x1600xi32>
    %convert_element_type3A_359 = arith.sitofp %convert_element_type3A_358 : vector<16x1600xi32> to vector<16x1600xf32>
    %convert_element_type3A_360 = arith.truncf %convert_element_type3A_359 : vector<16x1600xf32> to vector<16x1600xbf16>
    %ge3A_361 = arith.constant 0.000000e+00 : f32
    %ge3A_362 = vector.broadcast %ge3A_361 : f32 to vector<16x1600xf32>
    %ge3A_363 = arith.cmpf oge, %dot_general3A_354, %ge3A_362 : vector<16x1600xf32>
    %convert_element_type3A_364 = arith.extui %ge3A_363 : vector<16x1600xi1> to vector<16x1600xi32>
    %convert_element_type3A_365 = arith.sitofp %convert_element_type3A_364 : vector<16x1600xi32> to vector<16x1600xf32>
    %convert_element_type3A_366 = arith.truncf %convert_element_type3A_365 : vector<16x1600xf32> to vector<16x1600xbf16>
    %ge3A_367 = arith.constant 5.000000e-01 : f32
    %ge3A_368 = vector.broadcast %ge3A_367 : f32 to vector<16x1600xf32>
    %ge3A_369 = arith.cmpf oge, %dot_general3A_354, %ge3A_368 : vector<16x1600xf32>
    %convert_element_type3A_370 = arith.extui %ge3A_369 : vector<16x1600xi1> to vector<16x1600xi32>
    %convert_element_type3A_371 = arith.sitofp %convert_element_type3A_370 : vector<16x1600xi32> to vector<16x1600xf32>
    %convert_element_type3A_372 = arith.truncf %convert_element_type3A_371 : vector<16x1600xf32> to vector<16x1600xbf16>
    %ge3A_373 = arith.constant 1.000000e+00 : f32
    %ge3A_374 = vector.broadcast %ge3A_373 : f32 to vector<16x1600xf32>
    %ge3A_375 = arith.cmpf oge, %dot_general3A_354, %ge3A_374 : vector<16x1600xf32>
    %convert_element_type3A_376 = arith.extui %ge3A_375 : vector<16x1600xi1> to vector<16x1600xi32>
    %convert_element_type3A_377 = arith.sitofp %convert_element_type3A_376 : vector<16x1600xi32> to vector<16x1600xf32>
    %convert_element_type3A_378 = arith.truncf %convert_element_type3A_377 : vector<16x1600xf32> to vector<16x1600xbf16>
    %concatenate3A_379 = tpu.concatenate %convert_element_type3A_360, %convert_element_type3A_366, %convert_element_type3A_372, %convert_element_type3A_378 in 0 : vector<16x1600xbf16>, vector<16x1600xbf16>, vector<16x1600xbf16>, vector<16x1600xbf16> -> vector<64x1600xbf16>
    %get3A_380 = arith.constant 0 : index
    %get3A_381 = arith.constant 0 : index
    %get3A_382 = vector.load %arg4[%get3A_380, %get3A_381] : memref<1600x8xbf16, #tpu.memory_space<vmem>>, vector<1600x8xbf16>
    %dot_general3A_383 = arith.constant dense<0.000000e+00> : vector<64x8xf32>
    %dot_general3A_384 = tpu.matmul %concatenate3A_379, %get3A_382, %dot_general3A_383 {dimension_numbers = #tpu.dot_dimension_numbers<[1], [0], [0], [1], [0, 0, 1, 1], [], []>, transpose_lhs_hint = false} : vector<64x1600xbf16>, vector<1600x8xbf16>, vector<64x8xf32> -> vector<64x8xf32>
    %slice3A_385 = vector.extract_strided_slice %dot_general3A_384 {offsets = [0, 0], sizes = [16, 8], strides = [1, 1]} : vector<64x8xf32> to vector<16x8xf32>
    %slice3A_386 = vector.extract_strided_slice %dot_general3A_384 {offsets = [16, 0], sizes = [16, 8], strides = [1, 1]} : vector<64x8xf32> to vector<16x8xf32>
    %slice3A_387 = vector.extract_strided_slice %dot_general3A_384 {offsets = [32, 0], sizes = [16, 8], strides = [1, 1]} : vector<64x8xf32> to vector<16x8xf32>
    %slice3A_388 = vector.extract_strided_slice %dot_general3A_384 {offsets = [48, 0], sizes = [16, 8], strides = [1, 1]} : vector<64x8xf32> to vector<16x8xf32>
    %sub3A_389 = arith.constant 2.000000e+02 : f32
    %sub3A_390 = vector.broadcast %sub3A_389 : f32 to vector<16x8xf32>
    %sub3A_391 = arith.subf %sub3A_390, %slice3A_385 : vector<16x8xf32>
    %get3A_392 = arith.constant 0 : index
    %get3A_393 = memref.load %arg5[%get3A_392] : memref<16xf32, #tpu.memory_space<smem>>
    %mul3A_394 = vector.broadcast %get3A_393 : f32 to vector<16x8xf32>
    %mul3A_395 = arith.mulf %sub3A_391, %mul3A_394 : vector<16x8xf32>
    %sub3A_396 = arith.subf %slice3A_385, %slice3A_386 : vector<16x8xf32>
    %get3A_397 = arith.constant 1 : index
    %get3A_398 = memref.load %arg5[%get3A_397] : memref<16xf32, #tpu.memory_space<smem>>
    %mul3A_399 = vector.broadcast %get3A_398 : f32 to vector<16x8xf32>
    %mul3A_400 = arith.mulf %sub3A_396, %mul3A_399 : vector<16x8xf32>
    %add3A_401 = arith.addf %mul3A_395, %mul3A_400 : vector<16x8xf32>
    %sub3A_402 = arith.subf %slice3A_386, %slice3A_387 : vector<16x8xf32>
    %get3A_403 = arith.constant 2 : index
    %get3A_404 = memref.load %arg5[%get3A_403] : memref<16xf32, #tpu.memory_space<smem>>
    %mul3A_405 = vector.broadcast %get3A_404 : f32 to vector<16x8xf32>
    %mul3A_406 = arith.mulf %sub3A_402, %mul3A_405 : vector<16x8xf32>
    %add3A_407 = arith.addf %add3A_401, %mul3A_406 : vector<16x8xf32>
    %sub3A_408 = arith.subf %slice3A_387, %slice3A_388 : vector<16x8xf32>
    %get3A_409 = arith.constant 3 : index
    %get3A_410 = memref.load %arg5[%get3A_409] : memref<16xf32, #tpu.memory_space<smem>>
    %mul3A_411 = vector.broadcast %get3A_410 : f32 to vector<16x8xf32>
    %mul3A_412 = arith.mulf %sub3A_408, %mul3A_411 : vector<16x8xf32>
    %add3A_413 = arith.addf %add3A_407, %mul3A_412 : vector<16x8xf32>
    %get3A_414 = arith.constant 4 : index
    %get3A_415 = memref.load %arg5[%get3A_414] : memref<16xf32, #tpu.memory_space<smem>>
    %mul3A_416 = vector.broadcast %get3A_415 : f32 to vector<16x8xf32>
    %mul3A_417 = arith.mulf %slice3A_388, %mul3A_416 : vector<16x8xf32>
    %add3A_418 = arith.addf %add3A_413, %mul3A_417 : vector<16x8xf32>
    %get3A_419 = arith.constant 6 : index
    %get3A_420 = memref.load %arg5[%get3A_419] : memref<16xf32, #tpu.memory_space<smem>>
    %add3A_421 = vector.broadcast %get3A_420 : f32 to vector<16x8xf32>
    %add3A_422 = arith.addf %add3A_418, %add3A_421 : vector<16x8xf32>
    %get3A_423 = arith.constant 7 : index
    %get3A_424 = memref.load %arg5[%get3A_423] : memref<16xf32, #tpu.memory_space<smem>>
    %mul3A_425 = vector.broadcast %get3A_424 : f32 to vector<16x8xf32>
    %mul3A_426 = arith.mulf %add3A_422, %mul3A_425 : vector<16x8xf32>
    %get3A_427 = arith.constant 8 : index
    %get3A_428 = memref.load %arg5[%get3A_427] : memref<16xf32, #tpu.memory_space<smem>>
    %add3A_429 = vector.broadcast %get3A_428 : f32 to vector<16x8xf32>
    %add3A_430 = arith.addf %mul3A_426, %add3A_429 : vector<16x8xf32>
    %mul3A_431 = vector.broadcast %div3A_332 : vector<16x1xf32> to vector<16x8xf32>
    %mul3A_432 = arith.mulf %add3A_430, %mul3A_431 : vector<16x8xf32>
    %reduce_sum3A_433 = arith.constant dense<0.000000e+00> : vector<8xf32>
    %reduce_sum3A_434 = vector.multi_reduction <add>, %mul3A_432, %reduce_sum3A_433 [0] : vector<16x8xf32> to vector<8xf32>
    %broadcast_in_dim3A_435 = vector.shape_cast %reduce_sum3A_434 : vector<8xf32> to vector<1x8xf32>
    %get3A_436 = arith.constant 9 : index
    %get3A_437 = memref.load %arg5[%get3A_436] : memref<16xf32, #tpu.memory_space<smem>>
    %mul3A_438 = vector.broadcast %get3A_437 : f32 to vector<1x8xf32>
    %mul3A_439 = arith.mulf %broadcast_in_dim3A_435, %mul3A_438 : vector<1x8xf32>
    %get3A_440 = arith.constant 10 : index
    %get3A_441 = memref.load %arg5[%get3A_440] : memref<16xf32, #tpu.memory_space<smem>>
    %add3A_442 = vector.broadcast %get3A_441 : f32 to vector<1x8xf32>
    %add3A_443 = arith.addf %mul3A_439, %add3A_442 : vector<1x8xf32>
    %swap3A_444 = arith.constant 2 : index
    %swap3A_445 = arith.constant 0 : index
    %swap3A_446 = arith.constant 0 : index
    %swap3A_447 = vector.load %arg6[%swap3A_444, %swap3A_445, %swap3A_446] : memref<8x1x8xf32, #tpu.memory_space<vmem>>, vector<1x1x8xf32>
    %swap3A_448 = vector.shape_cast %swap3A_447 : vector<1x1x8xf32> to vector<1x8xf32>
    %swap3A_449 = vector.shape_cast %add3A_443 : vector<1x8xf32> to vector<1x1x8xf32>
    tpu.vector_store %arg6[%swap3A_444, %swap3A_445, %swap3A_446], %swap3A_449 {strides = array<i32>} : memref<8x1x8xf32, #tpu.memory_space<vmem>>, vector<1x1x8xf32>,
    %get3A_450 = arith.constant 3 : index
    %get3A_451 = arith.constant 0 : index
    %get3A_452 = arith.constant 0 : index
    %get3A_453 = vector.load %arg1[%get3A_450, %get3A_451, %get3A_452] : memref<8x1600x128xf32, #tpu.memory_space<vmem>>, vector<1x1600x128xf32>
    %get3A_454 = vector.shape_cast %get3A_453 : vector<1x1600x128xf32> to vector<1600x128xf32>
    %get3A_455 = arith.constant 3 : index
    %get3A_456 = arith.constant 0 : index
    %get3A_457 = arith.constant 0 : index
    %get3A_458 = vector.load %arg2[%get3A_455, %get3A_456, %get3A_457] : memref<8x16x128xf32, #tpu.memory_space<vmem>>, vector<1x16x128xf32>
    %get3A_459 = vector.shape_cast %get3A_458 : vector<1x16x128xf32> to vector<16x128xf32>
    %get3A_460 = arith.constant 0 : index
    %get3A_461 = arith.constant 0 : index
    %get3A_462 = vector.load %arg3[%get3A_460, %get3A_461] : memref<1x128xf32, #tpu.memory_space<vmem>>, vector<1x128xf32>
    %mul3A_463 = vector.broadcast %get3A_462 : vector<1x128xf32> to vector<16x128xf32>
    %mul3A_464 = arith.mulf %get3A_459, %mul3A_463 : vector<16x128xf32>
    %reduce_sum3A_465 = arith.constant dense<0.000000e+00> : vector<16xf32>
    %reduce_sum3A_466 = vector.multi_reduction <add>, %mul3A_464, %reduce_sum3A_465 [1] : vector<16x128xf32> to vector<16xf32>
    %broadcast_in_dim3A_467 = vector.shape_cast %reduce_sum3A_466 : vector<16xf32> to vector<16x1xf32>
    %get3A_468 = arith.constant 5 : index
    %get3A_469 = memref.load %arg5[%get3A_468] : memref<16xf32, #tpu.memory_space<smem>>
    %add3A_470 = vector.broadcast %get3A_469 : f32 to vector<16x1xf32>
    %add3A_471 = arith.addf %broadcast_in_dim3A_467, %add3A_470 : vector<16x1xf32>
    %iota3A_472 = tpu.iota {dimensions = array<i32: 0>} : vector<16x1xi32>
    %lt3A_473 = arith.constant 10 : i32
    %lt3A_474 = vector.broadcast %lt3A_473 : i32 to vector<16x1xi32>
    %lt3A_475 = arith.cmpi slt, %iota3A_472, %lt3A_474 : vector<16x1xi32>
    %jit3A_476 = arith.constant 0xFF800000 : f32
    %broadcast_in_dim3A_477 = vector.broadcast %jit3A_476 : f32 to vector<16x1xf32>
    %select_n3A_478 = arith.select %lt3A_475, %add3A_471, %broadcast_in_dim3A_477 : vector<16x1xi1>, vector<16x1xf32>
    %reduce_max3A_479 = arith.constant dense<0xFF800000> : vector<1xf32>
    %reduce_max3A_480 = vector.multi_reduction <maximumf>, %select_n3A_478, %reduce_max3A_479 [0] : vector<16x1xf32> to vector<1xf32>
    %broadcast_in_dim3A_481 = vector.shape_cast %reduce_max3A_480 : vector<1xf32> to vector<1x1xf32>
    %sub3A_482 = vector.broadcast %broadcast_in_dim3A_481 : vector<1x1xf32> to vector<16x1xf32>
    %sub3A_483 = arith.subf %select_n3A_478, %sub3A_482 : vector<16x1xf32>
    %exp3A_484 = math.exp %sub3A_483 : vector<16x1xf32>
    %reduce_sum3A_485 = arith.constant dense<0.000000e+00> : vector<1xf32>
    %reduce_sum3A_486 = vector.multi_reduction <add>, %exp3A_484, %reduce_sum3A_485 [0] : vector<16x1xf32> to vector<1xf32>
    %broadcast_in_dim3A_487 = vector.shape_cast %reduce_sum3A_486 : vector<1xf32> to vector<1x1xf32>
    %div3A_488 = vector.broadcast %broadcast_in_dim3A_487 : vector<1x1xf32> to vector<16x1xf32>
    %div3A_489 = arith.divf %exp3A_484, %div3A_488 : vector<16x1xf32>
    %mul3A_490 = arith.mulf %get3A_459, %get3A_459 : vector<16x128xf32>
    %reduce_sum3A_491 = arith.constant dense<0.000000e+00> : vector<16xf32>
    %reduce_sum3A_492 = vector.multi_reduction <add>, %mul3A_490, %reduce_sum3A_491 [1] : vector<16x128xf32> to vector<16xf32>
    %broadcast_in_dim3A_493 = vector.shape_cast %reduce_sum3A_492 : vector<16xf32> to vector<16x1xf32>
    %sqrt3A_494 = math.sqrt %broadcast_in_dim3A_493 : vector<16x1xf32>
    %max3A_495 = arith.constant 9.99999993E-9 : f32
    %max3A_496 = vector.broadcast %max3A_495 : f32 to vector<16x1xf32>
    %max3A_497 = arith.maximumf %sqrt3A_494, %max3A_496 : vector<16x1xf32>
    %div3A_498 = vector.broadcast %max3A_497 : vector<16x1xf32> to vector<16x128xf32>
    %div3A_499 = arith.divf %get3A_459, %div3A_498 : vector<16x128xf32>
    %mul3A_500 = arith.mulf %get3A_454, %get3A_454 : vector<1600x128xf32>
    %reduce_sum3A_501 = arith.constant dense<0.000000e+00> : vector<1600xf32>
    %reduce_sum3A_502 = vector.multi_reduction <add>, %mul3A_500, %reduce_sum3A_501 [1] : vector<1600x128xf32> to vector<1600xf32>
    %broadcast_in_dim3A_503 = vector.shape_cast %reduce_sum3A_502 : vector<1600xf32> to vector<1600x1xf32>
    %sqrt3A_504 = math.sqrt %broadcast_in_dim3A_503 : vector<1600x1xf32>
    %max3A_505 = arith.constant 9.99999993E-9 : f32
    %max3A_506 = vector.broadcast %max3A_505 : f32 to vector<1600x1xf32>
    %max3A_507 = arith.maximumf %sqrt3A_504, %max3A_506 : vector<1600x1xf32>
    %div3A_508 = vector.broadcast %max3A_507 : vector<1600x1xf32> to vector<1600x128xf32>
    %div3A_509 = arith.divf %get3A_454, %div3A_508 : vector<1600x128xf32>
    %dot_general3A_510 = arith.constant dense<0.000000e+00> : vector<16x1600xf32>
    %dot_general3A_511 = tpu.matmul %div3A_499, %div3A_509, %dot_general3A_510 {dimension_numbers = #tpu.dot_dimension_numbers<[1], [1], [0], [0], [0, 0, 1, 0], [], []>, transpose_lhs_hint = false} : vector<16x128xf32>, vector<1600x128xf32>, vector<16x1600xf32> -> vector<16x1600xf32>
    %ge3A_512 = arith.constant -5.000000e-01 : f32
    %ge3A_513 = vector.broadcast %ge3A_512 : f32 to vector<16x1600xf32>
    %ge3A_514 = arith.cmpf oge, %dot_general3A_511, %ge3A_513 : vector<16x1600xf32>
    %convert_element_type3A_515 = arith.extui %ge3A_514 : vector<16x1600xi1> to vector<16x1600xi32>
    %convert_element_type3A_516 = arith.sitofp %convert_element_type3A_515 : vector<16x1600xi32> to vector<16x1600xf32>
    %convert_element_type3A_517 = arith.truncf %convert_element_type3A_516 : vector<16x1600xf32> to vector<16x1600xbf16>
    %ge3A_518 = arith.constant 0.000000e+00 : f32
    %ge3A_519 = vector.broadcast %ge3A_518 : f32 to vector<16x1600xf32>
    %ge3A_520 = arith.cmpf oge, %dot_general3A_511, %ge3A_519 : vector<16x1600xf32>
    %convert_element_type3A_521 = arith.extui %ge3A_520 : vector<16x1600xi1> to vector<16x1600xi32>
    %convert_element_type3A_522 = arith.sitofp %convert_element_type3A_521 : vector<16x1600xi32> to vector<16x1600xf32>
    %convert_element_type3A_523 = arith.truncf %convert_element_type3A_522 : vector<16x1600xf32> to vector<16x1600xbf16>
    %ge3A_524 = arith.constant 5.000000e-01 : f32
    %ge3A_525 = vector.broadcast %ge3A_524 : f32 to vector<16x1600xf32>
    %ge3A_526 = arith.cmpf oge, %dot_general3A_511, %ge3A_525 : vector<16x1600xf32>
    %convert_element_type3A_527 = arith.extui %ge3A_526 : vector<16x1600xi1> to vector<16x1600xi32>
    %convert_element_type3A_528 = arith.sitofp %convert_element_type3A_527 : vector<16x1600xi32> to vector<16x1600xf32>
    %convert_element_type3A_529 = arith.truncf %convert_element_type3A_528 : vector<16x1600xf32> to vector<16x1600xbf16>
    %ge3A_530 = arith.constant 1.000000e+00 : f32
    %ge3A_531 = vector.broadcast %ge3A_530 : f32 to vector<16x1600xf32>
    %ge3A_532 = arith.cmpf oge, %dot_general3A_511, %ge3A_531 : vector<16x1600xf32>
    %convert_element_type3A_533 = arith.extui %ge3A_532 : vector<16x1600xi1> to vector<16x1600xi32>
    %convert_element_type3A_534 = arith.sitofp %convert_element_type3A_533 : vector<16x1600xi32> to vector<16x1600xf32>
    %convert_element_type3A_535 = arith.truncf %convert_element_type3A_534 : vector<16x1600xf32> to vector<16x1600xbf16>
    %concatenate3A_536 = tpu.concatenate %convert_element_type3A_517, %convert_element_type3A_523, %convert_element_type3A_529, %convert_element_type3A_535 in 0 : vector<16x1600xbf16>, vector<16x1600xbf16>, vector<16x1600xbf16>, vector<16x1600xbf16> -> vector<64x1600xbf16>
    %get3A_537 = arith.constant 0 : index
    %get3A_538 = arith.constant 0 : index
    %get3A_539 = vector.load %arg4[%get3A_537, %get3A_538] : memref<1600x8xbf16, #tpu.memory_space<vmem>>, vector<1600x8xbf16>
    %dot_general3A_540 = arith.constant dense<0.000000e+00> : vector<64x8xf32>
    %dot_general3A_541 = tpu.matmul %concatenate3A_536, %get3A_539, %dot_general3A_540 {dimension_numbers = #tpu.dot_dimension_numbers<[1], [0], [0], [1], [0, 0, 1, 1], [], []>, transpose_lhs_hint = false} : vector<64x1600xbf16>, vector<1600x8xbf16>, vector<64x8xf32> -> vector<64x8xf32>
    %slice3A_542 = vector.extract_strided_slice %dot_general3A_541 {offsets = [0, 0], sizes = [16, 8], strides = [1, 1]} : vector<64x8xf32> to vector<16x8xf32>
    %slice3A_543 = vector.extract_strided_slice %dot_general3A_541 {offsets = [16, 0], sizes = [16, 8], strides = [1, 1]} : vector<64x8xf32> to vector<16x8xf32>
    %slice3A_544 = vector.extract_strided_slice %dot_general3A_541 {offsets = [32, 0], sizes = [16, 8], strides = [1, 1]} : vector<64x8xf32> to vector<16x8xf32>
    %slice3A_545 = vector.extract_strided_slice %dot_general3A_541 {offsets = [48, 0], sizes = [16, 8], strides = [1, 1]} : vector<64x8xf32> to vector<16x8xf32>
    %sub3A_546 = arith.constant 2.000000e+02 : f32
    %sub3A_547 = vector.broadcast %sub3A_546 : f32 to vector<16x8xf32>
    %sub3A_548 = arith.subf %sub3A_547, %slice3A_542 : vector<16x8xf32>
    %get3A_549 = arith.constant 0 : index
    %get3A_550 = memref.load %arg5[%get3A_549] : memref<16xf32, #tpu.memory_space<smem>>
    %mul3A_551 = vector.broadcast %get3A_550 : f32 to vector<16x8xf32>
    %mul3A_552 = arith.mulf %sub3A_548, %mul3A_551 : vector<16x8xf32>
    %sub3A_553 = arith.subf %slice3A_542, %slice3A_543 : vector<16x8xf32>
    %get3A_554 = arith.constant 1 : index
    %get3A_555 = memref.load %arg5[%get3A_554] : memref<16xf32, #tpu.memory_space<smem>>
    %mul3A_556 = vector.broadcast %get3A_555 : f32 to vector<16x8xf32>
    %mul3A_557 = arith.mulf %sub3A_553, %mul3A_556 : vector<16x8xf32>
    %add3A_558 = arith.addf %mul3A_552, %mul3A_557 : vector<16x8xf32>
    %sub3A_559 = arith.subf %slice3A_543, %slice3A_544 : vector<16x8xf32>
    %get3A_560 = arith.constant 2 : index
    %get3A_561 = memref.load %arg5[%get3A_560] : memref<16xf32, #tpu.memory_space<smem>>
    %mul3A_562 = vector.broadcast %get3A_561 : f32 to vector<16x8xf32>
    %mul3A_563 = arith.mulf %sub3A_559, %mul3A_562 : vector<16x8xf32>
    %add3A_564 = arith.addf %add3A_558, %mul3A_563 : vector<16x8xf32>
    %sub3A_565 = arith.subf %slice3A_544, %slice3A_545 : vector<16x8xf32>
    %get3A_566 = arith.constant 3 : index
    %get3A_567 = memref.load %arg5[%get3A_566] : memref<16xf32, #tpu.memory_space<smem>>
    %mul3A_568 = vector.broadcast %get3A_567 : f32 to vector<16x8xf32>
    %mul3A_569 = arith.mulf %sub3A_565, %mul3A_568 : vector<16x8xf32>
    %add3A_570 = arith.addf %add3A_564, %mul3A_569 : vector<16x8xf32>
    %get3A_571 = arith.constant 4 : index
    %get3A_572 = memref.load %arg5[%get3A_571] : memref<16xf32, #tpu.memory_space<smem>>
    %mul3A_573 = vector.broadcast %get3A_572 : f32 to vector<16x8xf32>
    %mul3A_574 = arith.mulf %slice3A_545, %mul3A_573 : vector<16x8xf32>
    %add3A_575 = arith.addf %add3A_570, %mul3A_574 : vector<16x8xf32>
    %get3A_576 = arith.constant 6 : index
    %get3A_577 = memref.load %arg5[%get3A_576] : memref<16xf32, #tpu.memory_space<smem>>
    %add3A_578 = vector.broadcast %get3A_577 : f32 to vector<16x8xf32>
    %add3A_579 = arith.addf %add3A_575, %add3A_578 : vector<16x8xf32>
    %get3A_580 = arith.constant 7 : index
    %get3A_581 = memref.load %arg5[%get3A_580] : memref<16xf32, #tpu.memory_space<smem>>
    %mul3A_582 = vector.broadcast %get3A_581 : f32 to vector<16x8xf32>
    %mul3A_583 = arith.mulf %add3A_579, %mul3A_582 : vector<16x8xf32>
    %get3A_584 = arith.constant 8 : index
    %get3A_585 = memref.load %arg5[%get3A_584] : memref<16xf32, #tpu.memory_space<smem>>
    %add3A_586 = vector.broadcast %get3A_585 : f32 to vector<16x8xf32>
    %add3A_587 = arith.addf %mul3A_583, %add3A_586 : vector<16x8xf32>
    %mul3A_588 = vector.broadcast %div3A_489 : vector<16x1xf32> to vector<16x8xf32>
    %mul3A_589 = arith.mulf %add3A_587, %mul3A_588 : vector<16x8xf32>
    %reduce_sum3A_590 = arith.constant dense<0.000000e+00> : vector<8xf32>
    %reduce_sum3A_591 = vector.multi_reduction <add>, %mul3A_589, %reduce_sum3A_590 [0] : vector<16x8xf32> to vector<8xf32>
    %broadcast_in_dim3A_592 = vector.shape_cast %reduce_sum3A_591 : vector<8xf32> to vector<1x8xf32>
    %get3A_593 = arith.constant 9 : index
    %get3A_594 = memref.load %arg5[%get3A_593] : memref<16xf32, #tpu.memory_space<smem>>
    %mul3A_595 = vector.broadcast %get3A_594 : f32 to vector<1x8xf32>
    %mul3A_596 = arith.mulf %broadcast_in_dim3A_592, %mul3A_595 : vector<1x8xf32>
    %get3A_597 = arith.constant 10 : index
    %get3A_598 = memref.load %arg5[%get3A_597] : memref<16xf32, #tpu.memory_space<smem>>
    %add3A_599 = vector.broadcast %get3A_598 : f32 to vector<1x8xf32>
    %add3A_600 = arith.addf %mul3A_596, %add3A_599 : vector<1x8xf32>
    %swap3A_601 = arith.constant 3 : index
    %swap3A_602 = arith.constant 0 : index
    %swap3A_603 = arith.constant 0 : index
    %swap3A_604 = vector.load %arg6[%swap3A_601, %swap3A_602, %swap3A_603] : memref<8x1x8xf32, #tpu.memory_space<vmem>>, vector<1x1x8xf32>
    %swap3A_605 = vector.shape_cast %swap3A_604 : vector<1x1x8xf32> to vector<1x8xf32>
    %swap3A_606 = vector.shape_cast %add3A_600 : vector<1x8xf32> to vector<1x1x8xf32>
    tpu.vector_store %arg6[%swap3A_601, %swap3A_602, %swap3A_603], %swap3A_606 {strides = array<i32>} : memref<8x1x8xf32, #tpu.memory_space<vmem>>, vector<1x1x8xf32>,
    %get3A_607 = arith.constant 4 : index
    %get3A_608 = arith.constant 0 : index
    %get3A_609 = arith.constant 0 : index
    %get3A_610 = vector.load %arg1[%get3A_607, %get3A_608, %get3A_609] : memref<8x1600x128xf32, #tpu.memory_space<vmem>>, vector<1x1600x128xf32>
    %get3A_611 = vector.shape_cast %get3A_610 : vector<1x1600x128xf32> to vector<1600x128xf32>
    %get3A_612 = arith.constant 4 : index
    %get3A_613 = arith.constant 0 : index
    %get3A_614 = arith.constant 0 : index
    %get3A_615 = vector.load %arg2[%get3A_612, %get3A_613, %get3A_614] : memref<8x16x128xf32, #tpu.memory_space<vmem>>, vector<1x16x128xf32>
    %get3A_616 = vector.shape_cast %get3A_615 : vector<1x16x128xf32> to vector<16x128xf32>
    %get3A_617 = arith.constant 0 : index
    %get3A_618 = arith.constant 0 : index
    %get3A_619 = vector.load %arg3[%get3A_617, %get3A_618] : memref<1x128xf32, #tpu.memory_space<vmem>>, vector<1x128xf32>
    %mul3A_620 = vector.broadcast %get3A_619 : vector<1x128xf32> to vector<16x128xf32>
    %mul3A_621 = arith.mulf %get3A_616, %mul3A_620 : vector<16x128xf32>
    %reduce_sum3A_622 = arith.constant dense<0.000000e+00> : vector<16xf32>
    %reduce_sum3A_623 = vector.multi_reduction <add>, %mul3A_621, %reduce_sum3A_622 [1] : vector<16x128xf32> to vector<16xf32>
    %broadcast_in_dim3A_624 = vector.shape_cast %reduce_sum3A_623 : vector<16xf32> to vector<16x1xf32>
    %get3A_625 = arith.constant 5 : index
    %get3A_626 = memref.load %arg5[%get3A_625] : memref<16xf32, #tpu.memory_space<smem>>
    %add3A_627 = vector.broadcast %get3A_626 : f32 to vector<16x1xf32>
    %add3A_628 = arith.addf %broadcast_in_dim3A_624, %add3A_627 : vector<16x1xf32>
    %iota3A_629 = tpu.iota {dimensions = array<i32: 0>} : vector<16x1xi32>
    %lt3A_630 = arith.constant 10 : i32
    %lt3A_631 = vector.broadcast %lt3A_630 : i32 to vector<16x1xi32>
    %lt3A_632 = arith.cmpi slt, %iota3A_629, %lt3A_631 : vector<16x1xi32>
    %jit3A_633 = arith.constant 0xFF800000 : f32
    %broadcast_in_dim3A_634 = vector.broadcast %jit3A_633 : f32 to vector<16x1xf32>
    %select_n3A_635 = arith.select %lt3A_632, %add3A_628, %broadcast_in_dim3A_634 : vector<16x1xi1>, vector<16x1xf32>
    %reduce_max3A_636 = arith.constant dense<0xFF800000> : vector<1xf32>
    %reduce_max3A_637 = vector.multi_reduction <maximumf>, %select_n3A_635, %reduce_max3A_636 [0] : vector<16x1xf32> to vector<1xf32>
    %broadcast_in_dim3A_638 = vector.shape_cast %reduce_max3A_637 : vector<1xf32> to vector<1x1xf32>
    %sub3A_639 = vector.broadcast %broadcast_in_dim3A_638 : vector<1x1xf32> to vector<16x1xf32>
    %sub3A_640 = arith.subf %select_n3A_635, %sub3A_639 : vector<16x1xf32>
    %exp3A_641 = math.exp %sub3A_640 : vector<16x1xf32>
    %reduce_sum3A_642 = arith.constant dense<0.000000e+00> : vector<1xf32>
    %reduce_sum3A_643 = vector.multi_reduction <add>, %exp3A_641, %reduce_sum3A_642 [0] : vector<16x1xf32> to vector<1xf32>
    %broadcast_in_dim3A_644 = vector.shape_cast %reduce_sum3A_643 : vector<1xf32> to vector<1x1xf32>
    %div3A_645 = vector.broadcast %broadcast_in_dim3A_644 : vector<1x1xf32> to vector<16x1xf32>
    %div3A_646 = arith.divf %exp3A_641, %div3A_645 : vector<16x1xf32>
    %mul3A_647 = arith.mulf %get3A_616, %get3A_616 : vector<16x128xf32>
    %reduce_sum3A_648 = arith.constant dense<0.000000e+00> : vector<16xf32>
    %reduce_sum3A_649 = vector.multi_reduction <add>, %mul3A_647, %reduce_sum3A_648 [1] : vector<16x128xf32> to vector<16xf32>
    %broadcast_in_dim3A_650 = vector.shape_cast %reduce_sum3A_649 : vector<16xf32> to vector<16x1xf32>
    %sqrt3A_651 = math.sqrt %broadcast_in_dim3A_650 : vector<16x1xf32>
    %max3A_652 = arith.constant 9.99999993E-9 : f32
    %max3A_653 = vector.broadcast %max3A_652 : f32 to vector<16x1xf32>
    %max3A_654 = arith.maximumf %sqrt3A_651, %max3A_653 : vector<16x1xf32>
    %div3A_655 = vector.broadcast %max3A_654 : vector<16x1xf32> to vector<16x128xf32>
    %div3A_656 = arith.divf %get3A_616, %div3A_655 : vector<16x128xf32>
    %mul3A_657 = arith.mulf %get3A_611, %get3A_611 : vector<1600x128xf32>
    %reduce_sum3A_658 = arith.constant dense<0.000000e+00> : vector<1600xf32>
    %reduce_sum3A_659 = vector.multi_reduction <add>, %mul3A_657, %reduce_sum3A_658 [1] : vector<1600x128xf32> to vector<1600xf32>
    %broadcast_in_dim3A_660 = vector.shape_cast %reduce_sum3A_659 : vector<1600xf32> to vector<1600x1xf32>
    %sqrt3A_661 = math.sqrt %broadcast_in_dim3A_660 : vector<1600x1xf32>
    %max3A_662 = arith.constant 9.99999993E-9 : f32
    %max3A_663 = vector.broadcast %max3A_662 : f32 to vector<1600x1xf32>
    %max3A_664 = arith.maximumf %sqrt3A_661, %max3A_663 : vector<1600x1xf32>
    %div3A_665 = vector.broadcast %max3A_664 : vector<1600x1xf32> to vector<1600x128xf32>
    %div3A_666 = arith.divf %get3A_611, %div3A_665 : vector<1600x128xf32>
    %dot_general3A_667 = arith.constant dense<0.000000e+00> : vector<16x1600xf32>
    %dot_general3A_668 = tpu.matmul %div3A_656, %div3A_666, %dot_general3A_667 {dimension_numbers = #tpu.dot_dimension_numbers<[1], [1], [0], [0], [0, 0, 1, 0], [], []>, transpose_lhs_hint = false} : vector<16x128xf32>, vector<1600x128xf32>, vector<16x1600xf32> -> vector<16x1600xf32>
    %ge3A_669 = arith.constant -5.000000e-01 : f32
    %ge3A_670 = vector.broadcast %ge3A_669 : f32 to vector<16x1600xf32>
    %ge3A_671 = arith.cmpf oge, %dot_general3A_668, %ge3A_670 : vector<16x1600xf32>
    %convert_element_type3A_672 = arith.extui %ge3A_671 : vector<16x1600xi1> to vector<16x1600xi32>
    %convert_element_type3A_673 = arith.sitofp %convert_element_type3A_672 : vector<16x1600xi32> to vector<16x1600xf32>
    %convert_element_type3A_674 = arith.truncf %convert_element_type3A_673 : vector<16x1600xf32> to vector<16x1600xbf16>
    %ge3A_675 = arith.constant 0.000000e+00 : f32
    %ge3A_676 = vector.broadcast %ge3A_675 : f32 to vector<16x1600xf32>
    %ge3A_677 = arith.cmpf oge, %dot_general3A_668, %ge3A_676 : vector<16x1600xf32>
    %convert_element_type3A_678 = arith.extui %ge3A_677 : vector<16x1600xi1> to vector<16x1600xi32>
    %convert_element_type3A_679 = arith.sitofp %convert_element_type3A_678 : vector<16x1600xi32> to vector<16x1600xf32>
    %convert_element_type3A_680 = arith.truncf %convert_element_type3A_679 : vector<16x1600xf32> to vector<16x1600xbf16>
    %ge3A_681 = arith.constant 5.000000e-01 : f32
    %ge3A_682 = vector.broadcast %ge3A_681 : f32 to vector<16x1600xf32>
    %ge3A_683 = arith.cmpf oge, %dot_general3A_668, %ge3A_682 : vector<16x1600xf32>
    %convert_element_type3A_684 = arith.extui %ge3A_683 : vector<16x1600xi1> to vector<16x1600xi32>
    %convert_element_type3A_685 = arith.sitofp %convert_element_type3A_684 : vector<16x1600xi32> to vector<16x1600xf32>
    %convert_element_type3A_686 = arith.truncf %convert_element_type3A_685 : vector<16x1600xf32> to vector<16x1600xbf16>
    %ge3A_687 = arith.constant 1.000000e+00 : f32
    %ge3A_688 = vector.broadcast %ge3A_687 : f32 to vector<16x1600xf32>
    %ge3A_689 = arith.cmpf oge, %dot_general3A_668, %ge3A_688 : vector<16x1600xf32>
    %convert_element_type3A_690 = arith.extui %ge3A_689 : vector<16x1600xi1> to vector<16x1600xi32>
    %convert_element_type3A_691 = arith.sitofp %convert_element_type3A_690 : vector<16x1600xi32> to vector<16x1600xf32>
    %convert_element_type3A_692 = arith.truncf %convert_element_type3A_691 : vector<16x1600xf32> to vector<16x1600xbf16>
    %concatenate3A_693 = tpu.concatenate %convert_element_type3A_674, %convert_element_type3A_680, %convert_element_type3A_686, %convert_element_type3A_692 in 0 : vector<16x1600xbf16>, vector<16x1600xbf16>, vector<16x1600xbf16>, vector<16x1600xbf16> -> vector<64x1600xbf16>
    %get3A_694 = arith.constant 0 : index
    %get3A_695 = arith.constant 0 : index
    %get3A_696 = vector.load %arg4[%get3A_694, %get3A_695] : memref<1600x8xbf16, #tpu.memory_space<vmem>>, vector<1600x8xbf16>
    %dot_general3A_697 = arith.constant dense<0.000000e+00> : vector<64x8xf32>
    %dot_general3A_698 = tpu.matmul %concatenate3A_693, %get3A_696, %dot_general3A_697 {dimension_numbers = #tpu.dot_dimension_numbers<[1], [0], [0], [1], [0, 0, 1, 1], [], []>, transpose_lhs_hint = false} : vector<64x1600xbf16>, vector<1600x8xbf16>, vector<64x8xf32> -> vector<64x8xf32>
    %slice3A_699 = vector.extract_strided_slice %dot_general3A_698 {offsets = [0, 0], sizes = [16, 8], strides = [1, 1]} : vector<64x8xf32> to vector<16x8xf32>
    %slice3A_700 = vector.extract_strided_slice %dot_general3A_698 {offsets = [16, 0], sizes = [16, 8], strides = [1, 1]} : vector<64x8xf32> to vector<16x8xf32>
    %slice3A_701 = vector.extract_strided_slice %dot_general3A_698 {offsets = [32, 0], sizes = [16, 8], strides = [1, 1]} : vector<64x8xf32> to vector<16x8xf32>
    %slice3A_702 = vector.extract_strided_slice %dot_general3A_698 {offsets = [48, 0], sizes = [16, 8], strides = [1, 1]} : vector<64x8xf32> to vector<16x8xf32>
    %sub3A_703 = arith.constant 2.000000e+02 : f32
    %sub3A_704 = vector.broadcast %sub3A_703 : f32 to vector<16x8xf32>
    %sub3A_705 = arith.subf %sub3A_704, %slice3A_699 : vector<16x8xf32>
    %get3A_706 = arith.constant 0 : index
    %get3A_707 = memref.load %arg5[%get3A_706] : memref<16xf32, #tpu.memory_space<smem>>
    %mul3A_708 = vector.broadcast %get3A_707 : f32 to vector<16x8xf32>
    %mul3A_709 = arith.mulf %sub3A_705, %mul3A_708 : vector<16x8xf32>
    %sub3A_710 = arith.subf %slice3A_699, %slice3A_700 : vector<16x8xf32>
    %get3A_711 = arith.constant 1 : index
    %get3A_712 = memref.load %arg5[%get3A_711] : memref<16xf32, #tpu.memory_space<smem>>
    %mul3A_713 = vector.broadcast %get3A_712 : f32 to vector<16x8xf32>
    %mul3A_714 = arith.mulf %sub3A_710, %mul3A_713 : vector<16x8xf32>
    %add3A_715 = arith.addf %mul3A_709, %mul3A_714 : vector<16x8xf32>
    %sub3A_716 = arith.subf %slice3A_700, %slice3A_701 : vector<16x8xf32>
    %get3A_717 = arith.constant 2 : index
    %get3A_718 = memref.load %arg5[%get3A_717] : memref<16xf32, #tpu.memory_space<smem>>
    %mul3A_719 = vector.broadcast %get3A_718 : f32 to vector<16x8xf32>
    %mul3A_720 = arith.mulf %sub3A_716, %mul3A_719 : vector<16x8xf32>
    %add3A_721 = arith.addf %add3A_715, %mul3A_720 : vector<16x8xf32>
    %sub3A_722 = arith.subf %slice3A_701, %slice3A_702 : vector<16x8xf32>
    %get3A_723 = arith.constant 3 : index
    %get3A_724 = memref.load %arg5[%get3A_723] : memref<16xf32, #tpu.memory_space<smem>>
    %mul3A_725 = vector.broadcast %get3A_724 : f32 to vector<16x8xf32>
    %mul3A_726 = arith.mulf %sub3A_722, %mul3A_725 : vector<16x8xf32>
    %add3A_727 = arith.addf %add3A_721, %mul3A_726 : vector<16x8xf32>
    %get3A_728 = arith.constant 4 : index
    %get3A_729 = memref.load %arg5[%get3A_728] : memref<16xf32, #tpu.memory_space<smem>>
    %mul3A_730 = vector.broadcast %get3A_729 : f32 to vector<16x8xf32>
    %mul3A_731 = arith.mulf %slice3A_702, %mul3A_730 : vector<16x8xf32>
    %add3A_732 = arith.addf %add3A_727, %mul3A_731 : vector<16x8xf32>
    %get3A_733 = arith.constant 6 : index
    %get3A_734 = memref.load %arg5[%get3A_733] : memref<16xf32, #tpu.memory_space<smem>>
    %add3A_735 = vector.broadcast %get3A_734 : f32 to vector<16x8xf32>
    %add3A_736 = arith.addf %add3A_732, %add3A_735 : vector<16x8xf32>
    %get3A_737 = arith.constant 7 : index
    %get3A_738 = memref.load %arg5[%get3A_737] : memref<16xf32, #tpu.memory_space<smem>>
    %mul3A_739 = vector.broadcast %get3A_738 : f32 to vector<16x8xf32>
    %mul3A_740 = arith.mulf %add3A_736, %mul3A_739 : vector<16x8xf32>
    %get3A_741 = arith.constant 8 : index
    %get3A_742 = memref.load %arg5[%get3A_741] : memref<16xf32, #tpu.memory_space<smem>>
    %add3A_743 = vector.broadcast %get3A_742 : f32 to vector<16x8xf32>
    %add3A_744 = arith.addf %mul3A_740, %add3A_743 : vector<16x8xf32>
    %mul3A_745 = vector.broadcast %div3A_646 : vector<16x1xf32> to vector<16x8xf32>
    %mul3A_746 = arith.mulf %add3A_744, %mul3A_745 : vector<16x8xf32>
    %reduce_sum3A_747 = arith.constant dense<0.000000e+00> : vector<8xf32>
    %reduce_sum3A_748 = vector.multi_reduction <add>, %mul3A_746, %reduce_sum3A_747 [0] : vector<16x8xf32> to vector<8xf32>
    %broadcast_in_dim3A_749 = vector.shape_cast %reduce_sum3A_748 : vector<8xf32> to vector<1x8xf32>
    %get3A_750 = arith.constant 9 : index
    %get3A_751 = memref.load %arg5[%get3A_750] : memref<16xf32, #tpu.memory_space<smem>>
    %mul3A_752 = vector.broadcast %get3A_751 : f32 to vector<1x8xf32>
    %mul3A_753 = arith.mulf %broadcast_in_dim3A_749, %mul3A_752 : vector<1x8xf32>
    %get3A_754 = arith.constant 10 : index
    %get3A_755 = memref.load %arg5[%get3A_754] : memref<16xf32, #tpu.memory_space<smem>>
    %add3A_756 = vector.broadcast %get3A_755 : f32 to vector<1x8xf32>
    %add3A_757 = arith.addf %mul3A_753, %add3A_756 : vector<1x8xf32>
    %swap3A_758 = arith.constant 4 : index
    %swap3A_759 = arith.constant 0 : index
    %swap3A_760 = arith.constant 0 : index
    %swap3A_761 = vector.load %arg6[%swap3A_758, %swap3A_759, %swap3A_760] : memref<8x1x8xf32, #tpu.memory_space<vmem>>, vector<1x1x8xf32>
    %swap3A_762 = vector.shape_cast %swap3A_761 : vector<1x1x8xf32> to vector<1x8xf32>
    %swap3A_763 = vector.shape_cast %add3A_757 : vector<1x8xf32> to vector<1x1x8xf32>
    tpu.vector_store %arg6[%swap3A_758, %swap3A_759, %swap3A_760], %swap3A_763 {strides = array<i32>} : memref<8x1x8xf32, #tpu.memory_space<vmem>>, vector<1x1x8xf32>,
    %get3A_764 = arith.constant 5 : index
    %get3A_765 = arith.constant 0 : index
    %get3A_766 = arith.constant 0 : index
    %get3A_767 = vector.load %arg1[%get3A_764, %get3A_765, %get3A_766] : memref<8x1600x128xf32, #tpu.memory_space<vmem>>, vector<1x1600x128xf32>
    %get3A_768 = vector.shape_cast %get3A_767 : vector<1x1600x128xf32> to vector<1600x128xf32>
    %get3A_769 = arith.constant 5 : index
    %get3A_770 = arith.constant 0 : index
    %get3A_771 = arith.constant 0 : index
    %get3A_772 = vector.load %arg2[%get3A_769, %get3A_770, %get3A_771] : memref<8x16x128xf32, #tpu.memory_space<vmem>>, vector<1x16x128xf32>
    %get3A_773 = vector.shape_cast %get3A_772 : vector<1x16x128xf32> to vector<16x128xf32>
    %get3A_774 = arith.constant 0 : index
    %get3A_775 = arith.constant 0 : index
    %get3A_776 = vector.load %arg3[%get3A_774, %get3A_775] : memref<1x128xf32, #tpu.memory_space<vmem>>, vector<1x128xf32>
    %mul3A_777 = vector.broadcast %get3A_776 : vector<1x128xf32> to vector<16x128xf32>
    %mul3A_778 = arith.mulf %get3A_773, %mul3A_777 : vector<16x128xf32>
    %reduce_sum3A_779 = arith.constant dense<0.000000e+00> : vector<16xf32>
    %reduce_sum3A_780 = vector.multi_reduction <add>, %mul3A_778, %reduce_sum3A_779 [1] : vector<16x128xf32> to vector<16xf32>
    %broadcast_in_dim3A_781 = vector.shape_cast %reduce_sum3A_780 : vector<16xf32> to vector<16x1xf32>
    %get3A_782 = arith.constant 5 : index
    %get3A_783 = memref.load %arg5[%get3A_782] : memref<16xf32, #tpu.memory_space<smem>>
    %add3A_784 = vector.broadcast %get3A_783 : f32 to vector<16x1xf32>
    %add3A_785 = arith.addf %broadcast_in_dim3A_781, %add3A_784 : vector<16x1xf32>
    %iota3A_786 = tpu.iota {dimensions = array<i32: 0>} : vector<16x1xi32>
    %lt3A_787 = arith.constant 10 : i32
    %lt3A_788 = vector.broadcast %lt3A_787 : i32 to vector<16x1xi32>
    %lt3A_789 = arith.cmpi slt, %iota3A_786, %lt3A_788 : vector<16x1xi32>
    %jit3A_790 = arith.constant 0xFF800000 : f32
    %broadcast_in_dim3A_791 = vector.broadcast %jit3A_790 : f32 to vector<16x1xf32>
    %select_n3A_792 = arith.select %lt3A_789, %add3A_785, %broadcast_in_dim3A_791 : vector<16x1xi1>, vector<16x1xf32>
    %reduce_max3A_793 = arith.constant dense<0xFF800000> : vector<1xf32>
    %reduce_max3A_794 = vector.multi_reduction <maximumf>, %select_n3A_792, %reduce_max3A_793 [0] : vector<16x1xf32> to vector<1xf32>
    %broadcast_in_dim3A_795 = vector.shape_cast %reduce_max3A_794 : vector<1xf32> to vector<1x1xf32>
    %sub3A_796 = vector.broadcast %broadcast_in_dim3A_795 : vector<1x1xf32> to vector<16x1xf32>
    %sub3A_797 = arith.subf %select_n3A_792, %sub3A_796 : vector<16x1xf32>
    %exp3A_798 = math.exp %sub3A_797 : vector<16x1xf32>
    %reduce_sum3A_799 = arith.constant dense<0.000000e+00> : vector<1xf32>
    %reduce_sum3A_800 = vector.multi_reduction <add>, %exp3A_798, %reduce_sum3A_799 [0] : vector<16x1xf32> to vector<1xf32>
    %broadcast_in_dim3A_801 = vector.shape_cast %reduce_sum3A_800 : vector<1xf32> to vector<1x1xf32>
    %div3A_802 = vector.broadcast %broadcast_in_dim3A_801 : vector<1x1xf32> to vector<16x1xf32>
    %div3A_803 = arith.divf %exp3A_798, %div3A_802 : vector<16x1xf32>
    %mul3A_804 = arith.mulf %get3A_773, %get3A_773 : vector<16x128xf32>
    %reduce_sum3A_805 = arith.constant dense<0.000000e+00> : vector<16xf32>
    %reduce_sum3A_806 = vector.multi_reduction <add>, %mul3A_804, %reduce_sum3A_805 [1] : vector<16x128xf32> to vector<16xf32>
    %broadcast_in_dim3A_807 = vector.shape_cast %reduce_sum3A_806 : vector<16xf32> to vector<16x1xf32>
    %sqrt3A_808 = math.sqrt %broadcast_in_dim3A_807 : vector<16x1xf32>
    %max3A_809 = arith.constant 9.99999993E-9 : f32
    %max3A_810 = vector.broadcast %max3A_809 : f32 to vector<16x1xf32>
    %max3A_811 = arith.maximumf %sqrt3A_808, %max3A_810 : vector<16x1xf32>
    %div3A_812 = vector.broadcast %max3A_811 : vector<16x1xf32> to vector<16x128xf32>
    %div3A_813 = arith.divf %get3A_773, %div3A_812 : vector<16x128xf32>
    %mul3A_814 = arith.mulf %get3A_768, %get3A_768 : vector<1600x128xf32>
    %reduce_sum3A_815 = arith.constant dense<0.000000e+00> : vector<1600xf32>
    %reduce_sum3A_816 = vector.multi_reduction <add>, %mul3A_814, %reduce_sum3A_815 [1] : vector<1600x128xf32> to vector<1600xf32>
    %broadcast_in_dim3A_817 = vector.shape_cast %reduce_sum3A_816 : vector<1600xf32> to vector<1600x1xf32>
    %sqrt3A_818 = math.sqrt %broadcast_in_dim3A_817 : vector<1600x1xf32>
    %max3A_819 = arith.constant 9.99999993E-9 : f32
    %max3A_820 = vector.broadcast %max3A_819 : f32 to vector<1600x1xf32>
    %max3A_821 = arith.maximumf %sqrt3A_818, %max3A_820 : vector<1600x1xf32>
    %div3A_822 = vector.broadcast %max3A_821 : vector<1600x1xf32> to vector<1600x128xf32>
    %div3A_823 = arith.divf %get3A_768, %div3A_822 : vector<1600x128xf32>
    %dot_general3A_824 = arith.constant dense<0.000000e+00> : vector<16x1600xf32>
    %dot_general3A_825 = tpu.matmul %div3A_813, %div3A_823, %dot_general3A_824 {dimension_numbers = #tpu.dot_dimension_numbers<[1], [1], [0], [0], [0, 0, 1, 0], [], []>, transpose_lhs_hint = false} : vector<16x128xf32>, vector<1600x128xf32>, vector<16x1600xf32> -> vector<16x1600xf32>
    %ge3A_826 = arith.constant -5.000000e-01 : f32
    %ge3A_827 = vector.broadcast %ge3A_826 : f32 to vector<16x1600xf32>
    %ge3A_828 = arith.cmpf oge, %dot_general3A_825, %ge3A_827 : vector<16x1600xf32>
    %convert_element_type3A_829 = arith.extui %ge3A_828 : vector<16x1600xi1> to vector<16x1600xi32>
    %convert_element_type3A_830 = arith.sitofp %convert_element_type3A_829 : vector<16x1600xi32> to vector<16x1600xf32>
    %convert_element_type3A_831 = arith.truncf %convert_element_type3A_830 : vector<16x1600xf32> to vector<16x1600xbf16>
    %ge3A_832 = arith.constant 0.000000e+00 : f32
    %ge3A_833 = vector.broadcast %ge3A_832 : f32 to vector<16x1600xf32>
    %ge3A_834 = arith.cmpf oge, %dot_general3A_825, %ge3A_833 : vector<16x1600xf32>
    %convert_element_type3A_835 = arith.extui %ge3A_834 : vector<16x1600xi1> to vector<16x1600xi32>
    %convert_element_type3A_836 = arith.sitofp %convert_element_type3A_835 : vector<16x1600xi32> to vector<16x1600xf32>
    %convert_element_type3A_837 = arith.truncf %convert_element_type3A_836 : vector<16x1600xf32> to vector<16x1600xbf16>
    %ge3A_838 = arith.constant 5.000000e-01 : f32
    %ge3A_839 = vector.broadcast %ge3A_838 : f32 to vector<16x1600xf32>
    %ge3A_840 = arith.cmpf oge, %dot_general3A_825, %ge3A_839 : vector<16x1600xf32>
    %convert_element_type3A_841 = arith.extui %ge3A_840 : vector<16x1600xi1> to vector<16x1600xi32>
    %convert_element_type3A_842 = arith.sitofp %convert_element_type3A_841 : vector<16x1600xi32> to vector<16x1600xf32>
    %convert_element_type3A_843 = arith.truncf %convert_element_type3A_842 : vector<16x1600xf32> to vector<16x1600xbf16>
    %ge3A_844 = arith.constant 1.000000e+00 : f32
    %ge3A_845 = vector.broadcast %ge3A_844 : f32 to vector<16x1600xf32>
    %ge3A_846 = arith.cmpf oge, %dot_general3A_825, %ge3A_845 : vector<16x1600xf32>
    %convert_element_type3A_847 = arith.extui %ge3A_846 : vector<16x1600xi1> to vector<16x1600xi32>
    %convert_element_type3A_848 = arith.sitofp %convert_element_type3A_847 : vector<16x1600xi32> to vector<16x1600xf32>
    %convert_element_type3A_849 = arith.truncf %convert_element_type3A_848 : vector<16x1600xf32> to vector<16x1600xbf16>
    %concatenate3A_850 = tpu.concatenate %convert_element_type3A_831, %convert_element_type3A_837, %convert_element_type3A_843, %convert_element_type3A_849 in 0 : vector<16x1600xbf16>, vector<16x1600xbf16>, vector<16x1600xbf16>, vector<16x1600xbf16> -> vector<64x1600xbf16>
    %get3A_851 = arith.constant 0 : index
    %get3A_852 = arith.constant 0 : index
    %get3A_853 = vector.load %arg4[%get3A_851, %get3A_852] : memref<1600x8xbf16, #tpu.memory_space<vmem>>, vector<1600x8xbf16>
    %dot_general3A_854 = arith.constant dense<0.000000e+00> : vector<64x8xf32>
    %dot_general3A_855 = tpu.matmul %concatenate3A_850, %get3A_853, %dot_general3A_854 {dimension_numbers = #tpu.dot_dimension_numbers<[1], [0], [0], [1], [0, 0, 1, 1], [], []>, transpose_lhs_hint = false} : vector<64x1600xbf16>, vector<1600x8xbf16>, vector<64x8xf32> -> vector<64x8xf32>
    %slice3A_856 = vector.extract_strided_slice %dot_general3A_855 {offsets = [0, 0], sizes = [16, 8], strides = [1, 1]} : vector<64x8xf32> to vector<16x8xf32>
    %slice3A_857 = vector.extract_strided_slice %dot_general3A_855 {offsets = [16, 0], sizes = [16, 8], strides = [1, 1]} : vector<64x8xf32> to vector<16x8xf32>
    %slice3A_858 = vector.extract_strided_slice %dot_general3A_855 {offsets = [32, 0], sizes = [16, 8], strides = [1, 1]} : vector<64x8xf32> to vector<16x8xf32>
    %slice3A_859 = vector.extract_strided_slice %dot_general3A_855 {offsets = [48, 0], sizes = [16, 8], strides = [1, 1]} : vector<64x8xf32> to vector<16x8xf32>
    %sub3A_860 = arith.constant 2.000000e+02 : f32
    %sub3A_861 = vector.broadcast %sub3A_860 : f32 to vector<16x8xf32>
    %sub3A_862 = arith.subf %sub3A_861, %slice3A_856 : vector<16x8xf32>
    %get3A_863 = arith.constant 0 : index
    %get3A_864 = memref.load %arg5[%get3A_863] : memref<16xf32, #tpu.memory_space<smem>>
    %mul3A_865 = vector.broadcast %get3A_864 : f32 to vector<16x8xf32>
    %mul3A_866 = arith.mulf %sub3A_862, %mul3A_865 : vector<16x8xf32>
    %sub3A_867 = arith.subf %slice3A_856, %slice3A_857 : vector<16x8xf32>
    %get3A_868 = arith.constant 1 : index
    %get3A_869 = memref.load %arg5[%get3A_868] : memref<16xf32, #tpu.memory_space<smem>>
    %mul3A_870 = vector.broadcast %get3A_869 : f32 to vector<16x8xf32>
    %mul3A_871 = arith.mulf %sub3A_867, %mul3A_870 : vector<16x8xf32>
    %add3A_872 = arith.addf %mul3A_866, %mul3A_871 : vector<16x8xf32>
    %sub3A_873 = arith.subf %slice3A_857, %slice3A_858 : vector<16x8xf32>
    %get3A_874 = arith.constant 2 : index
    %get3A_875 = memref.load %arg5[%get3A_874] : memref<16xf32, #tpu.memory_space<smem>>
    %mul3A_876 = vector.broadcast %get3A_875 : f32 to vector<16x8xf32>
    %mul3A_877 = arith.mulf %sub3A_873, %mul3A_876 : vector<16x8xf32>
    %add3A_878 = arith.addf %add3A_872, %mul3A_877 : vector<16x8xf32>
    %sub3A_879 = arith.subf %slice3A_858, %slice3A_859 : vector<16x8xf32>
    %get3A_880 = arith.constant 3 : index
    %get3A_881 = memref.load %arg5[%get3A_880] : memref<16xf32, #tpu.memory_space<smem>>
    %mul3A_882 = vector.broadcast %get3A_881 : f32 to vector<16x8xf32>
    %mul3A_883 = arith.mulf %sub3A_879, %mul3A_882 : vector<16x8xf32>
    %add3A_884 = arith.addf %add3A_878, %mul3A_883 : vector<16x8xf32>
    %get3A_885 = arith.constant 4 : index
    %get3A_886 = memref.load %arg5[%get3A_885] : memref<16xf32, #tpu.memory_space<smem>>
    %mul3A_887 = vector.broadcast %get3A_886 : f32 to vector<16x8xf32>
    %mul3A_888 = arith.mulf %slice3A_859, %mul3A_887 : vector<16x8xf32>
    %add3A_889 = arith.addf %add3A_884, %mul3A_888 : vector<16x8xf32>
    %get3A_890 = arith.constant 6 : index
    %get3A_891 = memref.load %arg5[%get3A_890] : memref<16xf32, #tpu.memory_space<smem>>
    %add3A_892 = vector.broadcast %get3A_891 : f32 to vector<16x8xf32>
    %add3A_893 = arith.addf %add3A_889, %add3A_892 : vector<16x8xf32>
    %get3A_894 = arith.constant 7 : index
    %get3A_895 = memref.load %arg5[%get3A_894] : memref<16xf32, #tpu.memory_space<smem>>
    %mul3A_896 = vector.broadcast %get3A_895 : f32 to vector<16x8xf32>
    %mul3A_897 = arith.mulf %add3A_893, %mul3A_896 : vector<16x8xf32>
    %get3A_898 = arith.constant 8 : index
    %get3A_899 = memref.load %arg5[%get3A_898] : memref<16xf32, #tpu.memory_space<smem>>
    %add3A_900 = vector.broadcast %get3A_899 : f32 to vector<16x8xf32>
    %add3A_901 = arith.addf %mul3A_897, %add3A_900 : vector<16x8xf32>
    %mul3A_902 = vector.broadcast %div3A_803 : vector<16x1xf32> to vector<16x8xf32>
    %mul3A_903 = arith.mulf %add3A_901, %mul3A_902 : vector<16x8xf32>
    %reduce_sum3A_904 = arith.constant dense<0.000000e+00> : vector<8xf32>
    %reduce_sum3A_905 = vector.multi_reduction <add>, %mul3A_903, %reduce_sum3A_904 [0] : vector<16x8xf32> to vector<8xf32>
    %broadcast_in_dim3A_906 = vector.shape_cast %reduce_sum3A_905 : vector<8xf32> to vector<1x8xf32>
    %get3A_907 = arith.constant 9 : index
    %get3A_908 = memref.load %arg5[%get3A_907] : memref<16xf32, #tpu.memory_space<smem>>
    %mul3A_909 = vector.broadcast %get3A_908 : f32 to vector<1x8xf32>
    %mul3A_910 = arith.mulf %broadcast_in_dim3A_906, %mul3A_909 : vector<1x8xf32>
    %get3A_911 = arith.constant 10 : index
    %get3A_912 = memref.load %arg5[%get3A_911] : memref<16xf32, #tpu.memory_space<smem>>
    %add3A_913 = vector.broadcast %get3A_912 : f32 to vector<1x8xf32>
    %add3A_914 = arith.addf %mul3A_910, %add3A_913 : vector<1x8xf32>
    %swap3A_915 = arith.constant 5 : index
    %swap3A_916 = arith.constant 0 : index
    %swap3A_917 = arith.constant 0 : index
    %swap3A_918 = vector.load %arg6[%swap3A_915, %swap3A_916, %swap3A_917] : memref<8x1x8xf32, #tpu.memory_space<vmem>>, vector<1x1x8xf32>
    %swap3A_919 = vector.shape_cast %swap3A_918 : vector<1x1x8xf32> to vector<1x8xf32>
    %swap3A_920 = vector.shape_cast %add3A_914 : vector<1x8xf32> to vector<1x1x8xf32>
    tpu.vector_store %arg6[%swap3A_915, %swap3A_916, %swap3A_917], %swap3A_920 {strides = array<i32>} : memref<8x1x8xf32, #tpu.memory_space<vmem>>, vector<1x1x8xf32>,
    %get3A_921 = arith.constant 6 : index
    %get3A_922 = arith.constant 0 : index
    %get3A_923 = arith.constant 0 : index
    %get3A_924 = vector.load %arg1[%get3A_921, %get3A_922, %get3A_923] : memref<8x1600x128xf32, #tpu.memory_space<vmem>>, vector<1x1600x128xf32>
    %get3A_925 = vector.shape_cast %get3A_924 : vector<1x1600x128xf32> to vector<1600x128xf32>
    %get3A_926 = arith.constant 6 : index
    %get3A_927 = arith.constant 0 : index
    %get3A_928 = arith.constant 0 : index
    %get3A_929 = vector.load %arg2[%get3A_926, %get3A_927, %get3A_928] : memref<8x16x128xf32, #tpu.memory_space<vmem>>, vector<1x16x128xf32>
    %get3A_930 = vector.shape_cast %get3A_929 : vector<1x16x128xf32> to vector<16x128xf32>
    %get3A_931 = arith.constant 0 : index
    %get3A_932 = arith.constant 0 : index
    %get3A_933 = vector.load %arg3[%get3A_931, %get3A_932] : memref<1x128xf32, #tpu.memory_space<vmem>>, vector<1x128xf32>
    %mul3A_934 = vector.broadcast %get3A_933 : vector<1x128xf32> to vector<16x128xf32>
    %mul3A_935 = arith.mulf %get3A_930, %mul3A_934 : vector<16x128xf32>
    %reduce_sum3A_936 = arith.constant dense<0.000000e+00> : vector<16xf32>
    %reduce_sum3A_937 = vector.multi_reduction <add>, %mul3A_935, %reduce_sum3A_936 [1] : vector<16x128xf32> to vector<16xf32>
    %broadcast_in_dim3A_938 = vector.shape_cast %reduce_sum3A_937 : vector<16xf32> to vector<16x1xf32>
    %get3A_939 = arith.constant 5 : index
    %get3A_940 = memref.load %arg5[%get3A_939] : memref<16xf32, #tpu.memory_space<smem>>
    %add3A_941 = vector.broadcast %get3A_940 : f32 to vector<16x1xf32>
    %add3A_942 = arith.addf %broadcast_in_dim3A_938, %add3A_941 : vector<16x1xf32>
    %iota3A_943 = tpu.iota {dimensions = array<i32: 0>} : vector<16x1xi32>
    %lt3A_944 = arith.constant 10 : i32
    %lt3A_945 = vector.broadcast %lt3A_944 : i32 to vector<16x1xi32>
    %lt3A_946 = arith.cmpi slt, %iota3A_943, %lt3A_945 : vector<16x1xi32>
    %jit3A_947 = arith.constant 0xFF800000 : f32
    %broadcast_in_dim3A_948 = vector.broadcast %jit3A_947 : f32 to vector<16x1xf32>
    %select_n3A_949 = arith.select %lt3A_946, %add3A_942, %broadcast_in_dim3A_948 : vector<16x1xi1>, vector<16x1xf32>
    %reduce_max3A_950 = arith.constant dense<0xFF800000> : vector<1xf32>
    %reduce_max3A_951 = vector.multi_reduction <maximumf>, %select_n3A_949, %reduce_max3A_950 [0] : vector<16x1xf32> to vector<1xf32>
    %broadcast_in_dim3A_952 = vector.shape_cast %reduce_max3A_951 : vector<1xf32> to vector<1x1xf32>
    %sub3A_953 = vector.broadcast %broadcast_in_dim3A_952 : vector<1x1xf32> to vector<16x1xf32>
    %sub3A_954 = arith.subf %select_n3A_949, %sub3A_953 : vector<16x1xf32>
    %exp3A_955 = math.exp %sub3A_954 : vector<16x1xf32>
    %reduce_sum3A_956 = arith.constant dense<0.000000e+00> : vector<1xf32>
    %reduce_sum3A_957 = vector.multi_reduction <add>, %exp3A_955, %reduce_sum3A_956 [0] : vector<16x1xf32> to vector<1xf32>
    %broadcast_in_dim3A_958 = vector.shape_cast %reduce_sum3A_957 : vector<1xf32> to vector<1x1xf32>
    %div3A_959 = vector.broadcast %broadcast_in_dim3A_958 : vector<1x1xf32> to vector<16x1xf32>
    %div3A_960 = arith.divf %exp3A_955, %div3A_959 : vector<16x1xf32>
    %mul3A_961 = arith.mulf %get3A_930, %get3A_930 : vector<16x128xf32>
    %reduce_sum3A_962 = arith.constant dense<0.000000e+00> : vector<16xf32>
    %reduce_sum3A_963 = vector.multi_reduction <add>, %mul3A_961, %reduce_sum3A_962 [1] : vector<16x128xf32> to vector<16xf32>
    %broadcast_in_dim3A_964 = vector.shape_cast %reduce_sum3A_963 : vector<16xf32> to vector<16x1xf32>
    %sqrt3A_965 = math.sqrt %broadcast_in_dim3A_964 : vector<16x1xf32>
    %max3A_966 = arith.constant 9.99999993E-9 : f32
    %max3A_967 = vector.broadcast %max3A_966 : f32 to vector<16x1xf32>
    %max3A_968 = arith.maximumf %sqrt3A_965, %max3A_967 : vector<16x1xf32>
    %div3A_969 = vector.broadcast %max3A_968 : vector<16x1xf32> to vector<16x128xf32>
    %div3A_970 = arith.divf %get3A_930, %div3A_969 : vector<16x128xf32>
    %mul3A_971 = arith.mulf %get3A_925, %get3A_925 : vector<1600x128xf32>
    %reduce_sum3A_972 = arith.constant dense<0.000000e+00> : vector<1600xf32>
    %reduce_sum3A_973 = vector.multi_reduction <add>, %mul3A_971, %reduce_sum3A_972 [1] : vector<1600x128xf32> to vector<1600xf32>
    %broadcast_in_dim3A_974 = vector.shape_cast %reduce_sum3A_973 : vector<1600xf32> to vector<1600x1xf32>
    %sqrt3A_975 = math.sqrt %broadcast_in_dim3A_974 : vector<1600x1xf32>
    %max3A_976 = arith.constant 9.99999993E-9 : f32
    %max3A_977 = vector.broadcast %max3A_976 : f32 to vector<1600x1xf32>
    %max3A_978 = arith.maximumf %sqrt3A_975, %max3A_977 : vector<1600x1xf32>
    %div3A_979 = vector.broadcast %max3A_978 : vector<1600x1xf32> to vector<1600x128xf32>
    %div3A_980 = arith.divf %get3A_925, %div3A_979 : vector<1600x128xf32>
    %dot_general3A_981 = arith.constant dense<0.000000e+00> : vector<16x1600xf32>
    %dot_general3A_982 = tpu.matmul %div3A_970, %div3A_980, %dot_general3A_981 {dimension_numbers = #tpu.dot_dimension_numbers<[1], [1], [0], [0], [0, 0, 1, 0], [], []>, transpose_lhs_hint = false} : vector<16x128xf32>, vector<1600x128xf32>, vector<16x1600xf32> -> vector<16x1600xf32>
    %ge3A_983 = arith.constant -5.000000e-01 : f32
    %ge3A_984 = vector.broadcast %ge3A_983 : f32 to vector<16x1600xf32>
    %ge3A_985 = arith.cmpf oge, %dot_general3A_982, %ge3A_984 : vector<16x1600xf32>
    %convert_element_type3A_986 = arith.extui %ge3A_985 : vector<16x1600xi1> to vector<16x1600xi32>
    %convert_element_type3A_987 = arith.sitofp %convert_element_type3A_986 : vector<16x1600xi32> to vector<16x1600xf32>
    %convert_element_type3A_988 = arith.truncf %convert_element_type3A_987 : vector<16x1600xf32> to vector<16x1600xbf16>
    %ge3A_989 = arith.constant 0.000000e+00 : f32
    %ge3A_990 = vector.broadcast %ge3A_989 : f32 to vector<16x1600xf32>
    %ge3A_991 = arith.cmpf oge, %dot_general3A_982, %ge3A_990 : vector<16x1600xf32>
    %convert_element_type3A_992 = arith.extui %ge3A_991 : vector<16x1600xi1> to vector<16x1600xi32>
    %convert_element_type3A_993 = arith.sitofp %convert_element_type3A_992 : vector<16x1600xi32> to vector<16x1600xf32>
    %convert_element_type3A_994 = arith.truncf %convert_element_type3A_993 : vector<16x1600xf32> to vector<16x1600xbf16>
    %ge3A_995 = arith.constant 5.000000e-01 : f32
    %ge3A_996 = vector.broadcast %ge3A_995 : f32 to vector<16x1600xf32>
    %ge3A_997 = arith.cmpf oge, %dot_general3A_982, %ge3A_996 : vector<16x1600xf32>
    %convert_element_type3A_998 = arith.extui %ge3A_997 : vector<16x1600xi1> to vector<16x1600xi32>
    %convert_element_type3A_999 = arith.sitofp %convert_element_type3A_998 : vector<16x1600xi32> to vector<16x1600xf32>
    %convert_element_type3A_1000 = arith.truncf %convert_element_type3A_999 : vector<16x1600xf32> to vector<16x1600xbf16>
    %ge3A_1001 = arith.constant 1.000000e+00 : f32
    %ge3A_1002 = vector.broadcast %ge3A_1001 : f32 to vector<16x1600xf32>
    %ge3A_1003 = arith.cmpf oge, %dot_general3A_982, %ge3A_1002 : vector<16x1600xf32>
    %convert_element_type3A_1004 = arith.extui %ge3A_1003 : vector<16x1600xi1> to vector<16x1600xi32>
    %convert_element_type3A_1005 = arith.sitofp %convert_element_type3A_1004 : vector<16x1600xi32> to vector<16x1600xf32>
    %convert_element_type3A_1006 = arith.truncf %convert_element_type3A_1005 : vector<16x1600xf32> to vector<16x1600xbf16>
    %concatenate3A_1007 = tpu.concatenate %convert_element_type3A_988, %convert_element_type3A_994, %convert_element_type3A_1000, %convert_element_type3A_1006 in 0 : vector<16x1600xbf16>, vector<16x1600xbf16>, vector<16x1600xbf16>, vector<16x1600xbf16> -> vector<64x1600xbf16>
    %get3A_1008 = arith.constant 0 : index
    %get3A_1009 = arith.constant 0 : index
    %get3A_1010 = vector.load %arg4[%get3A_1008, %get3A_1009] : memref<1600x8xbf16, #tpu.memory_space<vmem>>, vector<1600x8xbf16>
    %dot_general3A_1011 = arith.constant dense<0.000000e+00> : vector<64x8xf32>
    %dot_general3A_1012 = tpu.matmul %concatenate3A_1007, %get3A_1010, %dot_general3A_1011 {dimension_numbers = #tpu.dot_dimension_numbers<[1], [0], [0], [1], [0, 0, 1, 1], [], []>, transpose_lhs_hint = false} : vector<64x1600xbf16>, vector<1600x8xbf16>, vector<64x8xf32> -> vector<64x8xf32>
    %slice3A_1013 = vector.extract_strided_slice %dot_general3A_1012 {offsets = [0, 0], sizes = [16, 8], strides = [1, 1]} : vector<64x8xf32> to vector<16x8xf32>
    %slice3A_1014 = vector.extract_strided_slice %dot_general3A_1012 {offsets = [16, 0], sizes = [16, 8], strides = [1, 1]} : vector<64x8xf32> to vector<16x8xf32>
    %slice3A_1015 = vector.extract_strided_slice %dot_general3A_1012 {offsets = [32, 0], sizes = [16, 8], strides = [1, 1]} : vector<64x8xf32> to vector<16x8xf32>
    %slice3A_1016 = vector.extract_strided_slice %dot_general3A_1012 {offsets = [48, 0], sizes = [16, 8], strides = [1, 1]} : vector<64x8xf32> to vector<16x8xf32>
    %sub3A_1017 = arith.constant 2.000000e+02 : f32
    %sub3A_1018 = vector.broadcast %sub3A_1017 : f32 to vector<16x8xf32>
    %sub3A_1019 = arith.subf %sub3A_1018, %slice3A_1013 : vector<16x8xf32>
    %get3A_1020 = arith.constant 0 : index
    %get3A_1021 = memref.load %arg5[%get3A_1020] : memref<16xf32, #tpu.memory_space<smem>>
    %mul3A_1022 = vector.broadcast %get3A_1021 : f32 to vector<16x8xf32>
    %mul3A_1023 = arith.mulf %sub3A_1019, %mul3A_1022 : vector<16x8xf32>
    %sub3A_1024 = arith.subf %slice3A_1013, %slice3A_1014 : vector<16x8xf32>
    %get3A_1025 = arith.constant 1 : index
    %get3A_1026 = memref.load %arg5[%get3A_1025] : memref<16xf32, #tpu.memory_space<smem>>
    %mul3A_1027 = vector.broadcast %get3A_1026 : f32 to vector<16x8xf32>
    %mul3A_1028 = arith.mulf %sub3A_1024, %mul3A_1027 : vector<16x8xf32>
    %add3A_1029 = arith.addf %mul3A_1023, %mul3A_1028 : vector<16x8xf32>
    %sub3A_1030 = arith.subf %slice3A_1014, %slice3A_1015 : vector<16x8xf32>
    %get3A_1031 = arith.constant 2 : index
    %get3A_1032 = memref.load %arg5[%get3A_1031] : memref<16xf32, #tpu.memory_space<smem>>
    %mul3A_1033 = vector.broadcast %get3A_1032 : f32 to vector<16x8xf32>
    %mul3A_1034 = arith.mulf %sub3A_1030, %mul3A_1033 : vector<16x8xf32>
    %add3A_1035 = arith.addf %add3A_1029, %mul3A_1034 : vector<16x8xf32>
    %sub3A_1036 = arith.subf %slice3A_1015, %slice3A_1016 : vector<16x8xf32>
    %get3A_1037 = arith.constant 3 : index
    %get3A_1038 = memref.load %arg5[%get3A_1037] : memref<16xf32, #tpu.memory_space<smem>>
    %mul3A_1039 = vector.broadcast %get3A_1038 : f32 to vector<16x8xf32>
    %mul3A_1040 = arith.mulf %sub3A_1036, %mul3A_1039 : vector<16x8xf32>
    %add3A_1041 = arith.addf %add3A_1035, %mul3A_1040 : vector<16x8xf32>
    %get3A_1042 = arith.constant 4 : index
    %get3A_1043 = memref.load %arg5[%get3A_1042] : memref<16xf32, #tpu.memory_space<smem>>
    %mul3A_1044 = vector.broadcast %get3A_1043 : f32 to vector<16x8xf32>
    %mul3A_1045 = arith.mulf %slice3A_1016, %mul3A_1044 : vector<16x8xf32>
    %add3A_1046 = arith.addf %add3A_1041, %mul3A_1045 : vector<16x8xf32>
    %get3A_1047 = arith.constant 6 : index
    %get3A_1048 = memref.load %arg5[%get3A_1047] : memref<16xf32, #tpu.memory_space<smem>>
    %add3A_1049 = vector.broadcast %get3A_1048 : f32 to vector<16x8xf32>
    %add3A_1050 = arith.addf %add3A_1046, %add3A_1049 : vector<16x8xf32>
    %get3A_1051 = arith.constant 7 : index
    %get3A_1052 = memref.load %arg5[%get3A_1051] : memref<16xf32, #tpu.memory_space<smem>>
    %mul3A_1053 = vector.broadcast %get3A_1052 : f32 to vector<16x8xf32>
    %mul3A_1054 = arith.mulf %add3A_1050, %mul3A_1053 : vector<16x8xf32>
    %get3A_1055 = arith.constant 8 : index
    %get3A_1056 = memref.load %arg5[%get3A_1055] : memref<16xf32, #tpu.memory_space<smem>>
    %add3A_1057 = vector.broadcast %get3A_1056 : f32 to vector<16x8xf32>
    %add3A_1058 = arith.addf %mul3A_1054, %add3A_1057 : vector<16x8xf32>
    %mul3A_1059 = vector.broadcast %div3A_960 : vector<16x1xf32> to vector<16x8xf32>
    %mul3A_1060 = arith.mulf %add3A_1058, %mul3A_1059 : vector<16x8xf32>
    %reduce_sum3A_1061 = arith.constant dense<0.000000e+00> : vector<8xf32>
    %reduce_sum3A_1062 = vector.multi_reduction <add>, %mul3A_1060, %reduce_sum3A_1061 [0] : vector<16x8xf32> to vector<8xf32>
    %broadcast_in_dim3A_1063 = vector.shape_cast %reduce_sum3A_1062 : vector<8xf32> to vector<1x8xf32>
    %get3A_1064 = arith.constant 9 : index
    %get3A_1065 = memref.load %arg5[%get3A_1064] : memref<16xf32, #tpu.memory_space<smem>>
    %mul3A_1066 = vector.broadcast %get3A_1065 : f32 to vector<1x8xf32>
    %mul3A_1067 = arith.mulf %broadcast_in_dim3A_1063, %mul3A_1066 : vector<1x8xf32>
    %get3A_1068 = arith.constant 10 : index
    %get3A_1069 = memref.load %arg5[%get3A_1068] : memref<16xf32, #tpu.memory_space<smem>>
    %add3A_1070 = vector.broadcast %get3A_1069 : f32 to vector<1x8xf32>
    %add3A_1071 = arith.addf %mul3A_1067, %add3A_1070 : vector<1x8xf32>
    %swap3A_1072 = arith.constant 6 : index
    %swap3A_1073 = arith.constant 0 : index
    %swap3A_1074 = arith.constant 0 : index
    %swap3A_1075 = vector.load %arg6[%swap3A_1072, %swap3A_1073, %swap3A_1074] : memref<8x1x8xf32, #tpu.memory_space<vmem>>, vector<1x1x8xf32>
    %swap3A_1076 = vector.shape_cast %swap3A_1075 : vector<1x1x8xf32> to vector<1x8xf32>
    %swap3A_1077 = vector.shape_cast %add3A_1071 : vector<1x8xf32> to vector<1x1x8xf32>
    tpu.vector_store %arg6[%swap3A_1072, %swap3A_1073, %swap3A_1074], %swap3A_1077 {strides = array<i32>} : memref<8x1x8xf32, #tpu.memory_space<vmem>>, vector<1x1x8xf32>,
    %get3A_1078 = arith.constant 7 : index
    %get3A_1079 = arith.constant 0 : index
    %get3A_1080 = arith.constant 0 : index
    %get3A_1081 = vector.load %arg1[%get3A_1078, %get3A_1079, %get3A_1080] : memref<8x1600x128xf32, #tpu.memory_space<vmem>>, vector<1x1600x128xf32>
    %get3A_1082 = vector.shape_cast %get3A_1081 : vector<1x1600x128xf32> to vector<1600x128xf32>
    %get3A_1083 = arith.constant 7 : index
    %get3A_1084 = arith.constant 0 : index
    %get3A_1085 = arith.constant 0 : index
    %get3A_1086 = vector.load %arg2[%get3A_1083, %get3A_1084, %get3A_1085] : memref<8x16x128xf32, #tpu.memory_space<vmem>>, vector<1x16x128xf32>
    %get3A_1087 = vector.shape_cast %get3A_1086 : vector<1x16x128xf32> to vector<16x128xf32>
    %get3A_1088 = arith.constant 0 : index
    %get3A_1089 = arith.constant 0 : index
    %get3A_1090 = vector.load %arg3[%get3A_1088, %get3A_1089] : memref<1x128xf32, #tpu.memory_space<vmem>>, vector<1x128xf32>
    %mul3A_1091 = vector.broadcast %get3A_1090 : vector<1x128xf32> to vector<16x128xf32>
    %mul3A_1092 = arith.mulf %get3A_1087, %mul3A_1091 : vector<16x128xf32>
    %reduce_sum3A_1093 = arith.constant dense<0.000000e+00> : vector<16xf32>
    %reduce_sum3A_1094 = vector.multi_reduction <add>, %mul3A_1092, %reduce_sum3A_1093 [1] : vector<16x128xf32> to vector<16xf32>
    %broadcast_in_dim3A_1095 = vector.shape_cast %reduce_sum3A_1094 : vector<16xf32> to vector<16x1xf32>
    %get3A_1096 = arith.constant 5 : index
    %get3A_1097 = memref.load %arg5[%get3A_1096] : memref<16xf32, #tpu.memory_space<smem>>
    %add3A_1098 = vector.broadcast %get3A_1097 : f32 to vector<16x1xf32>
    %add3A_1099 = arith.addf %broadcast_in_dim3A_1095, %add3A_1098 : vector<16x1xf32>
    %iota3A_1100 = tpu.iota {dimensions = array<i32: 0>} : vector<16x1xi32>
    %lt3A_1101 = arith.constant 10 : i32
    %lt3A_1102 = vector.broadcast %lt3A_1101 : i32 to vector<16x1xi32>
    %lt3A_1103 = arith.cmpi slt, %iota3A_1100, %lt3A_1102 : vector<16x1xi32>
    %jit3A_1104 = arith.constant 0xFF800000 : f32
    %broadcast_in_dim3A_1105 = vector.broadcast %jit3A_1104 : f32 to vector<16x1xf32>
    %select_n3A_1106 = arith.select %lt3A_1103, %add3A_1099, %broadcast_in_dim3A_1105 : vector<16x1xi1>, vector<16x1xf32>
    %reduce_max3A_1107 = arith.constant dense<0xFF800000> : vector<1xf32>
    %reduce_max3A_1108 = vector.multi_reduction <maximumf>, %select_n3A_1106, %reduce_max3A_1107 [0] : vector<16x1xf32> to vector<1xf32>
    %broadcast_in_dim3A_1109 = vector.shape_cast %reduce_max3A_1108 : vector<1xf32> to vector<1x1xf32>
    %sub3A_1110 = vector.broadcast %broadcast_in_dim3A_1109 : vector<1x1xf32> to vector<16x1xf32>
    %sub3A_1111 = arith.subf %select_n3A_1106, %sub3A_1110 : vector<16x1xf32>
    %exp3A_1112 = math.exp %sub3A_1111 : vector<16x1xf32>
    %reduce_sum3A_1113 = arith.constant dense<0.000000e+00> : vector<1xf32>
    %reduce_sum3A_1114 = vector.multi_reduction <add>, %exp3A_1112, %reduce_sum3A_1113 [0] : vector<16x1xf32> to vector<1xf32>
    %broadcast_in_dim3A_1115 = vector.shape_cast %reduce_sum3A_1114 : vector<1xf32> to vector<1x1xf32>
    %div3A_1116 = vector.broadcast %broadcast_in_dim3A_1115 : vector<1x1xf32> to vector<16x1xf32>
    %div3A_1117 = arith.divf %exp3A_1112, %div3A_1116 : vector<16x1xf32>
    %mul3A_1118 = arith.mulf %get3A_1087, %get3A_1087 : vector<16x128xf32>
    %reduce_sum3A_1119 = arith.constant dense<0.000000e+00> : vector<16xf32>
    %reduce_sum3A_1120 = vector.multi_reduction <add>, %mul3A_1118, %reduce_sum3A_1119 [1] : vector<16x128xf32> to vector<16xf32>
    %broadcast_in_dim3A_1121 = vector.shape_cast %reduce_sum3A_1120 : vector<16xf32> to vector<16x1xf32>
    %sqrt3A_1122 = math.sqrt %broadcast_in_dim3A_1121 : vector<16x1xf32>
    %max3A_1123 = arith.constant 9.99999993E-9 : f32
    %max3A_1124 = vector.broadcast %max3A_1123 : f32 to vector<16x1xf32>
    %max3A_1125 = arith.maximumf %sqrt3A_1122, %max3A_1124 : vector<16x1xf32>
    %div3A_1126 = vector.broadcast %max3A_1125 : vector<16x1xf32> to vector<16x128xf32>
    %div3A_1127 = arith.divf %get3A_1087, %div3A_1126 : vector<16x128xf32>
    %mul3A_1128 = arith.mulf %get3A_1082, %get3A_1082 : vector<1600x128xf32>
    %reduce_sum3A_1129 = arith.constant dense<0.000000e+00> : vector<1600xf32>
    %reduce_sum3A_1130 = vector.multi_reduction <add>, %mul3A_1128, %reduce_sum3A_1129 [1] : vector<1600x128xf32> to vector<1600xf32>
    %broadcast_in_dim3A_1131 = vector.shape_cast %reduce_sum3A_1130 : vector<1600xf32> to vector<1600x1xf32>
    %sqrt3A_1132 = math.sqrt %broadcast_in_dim3A_1131 : vector<1600x1xf32>
    %max3A_1133 = arith.constant 9.99999993E-9 : f32
    %max3A_1134 = vector.broadcast %max3A_1133 : f32 to vector<1600x1xf32>
    %max3A_1135 = arith.maximumf %sqrt3A_1132, %max3A_1134 : vector<1600x1xf32>
    %div3A_1136 = vector.broadcast %max3A_1135 : vector<1600x1xf32> to vector<1600x128xf32>
    %div3A_1137 = arith.divf %get3A_1082, %div3A_1136 : vector<1600x128xf32>
    %dot_general3A_1138 = arith.constant dense<0.000000e+00> : vector<16x1600xf32>
    %dot_general3A_1139 = tpu.matmul %div3A_1127, %div3A_1137, %dot_general3A_1138 {dimension_numbers = #tpu.dot_dimension_numbers<[1], [1], [0], [0], [0, 0, 1, 0], [], []>, transpose_lhs_hint = false} : vector<16x128xf32>, vector<1600x128xf32>, vector<16x1600xf32> -> vector<16x1600xf32>
    %ge3A_1140 = arith.constant -5.000000e-01 : f32
    %ge3A_1141 = vector.broadcast %ge3A_1140 : f32 to vector<16x1600xf32>
    %ge3A_1142 = arith.cmpf oge, %dot_general3A_1139, %ge3A_1141 : vector<16x1600xf32>
    %convert_element_type3A_1143 = arith.extui %ge3A_1142 : vector<16x1600xi1> to vector<16x1600xi32>
    %convert_element_type3A_1144 = arith.sitofp %convert_element_type3A_1143 : vector<16x1600xi32> to vector<16x1600xf32>
    %convert_element_type3A_1145 = arith.truncf %convert_element_type3A_1144 : vector<16x1600xf32> to vector<16x1600xbf16>
    %ge3A_1146 = arith.constant 0.000000e+00 : f32
    %ge3A_1147 = vector.broadcast %ge3A_1146 : f32 to vector<16x1600xf32>
    %ge3A_1148 = arith.cmpf oge, %dot_general3A_1139, %ge3A_1147 : vector<16x1600xf32>
    %convert_element_type3A_1149 = arith.extui %ge3A_1148 : vector<16x1600xi1> to vector<16x1600xi32>
    %convert_element_type3A_1150 = arith.sitofp %convert_element_type3A_1149 : vector<16x1600xi32> to vector<16x1600xf32>
    %convert_element_type3A_1151 = arith.truncf %convert_element_type3A_1150 : vector<16x1600xf32> to vector<16x1600xbf16>
    %ge3A_1152 = arith.constant 5.000000e-01 : f32
    %ge3A_1153 = vector.broadcast %ge3A_1152 : f32 to vector<16x1600xf32>
    %ge3A_1154 = arith.cmpf oge, %dot_general3A_1139, %ge3A_1153 : vector<16x1600xf32>
    %convert_element_type3A_1155 = arith.extui %ge3A_1154 : vector<16x1600xi1> to vector<16x1600xi32>
    %convert_element_type3A_1156 = arith.sitofp %convert_element_type3A_1155 : vector<16x1600xi32> to vector<16x1600xf32>
    %convert_element_type3A_1157 = arith.truncf %convert_element_type3A_1156 : vector<16x1600xf32> to vector<16x1600xbf16>
    %ge3A_1158 = arith.constant 1.000000e+00 : f32
    %ge3A_1159 = vector.broadcast %ge3A_1158 : f32 to vector<16x1600xf32>
    %ge3A_1160 = arith.cmpf oge, %dot_general3A_1139, %ge3A_1159 : vector<16x1600xf32>
    %convert_element_type3A_1161 = arith.extui %ge3A_1160 : vector<16x1600xi1> to vector<16x1600xi32>
    %convert_element_type3A_1162 = arith.sitofp %convert_element_type3A_1161 : vector<16x1600xi32> to vector<16x1600xf32>
    %convert_element_type3A_1163 = arith.truncf %convert_element_type3A_1162 : vector<16x1600xf32> to vector<16x1600xbf16>
    %concatenate3A_1164 = tpu.concatenate %convert_element_type3A_1145, %convert_element_type3A_1151, %convert_element_type3A_1157, %convert_element_type3A_1163 in 0 : vector<16x1600xbf16>, vector<16x1600xbf16>, vector<16x1600xbf16>, vector<16x1600xbf16> -> vector<64x1600xbf16>
    %get3A_1165 = arith.constant 0 : index
    %get3A_1166 = arith.constant 0 : index
    %get3A_1167 = vector.load %arg4[%get3A_1165, %get3A_1166] : memref<1600x8xbf16, #tpu.memory_space<vmem>>, vector<1600x8xbf16>
    %dot_general3A_1168 = arith.constant dense<0.000000e+00> : vector<64x8xf32>
    %dot_general3A_1169 = tpu.matmul %concatenate3A_1164, %get3A_1167, %dot_general3A_1168 {dimension_numbers = #tpu.dot_dimension_numbers<[1], [0], [0], [1], [0, 0, 1, 1], [], []>, transpose_lhs_hint = false} : vector<64x1600xbf16>, vector<1600x8xbf16>, vector<64x8xf32> -> vector<64x8xf32>
    %slice3A_1170 = vector.extract_strided_slice %dot_general3A_1169 {offsets = [0, 0], sizes = [16, 8], strides = [1, 1]} : vector<64x8xf32> to vector<16x8xf32>
    %slice3A_1171 = vector.extract_strided_slice %dot_general3A_1169 {offsets = [16, 0], sizes = [16, 8], strides = [1, 1]} : vector<64x8xf32> to vector<16x8xf32>
    %slice3A_1172 = vector.extract_strided_slice %dot_general3A_1169 {offsets = [32, 0], sizes = [16, 8], strides = [1, 1]} : vector<64x8xf32> to vector<16x8xf32>
    %slice3A_1173 = vector.extract_strided_slice %dot_general3A_1169 {offsets = [48, 0], sizes = [16, 8], strides = [1, 1]} : vector<64x8xf32> to vector<16x8xf32>
    %sub3A_1174 = arith.constant 2.000000e+02 : f32
    %sub3A_1175 = vector.broadcast %sub3A_1174 : f32 to vector<16x8xf32>
    %sub3A_1176 = arith.subf %sub3A_1175, %slice3A_1170 : vector<16x8xf32>
    %get3A_1177 = arith.constant 0 : index
    %get3A_1178 = memref.load %arg5[%get3A_1177] : memref<16xf32, #tpu.memory_space<smem>>
    %mul3A_1179 = vector.broadcast %get3A_1178 : f32 to vector<16x8xf32>
    %mul3A_1180 = arith.mulf %sub3A_1176, %mul3A_1179 : vector<16x8xf32>
    %sub3A_1181 = arith.subf %slice3A_1170, %slice3A_1171 : vector<16x8xf32>
    %get3A_1182 = arith.constant 1 : index
    %get3A_1183 = memref.load %arg5[%get3A_1182] : memref<16xf32, #tpu.memory_space<smem>>
    %mul3A_1184 = vector.broadcast %get3A_1183 : f32 to vector<16x8xf32>
    %mul3A_1185 = arith.mulf %sub3A_1181, %mul3A_1184 : vector<16x8xf32>
    %add3A_1186 = arith.addf %mul3A_1180, %mul3A_1185 : vector<16x8xf32>
    %sub3A_1187 = arith.subf %slice3A_1171, %slice3A_1172 : vector<16x8xf32>
    %get3A_1188 = arith.constant 2 : index
    %get3A_1189 = memref.load %arg5[%get3A_1188] : memref<16xf32, #tpu.memory_space<smem>>
    %mul3A_1190 = vector.broadcast %get3A_1189 : f32 to vector<16x8xf32>
    %mul3A_1191 = arith.mulf %sub3A_1187, %mul3A_1190 : vector<16x8xf32>
    %add3A_1192 = arith.addf %add3A_1186, %mul3A_1191 : vector<16x8xf32>
    %sub3A_1193 = arith.subf %slice3A_1172, %slice3A_1173 : vector<16x8xf32>
    %get3A_1194 = arith.constant 3 : index
    %get3A_1195 = memref.load %arg5[%get3A_1194] : memref<16xf32, #tpu.memory_space<smem>>
    %mul3A_1196 = vector.broadcast %get3A_1195 : f32 to vector<16x8xf32>
    %mul3A_1197 = arith.mulf %sub3A_1193, %mul3A_1196 : vector<16x8xf32>
    %add3A_1198 = arith.addf %add3A_1192, %mul3A_1197 : vector<16x8xf32>
    %get3A_1199 = arith.constant 4 : index
    %get3A_1200 = memref.load %arg5[%get3A_1199] : memref<16xf32, #tpu.memory_space<smem>>
    %mul3A_1201 = vector.broadcast %get3A_1200 : f32 to vector<16x8xf32>
    %mul3A_1202 = arith.mulf %slice3A_1173, %mul3A_1201 : vector<16x8xf32>
    %add3A_1203 = arith.addf %add3A_1198, %mul3A_1202 : vector<16x8xf32>
    %get3A_1204 = arith.constant 6 : index
    %get3A_1205 = memref.load %arg5[%get3A_1204] : memref<16xf32, #tpu.memory_space<smem>>
    %add3A_1206 = vector.broadcast %get3A_1205 : f32 to vector<16x8xf32>
    %add3A_1207 = arith.addf %add3A_1203, %add3A_1206 : vector<16x8xf32>
    %get3A_1208 = arith.constant 7 : index
    %get3A_1209 = memref.load %arg5[%get3A_1208] : memref<16xf32, #tpu.memory_space<smem>>
    %mul3A_1210 = vector.broadcast %get3A_1209 : f32 to vector<16x8xf32>
    %mul3A_1211 = arith.mulf %add3A_1207, %mul3A_1210 : vector<16x8xf32>
    %get3A_1212 = arith.constant 8 : index
    %get3A_1213 = memref.load %arg5[%get3A_1212] : memref<16xf32, #tpu.memory_space<smem>>
    %add3A_1214 = vector.broadcast %get3A_1213 : f32 to vector<16x8xf32>
    %add3A_1215 = arith.addf %mul3A_1211, %add3A_1214 : vector<16x8xf32>
    %mul3A_1216 = vector.broadcast %div3A_1117 : vector<16x1xf32> to vector<16x8xf32>
    %mul3A_1217 = arith.mulf %add3A_1215, %mul3A_1216 : vector<16x8xf32>
    %reduce_sum3A_1218 = arith.constant dense<0.000000e+00> : vector<8xf32>
    %reduce_sum3A_1219 = vector.multi_reduction <add>, %mul3A_1217, %reduce_sum3A_1218 [0] : vector<16x8xf32> to vector<8xf32>
    %broadcast_in_dim3A_1220 = vector.shape_cast %reduce_sum3A_1219 : vector<8xf32> to vector<1x8xf32>
    %get3A_1221 = arith.constant 9 : index
    %get3A_1222 = memref.load %arg5[%get3A_1221] : memref<16xf32, #tpu.memory_space<smem>>
    %mul3A_1223 = vector.broadcast %get3A_1222 : f32 to vector<1x8xf32>
    %mul3A_1224 = arith.mulf %broadcast_in_dim3A_1220, %mul3A_1223 : vector<1x8xf32>
    %get3A_1225 = arith.constant 10 : index
    %get3A_1226 = memref.load %arg5[%get3A_1225] : memref<16xf32, #tpu.memory_space<smem>>
    %add3A_1227 = vector.broadcast %get3A_1226 : f32 to vector<1x8xf32>
    %add3A_1228 = arith.addf %mul3A_1224, %add3A_1227 : vector<1x8xf32>
    %swap3A_1229 = arith.constant 7 : index
    %swap3A_1230 = arith.constant 0 : index
    %swap3A_1231 = arith.constant 0 : index
    %swap3A_1232 = vector.load %arg6[%swap3A_1229, %swap3A_1230, %swap3A_1231] : memref<8x1x8xf32, #tpu.memory_space<vmem>>, vector<1x1x8xf32>
    %swap3A_1233 = vector.shape_cast %swap3A_1232 : vector<1x1x8xf32> to vector<1x8xf32>
    %swap3A_1234 = vector.shape_cast %add3A_1228 : vector<1x8xf32> to vector<1x1x8xf32>
    tpu.vector_store %arg6[%swap3A_1229, %swap3A_1230, %swap3A_1231], %swap3A_1234 {strides = array<i32>} : memref<8x1x8xf32, #tpu.memory_space<vmem>>, vector<1x1x8xf32>,
    return
  }
  func.func @transform_0(%arg0: i32) -> (i32, i32, i32) {
    %c0_i32 = arith.constant 0 : i32
    %c0_i32_0 = arith.constant 0 : i32
    %c0_i32_1 = arith.constant 0 : i32
    return %arg0, %c0_i32, %c0_i32_0 : i32, i32, i32
  }
  func.func @transform_1(%arg0: i32) -> (i32, i32, i32) {
    %c0_i32 = arith.constant 0 : i32
    %c0_i32_0 = arith.constant 0 : i32
    %c0_i32_1 = arith.constant 0 : i32
    return %arg0, %c0_i32, %c0_i32_0 : i32, i32, i32
  }
  func.func @transform_2(%arg0: i32) -> (i32, i32) {
    %c0_i32 = arith.constant 0 : i32
    %c0_i32_0 = arith.constant 0 : i32
    %c0_i32_1 = arith.constant 0 : i32
    return %c0_i32, %c0_i32_0 : i32, i32
  }
  func.func @transform_3(%arg0: i32) -> (i32, i32) {
    %c0_i32 = arith.constant 0 : i32
    %c0_i32_0 = arith.constant 0 : i32
    %c0_i32_1 = arith.constant 0 : i32
    return %c0_i32, %c0_i32_0 : i32, i32
  }
  func.func @transform_4(%arg0: i32) -> i32 {
    %c0_i32 = arith.constant 0 : i32
    %c0_i32_0 = arith.constant 0 : i32
    return %c0_i32 : i32
  }
  func.func @transform_5(%arg0: i32) -> (i32, i32, i32) {
    %c0_i32 = arith.constant 0 : i32
    %c0_i32_0 = arith.constant 0 : i32
    %c0_i32_1 = arith.constant 0 : i32
    return %arg0, %c0_i32, %c0_i32_0 : i32, i32, i32
  }
}

</mosaic_0001>

<sc_bundles>
// kernel: kernel.6.cloned.1.call-start
scs
__scs_entry_jumppad:
0x0: {  	(pc) =	sbr.rel $0x88, $3  }
0x1: {  	(tag) =	ssettag $0x0;
	lr =	simm.s32 $0x1  }
0x2: {  	[smem:$0x3F96] =	sst lr;
	_ =	strace $0xD0000000  }
0x3: {  	_ = 	snop  }
0x4: {  	_ = 	snop  }
0x5: {  	_ = 	snop  }
0x6: {  	_ = 	snop  }
0x7: {  	_ = 	snop  }
__scs_overlays_trampoline_lowered:
0x8: {  	[smem:$0x3FA5] =	sst s0  }
0x9: {  	[smem:$0x3FA6] =	sst s1  }
0xa: {  	[smem:$0x3FA7] =	sst s2  }
0xb: {  	[smem:$0x3FA8] =	sst s3  }
0xc: {  	[smem:$0x3FA9] =	sst s4  }
0xd: {  	[smem:$0x3FAA] =	sst s5  }
0xe: {  	[smem:$0x3FAB] =	sst s6  }
0xf: {  	[smem:$0x3FAC] =	sst s7  }
0x10: {  	[smem:$0x3FAD] =	sst s8  }
0x11: {  	[smem:$0x3FAE] =	sst s9;
	s0 =	simm.s32 @!p0 $0x0  }
0x12: {  	s1 =	sld [smem:$0x3F94];
	s0 =	simm.s32 @p0 $0x1  }
0x13: {  	[smem:$0x3FAF] =	sst s0;
	s0 =	simm.s32 @!p1 $0x0  }
0x14: {  	s2 =	sld [smem:$0x3F93];
	s0 =	simm.s32 @p1 $0x1  }
0x15: {  	[smem:$0x3FB0] =	sst s0;
	s0 =	simm.s32 @!p2 $0x0  }
0x16: {  	s3 =	sld [smem:$0x3FDB];
	s0 =	simm.s32 @p2 $0x1  }
0x17: {  	s4 =	simm.s32 $0x1BF5;
	[smem:$0x3FB2] =	sst s0  }
0x18: {  	s0 =	sld [smem:$0x3F95];
	_ =	swait.ge [sflag:s4], $0x0  }
0x19: {  	s7 =	sld [smem:$0x3F96]  }
0x1a: {  	s8 =	sadd.s32 $0xFFFFE003, lr  }
0x1b: {  	s9 =	sadd.s32 $0xFFFFFEF7, lr;
	s5 =	simm.s32 $0xFFFFFFFF;
	p2 =	slt.u32 s8, $0xFFFFF086  }
0x1c: {  	p1 =	slt.u32 s9, $0xF7A;
	s5 =	simm.s32 @!p2 $0x0  }
0x1d: {  	s5 =	simm.s32 @p1 $0x1;
	p0 =	seq.s32 s7, s2  }
0x1e: {  	s7 =	smul.u32 @!p0 $0xF7A, s2;
	p2 =	seq.s32 @!p0 s5, $0x0  }
0x1f: {  	s9 =	smul.u32 $0xF7A, s1;
	s8 =	simm.s32 @!p0 $0x1BF5;
	p2 =	por !p2, p0  }
0x20: {  	[sflag:s8] =	ssyncset.s32 @!p0 $0xFFFFF086;
	s6 =	sadd.s32 @!p0 s3, s7;
	s7 =	simm.s32 @!p0 $0x108  }
0x21: {  	s3 =	sadd.s32 s3, s9;
	s6 =	sadd.s32 @!p0 $0x88, s6;
	s7 =	simm.s32 @p2 $0x1082  }
0x22: {  	[simem:s7], [sflag:s8] =	dma.local @!p0 [hbm:s6], $0xF7A  }
0x23: {  	s9 =	sor.u32 $0xD0000000, s2;
	s6 =	simm.s32 $0x108;
	_ =	swait.ge @!p0 [sflag:s8], $0x0  }
0x24: {  	s3 =	sadd.s32 $0x88, s3;
	s6 =	simm.s32 @!p1 $0x1082;
	[sflag:s4] =	ssyncset.s32 $0xFFFFF086  }
0x25: {  	[simem:s6], [sflag:s4] =	dma.local [hbm:s3], $0xF7A  }
0x26: {  	[smem:$0x3F96] =	sst s1;
	(tag) =	ssettag s2;
	_ =	strace s9  }
0x27: {  	s1 =	sld [smem:$0x3FA6]  }
0x28: {  	s2 =	sld [smem:$0x3FA7]  }
0x29: {  	s4 =	sld [smem:$0x3FA9]  }
0x2a: {  	p0 =	seq.s32 s5, $0x0;
	s5 =	sld [smem:$0x3FAA]  }
0x2b: {  	s6 =	sld [smem:$0x3FAB]  }
0x2c: {  	s7 =	sld [smem:$0x3FAC]  }
0x2d: {  	s3 =	simm.s32 $0x108;
	s8 =	sld [smem:$0x3FAD]  }
0x2e: {  	s3 =	simm.s32 @!p0 $0x1082;
	s9 =	sld [smem:$0x3FAE]  }
0x2f: {  	lr =	sadd.s32 s0, s3;
	s0 =	sld [smem:$0x3FA5]  }
0x30: {  	s3 =	sld [smem:$0x3FA8]  }
0x31: {  	[smem:$0x3FB1] =	sst s10  }
0x32: {  	s10 =	sld [smem:$0x3FAF];
	_ =	sdelay $0x3  }
0x33: {  	p0 =	seq.s32 s10, $0x1;
	s10 =	sld [smem:$0x3FB1];
	_ =	sdelay $0x3  }
0x34: {  	[smem:$0x3FB1] =	sst s10  }
0x35: {  	s10 =	sld [smem:$0x3FB0];
	_ =	sdelay $0x3  }
0x36: {  	p1 =	seq.s32 s10, $0x1;
	s10 =	sld [smem:$0x3FB1];
	_ =	sdelay $0x3  }
0x37: {  	[smem:$0x3FB1] =	sst s10  }
0x38: {  	s10 =	sld [smem:$0x3FB2]  }
0x39: {  	_ = 	snop;
	(pc) =	sbr.ind lr, $3  }
0x3a: {  	_ = 	snop  }
0x3b: {  	_ = 	snop  }
0x3c: {  	p2 =	seq.s32 s10, $0x1;
	s10 =	sld [smem:$0x3FB1]  }
0x3d: {  	_ =	shalt  }
0x3e: {  	_ =	shalt  }
0x3f: {  	_ =	shalt  }
0x40: {  	_ =	shalt  }
0x41: {  	_ =	shalt  }
0x42: {  	_ =	shalt  }
0x43: {  	_ =	shalt  }
0x44: {  	_ =	shalt  }
0x45: {  	_ =	shalt  }
0x46: {  	_ =	shalt  }
0x47: {  	_ =	shalt  }
0x48: {  	_ =	shalt  }
0x49: {  	_ =	shalt  }
0x4a: {  	_ =	shalt  }
0x4b: {  	_ =	shalt  }
0x4c: {  	_ =	shalt  }
0x4d: {  	_ =	shalt  }
0x4e: {  	_ =	shalt  }
0x4f: {  	_ =	shalt  }
0x50: {  	_ =	shalt  }
0x51: {  	_ =	shalt  }
0x52: {  	_ =	shalt  }
0x53: {  	_ =	shalt  }
0x54: {  	_ =	shalt  }
0x55: {  	_ =	shalt  }
0x56: {  	_ =	shalt  }
0x57: {  	_ =	shalt  }
0x58: {  	_ =	shalt  }
0x59: {  	_ =	shalt  }
0x5a: {  	_ =	shalt  }
0x5b: {  	_ =	shalt  }
0x5c: {  	_ =	shalt  }
0x5d: {  	_ =	shalt  }
0x5e: {  	_ =	shalt  }
0x5f: {  	_ =	shalt  }
0x60: {  	_ =	shalt  }
0x61: {  	_ =	shalt  }
0x62: {  	_ =	shalt  }
0x63: {  	_ =	shalt  }
0x64: {  	_ =	shalt  }
0x65: {  	_ =	shalt  }
0x66: {  	_ =	shalt  }
0x67: {  	_ =	shalt  }
0x68: {  	_ =	shalt  }
0x69: {  	_ =	shalt  }
0x6a: {  	_ =	shalt  }
0x6b: {  	_ =	shalt  }
0x6c: {  	_ =	shalt  }
0x6d: {  	_ =	shalt  }
0x6e: {  	_ =	shalt  }
0x6f: {  	_ =	shalt  }
0x70: {  	_ =	shalt  }
0x71: {  	_ =	shalt  }
0x72: {  	_ =	shalt  }
0x73: {  	_ =	shalt  }
0x74: {  	_ =	shalt  }
0x75: {  	_ =	shalt  }
0x76: {  	_ =	shalt  }
0x77: {  	_ =	shalt  }
0x78: {  	_ =	shalt  }
0x79: {  	_ =	shalt  }
0x7a: {  	_ =	shalt  }
0x7b: {  	_ =	shalt  }
0x7c: {  	_ =	shalt  }
0x7d: {  	_ =	shalt  }
0x7e: {  	_ =	shalt  }
0x7f: {  	_ =	shalt  }
0x80: {  	_ =	shalt  }
0x81: {  	_ =	shalt  }
0x82: {  	_ =	shalt  }
0x83: {  	_ =	shalt  }
0x84: {  	_ =	shalt  }
0x85: {  	_ =	shalt  }
0x86: {  	_ =	shalt  }
0x87: {  	_ =	shalt  }
.Lfunc_end0:
.L_simem_size_0:
called_computation_lowered:
.L_overlay_start_0:
0x88: {  	s2 =	sld [smem:$0x3FD9]  }
0x89: {  	s3 =	sld [smem:$0x3FFE];
	_ =	sdelay $0x1  }
0x8a: {  	s1 =	srdreg.scid  }
0x8b: {  	s0 =	sand.u32 $0x1, s1  }
0x8c: {  	s17 =	sshll.u32 s0, $0xA;
	s2 =	sadd.s32 s3, s2  }
0x8d: {  	s2 =	sadd.s32 s2, s17  }
0x8e: {  	[smem:$0x3FBD] =	sst s2  }
0x8f: {  	_ = 	snop  }
0x90: {  	s2 =	sld [smem:$0x3FC7];
	(tm) =	ssettm $0x1  }
0x91: {  	s18 =	sld [smem:$0x3FFB];
	_ =	sdelay $0x3  }
0x92: {  	_ =	strace s18  }
0x93: {  	s3 =	sld [smem:$0x3FFC];
	_ =	sdelay $0x3  }
0x94: {  	_ =	strace s3  }
0x95: {  	s3 =	sld [smem:$0x3FFD];
	_ =	sdelay $0x3  }
0x96: {  	_ =	strace s3  }
0x97: {  	_ =	strace $0x8FFFFFFF  }
0x98: {  	s19 =	sld [smem:$0x3FDB];
	_ =	sdelay $0x1  }
0x99: {  	s4 =	simm.s32 $_scs_section_size  }
0x9a: {  	s5 =	simm.s32 $_size__tile_overlayer_lowered;
	s6 =	simm.s32 $_tile_overlayer_lowered  }
0x9b: {  	s22 =	simm.s32 $0x1BFF;
	s21 =	sshll.u32 s6, $0x1;
	s3 =	sadd.s32 s4, s19  }
0x9c: {  	s7 =	simm.s32 $0x0;
	s20 =	sshll.u32 s5, $0x1;
	s5 =	sadd.s32 s21, s3  }
0x9d: {  	[timem:s7], [sflag:s22] =	dma.local [hbm:s5], s20  }
0x9e: {  	_ =	swait.ge [sflag:s22], s20  }
0x9f: {  	s4 =	ssub.s32 $0x0, s20;
	[sflag:s22] =	ssyncset.done $0x0  }
0xa0: {  	[sflag:s22] =	ssyncadd.s32 s4;
	_ =	sdelay $0x1  }
0xa1: {  	s23 =	simm.s32 $0x1B8B  }
0xa2: {  	_ =	swait.ge [sflag:s23], $0x1  }
0xa3: {  	[sflag:s23] =	ssyncset.done $0x0  }
0xa4: {  	s25 =	simm.s32 $0x1B8E;
	s24 =	sld [smem:$0x3FFE];
	[sflag:s23] =	ssyncadd.s32 $0xFFFFFFFF  }
0xa5: {  	s26 =	simm.s32 $execute0_lowered;
	[smem:$0x3FD2] =	sst s25  }
0xa6: {  	s5 =	sshll.u32 s26, $0x1;
	_ =	strace $0x80000046;
	[dreg:$0x1] =	wrdreg $0xFFFFFFFF  }
0xa7: {  	s28 =	simm.s32 $_size_execute0_lowered;
	s3 =	sadd.s32 s3, s5;
	[dreg:$0x0] =	wrdreg $0x0  }
0xa8: {  	s5 =	sshll.u32 s28, $0x1;
	[dreg:$0x2] =	wrdreg s3  }
0xa9: {  	[dreg:$0x3] =	wrdreg s5  }
0xaa: {  	[dreg:$0x4] =	wrdreg $0xC0  }
0xab: {  	_ =	task [dreg:s7], $0x5FFFF  }
0xac: {  	[dreg:$0x1] =	wrdreg $0xFFFFFFFF  }
0xad: {  	[dreg:$0x0] =	wrdreg $0x60  }
0xae: {  	[dreg:$0x2] =	wrdreg s2  }
0xaf: {  	[dreg:$0x3] =	wrdreg s24  }
0xb0: {  	[dreg:$0x4] =	wrdreg $0x9  }
0xb1: {  	_ =	task.clear_ibuf [dreg:s7], $0x5FFFF;
	_ =	strace $0x90000046  }
0xb2: {  	s29 =	simm.s32 $0x9;
	_ =	strace $0x80000048  }
0xb3: {  	_ =	swait.ge [sflag:s29], $0x1  }
0xb4: {  	[sflag:s29] =	ssyncadd.s32 $0xFFFFFFFF  }
0xb5: {  	_ =	strace $0x90000048  }
0xb6: {  	_ =	sfence  }
0xb7: {  	s30 =	sld [smem:$0x0];
	_ =	sdelay $0x2  }
0xb8: {  	s31 =	sshll.u32 s1, $0xD;
	s1 =	sshrl.u32 s1, $0x2  }
0xb9: {  	s3 =	sand.u32 $0x4000, s31;
	s1 =	sadd.s32 s1, s30  }
0xba: {  	s0 =	sor.u32 s3, s0;
	s1 =	sshll.u32 s1, $0x11  }
0xbb: {  	s0 =	sor.u32 s1, s0  }
0xbc: {  	s0 =	sadd.s32 $0x8F2B, s0  }
0xbd: {  	[sflag:s0] =	ssyncadd.remote.s32 $0x1  }
0xbe: {  	_ =	sfence.sel $0xFFFF  }
0xbf: {  	[dreg:$0x0] =	wrdreg $0xFFFFFFFF;
	(pc) =	sbr.abs _section_cstart, $3  }
0xc0: {  	[dreg:$0x1] =	wrdreg $0xFFFFFFFF  }
0xc1: {  	_ =	task.clear_ibuf [dreg:s7], $0x2FFFF;
	_ =	strace $0x9FFFFFFF  }
0xc2: {  	(tm) =	ssettm $0x7FFFFFFF  }
0xc3: {  	_ =	shalt  }
tec
execute0_lowered:
.L_overlay_start_1:
0x0: {  	(tag) =	ssettag $0x1  }
0x1: {  	s3 =	rddreg [dreg:$0x0]  }
0x2: {  	s0 =	rddreg [dreg:$0x1];
	s1 =	srdreg.scid  }
0x3: {  	s4 =	stileid.u32;
	s2 =	simm.s32 $0x0;
	s26 =	simm.s32 $0x800  }
0x4: {  	s29 =	simm.s32 $0x80;
	s10 =	simm.s32 $0x3480;
	s30 =	simm.s32 $0x100  }
0x5: {  	s31 =	simm.s32 $0x180;
	s28 =	simm.s32 $0x200;
	s25 =	simm.s32 $0x280  }
0x6: {  	p0 =	por $0x0, $0x0;
	s1 =	sand.u32 $0x1, s1;
	s4 =	sshll.u32 s4, $0x1  }
0x7: {  	[smem:$0x7FF] =	sst s2;
	s8 =	sadd.s32 $0x4200, s0;
	s4 =	sor.u32 s1, s4  }
0x8: {  	_ =	strace $0x80000047;
	s1 =	ssub.s32 $0x2, s1;
	s7 =	smul.u32 $0x19000, s4  }
0x9: {  	s5 =	sshll.u32 s4, $0x8;
	s6 =	sshll.u32 s4, $0x4;
	s9 =	smul.u32 $0x3200, s4  }
0xa: {  	s4 =	sshll.u32 s4, $0x7;
	s21 =	sshrl.u32 s1, $0x1;
	s5 =	sadd.s32 s5, s0  }
0xb: {  	s6 =	sadd.s32 s6, s0;
	s0 =	sadd.s32 s4, s0;
	s1 =	ssub.s32 s1, s21  }
0xc: {  	s4 =	simm.s32 $0x8;
	s21 =	simm.s32 $0x480;
	s5 =	sadd.s32 $0x2200, s5  }
0xd: {  	s11 =	sadd.s32 $0x2000, s6;
	s12 =	sshrl.u32 s7, $0x3;
	[dreg:$0x3] =	wrdreg s5  }
0xe: {  	s13 =	sadd.s32 s8, s9;
	s24 =	smax.u32 s1, $0x1;
	[dreg:$0x4] =	wrdreg s11  }
0xf: {  	s9 =	simm.s32 $0x880;
	s6 =	sadd.s32 s8, s12;
	[dreg:$0x5] =	wrdreg s13  }
0x10: {  	s7 =	simm.s32 $0x5;
	s14 =	sadd.s32 $0x500, s6;
	s1 =	rddreg [dreg:$0x3]  }
0x11: {  	s5 =	simm.s32 $0xA;
	s15 =	sadd.s32 $0xA00, s6;
	[dreg:$0x6] =	wrdreg s14  }
0x12: {  	s12 =	simm.s32 $0xC80;
	s16 =	sadd.s32 $0xF00, s6;
	[dreg:$0x7] =	wrdreg s15  }
0x13: {  	s13 =	simm.s32 $0x2;
	s17 =	sadd.s32 $0x1400, s6;
	[dreg:$0x8] =	wrdreg s16  }
0x14: {  	s8 =	simm.s32 $0x6;
	s18 =	sadd.s32 $0x1900, s6;
	[dreg:$0x9] =	wrdreg s17  }
0x15: {  	s11 =	simm.s32 $0x7;
	s19 =	sadd.s32 $0x1E00, s6;
	[dreg:$0xa] =	wrdreg s18  }
0x16: {  	p1 =	sne.s32 s24, $0x1;
	s20 =	sadd.s32 $0x2300, s6;
	[dreg:$0xb] =	wrdreg s19  }
0x17: {  	s22 =	sadd.s32 $0x2800, s6;
	s23 =	sadd.s32 $0x2D00, s6;
	[dreg:$0xc] =	wrdreg s20  }
.Ltmp0:
0x18: {  	s6 =	sadd.s32 $0x68200, s0;
	[dreg:$0xd] =	wrdreg s22;
	(pc) =	sbr.rel @!p1 .LBB2_3-.Ltmp0, $4  }
0x19: {  	s0 =	sadd.s32 $0xFFFFFFFF, s24;
	s24 =	simm.s32 $0x300;
	[dreg:$0xe] =	wrdreg s23  }
0x1a: {  	s16 =	simm.s32 $0x50;
	s17 =	simm.s32 $0x5C80;
	s15 =	simm.s32 $0x8480  }
0x1b: {  	s14 =	simm.s32 $0x1;
	s19 =	simm.s32 $0x3;
	s20 =	simm.s32 $0x4  }
0x1c: {  	s23 =	simm.s32 $0x380;
	s22 =	simm.s32 $0x400;
	s18 =	simm.s32 $0x9  }
0x1d: {  	[tilespmem:s2], [sflag:$0xA] =	stream.linear.gather [hbm4b:s1+s2], $0x500, $0x38;
	[tilespmem:$0xAC80] =	vst v63  }
0x1e: {  	_ =	swait.ge [sflag:s5], $0x500  }
0x1f: {  	[sflag:s5] =	ssyncset.done $0x0  }
0x20: {  	s1 =	rddreg [dreg:$0x4];
	[sflag:s5] =	ssyncadd.s32 $0xFFFFFB00  }
0x21: {  	[tilespmem:s26], [sflag:$0xA] =	stream.linear.gather [hbm4b:s1+s2], $0x80, $0x38;
	[tilespmem:$0xAC80] =	vst v63  }
0x22: {  	_ =	swait.ge [sflag:s5], $0x80  }
0x23: {  	[sflag:s5] =	ssyncset.done $0x0  }
0x24: {  	[sflag:s5] =	ssyncadd.s32 $0xFFFFFF80  }
0x25: {  	[tilespmem:s9], [sflag:$0x9] =	stream.indirect.gather [hbm4b:s3+s4], $0x80, s26, s4, $0xb8;
	[tilespmem:$0xAC80] =	vst v63  }
0x26: {  	_ = 	snop  }
0x27: {  	[tilespmem:s12], [sflag:$0x1] =	stream.indirect.gather [hbm4b:s3+s16], $0x80, s2, s16, $0xb8;
	[tilespmem:$0xAC80] =	vst v63  }
0x28: {  	_ = 	snop  }
0x29: {  	[tilespmem:s10], [sflag:$0x2] =	stream.indirect.gather [hbm4b:s3+s16], $0x80, s29, s16, $0xb8;
	[tilespmem:$0xAC80] =	vst v63  }
0x2a: {  	_ = 	snop  }
0x2b: {  	[tilespmem:s17], [sflag:$0x3] =	stream.indirect.gather [hbm4b:s3+s16], $0x80, s30, s16, $0xb8;
	[tilespmem:$0xAC80] =	vst v63  }
0x2c: {  	_ = 	snop  }
0x2d: {  	[tilespmem:s15], [sflag:$0x4] =	stream.indirect.gather [hbm4b:s3+s16], $0x80, s31, s16, $0xb8;
	[tilespmem:$0xAC80] =	vst v63  }
0x2e: {  	_ =	swait.ge [sflag:s14], $0x2800  }
0x2f: {  	[sflag:s14] =	ssyncset.done $0x0  }
0x30: {  	s1 =	rddreg [dreg:$0x5];
	[sflag:s14] =	ssyncadd.s32 $0xFFFFD800  }
0x31: {  	[hbm4b:s1+s2] =	stream.linear.scatter [tilespmem:s12], [sflag:$0x5], $0x2800, $0x38;
	[tilespmem:$0xAC80] =	vst v63  }
0x32: {  	_ =	swait.ge [sflag:s7], $0x2800  }
0x33: {  	[sflag:s7] =	ssyncset.done $0x0  }
0x34: {  	[sflag:s7] =	ssyncadd.s32 $0xFFFFD800  }
0x35: {  	[tilespmem:s12], [sflag:$0x1] =	stream.indirect.gather [hbm4b:s3+s16], $0x80, s28, s16, $0xb8;
	[tilespmem:$0xAC80] =	vst v63  }
0x36: {  	_ =	swait.ge [sflag:s13], $0x2800  }
0x37: {  	[sflag:s13] =	ssyncset.done $0x0  }
0x38: {  	s1 =	rddreg [dreg:$0x6];
	[sflag:s13] =	ssyncadd.s32 $0xFFFFD800  }
0x39: {  	[hbm4b:s1+s2] =	stream.linear.scatter [tilespmem:s10], [sflag:$0x6], $0x2800, $0x38;
	[tilespmem:$0xAC80] =	vst v63  }
0x3a: {  	_ =	swait.ge [sflag:s8], $0x2800  }
0x3b: {  	[sflag:s8] =	ssyncset.done $0x0  }
0x3c: {  	[sflag:s8] =	ssyncadd.s32 $0xFFFFD800  }
0x3d: {  	[tilespmem:s10], [sflag:$0x2] =	stream.indirect.gather [hbm4b:s3+s16], $0x80, s25, s16, $0xb8;
	[tilespmem:$0xAC80] =	vst v63  }
0x3e: {  	_ =	swait.ge [sflag:s19], $0x2800  }
0x3f: {  	[sflag:s19] =	ssyncset.done $0x0  }
0x40: {  	s1 =	rddreg [dreg:$0x7];
	[sflag:s19] =	ssyncadd.s32 $0xFFFFD800  }
0x41: {  	[hbm4b:s1+s2] =	stream.linear.scatter [tilespmem:s17], [sflag:$0x7], $0x2800, $0x38;
	[tilespmem:$0xAC80] =	vst v63  }
0x42: {  	_ =	swait.ge [sflag:s11], $0x2800  }
0x43: {  	[sflag:s11] =	ssyncset.done $0x0  }
0x44: {  	[sflag:s11] =	ssyncadd.s32 $0xFFFFD800  }
0x45: {  	[tilespmem:s17], [sflag:$0x3] =	stream.indirect.gather [hbm4b:s3+s16], $0x80, s24, s16, $0xb8;
	[tilespmem:$0xAC80] =	vst v63  }
0x46: {  	_ =	swait.ge [sflag:s20], $0x2800  }
0x47: {  	[sflag:s20] =	ssyncset.done $0x0  }
0x48: {  	s1 =	rddreg [dreg:$0x8];
	[sflag:s20] =	ssyncadd.s32 $0xFFFFD800  }
0x49: {  	[hbm4b:s1+s2] =	stream.linear.scatter [tilespmem:s15], [sflag:$0x8], $0x2800, $0x38;
	[tilespmem:$0xAC80] =	vst v63  }
0x4a: {  	_ =	swait.ge [sflag:s4], $0x2800  }
0x4b: {  	[sflag:s4] =	ssyncset.done $0x0  }
0x4c: {  	[sflag:s4] =	ssyncadd.s32 $0xFFFFD800  }
0x4d: {  	[tilespmem:s15], [sflag:$0x4] =	stream.indirect.gather [hbm4b:s3+s16], $0x80, s23, s16, $0xb8;
	[tilespmem:$0xAC80] =	vst v63  }
0x4e: {  	_ =	swait.ge [sflag:s14], $0x2800  }
0x4f: {  	[sflag:s14] =	ssyncset.done $0x0  }
0x50: {  	s1 =	rddreg [dreg:$0x9];
	[sflag:s14] =	ssyncadd.s32 $0xFFFFD800  }
0x51: {  	[hbm4b:s1+s2] =	stream.linear.scatter [tilespmem:s12], [sflag:$0x5], $0x2800, $0x38;
	[tilespmem:$0xAC80] =	vst v63  }
0x52: {  	_ =	swait.ge [sflag:s7], $0x2800  }
0x53: {  	[sflag:s7] =	ssyncset.done $0x0  }
0x54: {  	[sflag:s7] =	ssyncadd.s32 $0xFFFFD800  }
0x55: {  	[tilespmem:s12], [sflag:$0x1] =	stream.indirect.gather [hbm4b:s3+s16], $0x80, s22, s16, $0xb8;
	[tilespmem:$0xAC80] =	vst v63  }
0x56: {  	_ =	swait.ge [sflag:s13], $0x2800  }
0x57: {  	[sflag:s13] =	ssyncset.done $0x0  }
0x58: {  	s1 =	rddreg [dreg:$0xa];
	[sflag:s13] =	ssyncadd.s32 $0xFFFFD800  }
0x59: {  	[hbm4b:s1+s2] =	stream.linear.scatter [tilespmem:s10], [sflag:$0x6], $0x2800, $0x38;
	[tilespmem:$0xAC80] =	vst v63  }
0x5a: {  	_ =	swait.ge [sflag:s8], $0x2800  }
0x5b: {  	[sflag:s8] =	ssyncset.done $0x0  }
0x5c: {  	[sflag:s8] =	ssyncadd.s32 $0xFFFFD800  }
0x5d: {  	[tilespmem:s10], [sflag:$0x2] =	stream.indirect.gather [hbm4b:s3+s16], $0x80, s21, s16, $0xb8;
	[tilespmem:$0xAC80] =	vst v63  }
0x5e: {  	_ =	swait.ge [sflag:s19], $0x2800  }
0x5f: {  	[sflag:s19] =	ssyncset.done $0x0  }
0x60: {  	s1 =	rddreg [dreg:$0xb];
	[sflag:s19] =	ssyncadd.s32 $0xFFFFD800  }
0x61: {  	[hbm4b:s1+s2] =	stream.linear.scatter [tilespmem:s17], [sflag:$0x7], $0x2800, $0x38;
	[tilespmem:$0xAC80] =	vst v63  }
0x62: {  	_ =	swait.ge [sflag:s20], $0x2800  }
0x63: {  	[sflag:s20] =	ssyncset.done $0x0  }
0x64: {  	s1 =	rddreg [dreg:$0xc];
	[sflag:s20] =	ssyncadd.s32 $0xFFFFD800  }
0x65: {  	[hbm4b:s1+s2] =	stream.linear.scatter [tilespmem:s15], [sflag:$0x8], $0x2800, $0x38;
	[tilespmem:$0xAC80] =	vst v63  }
0x66: {  	_ =	swait.ge [sflag:s14], $0x2800  }
0x67: {  	[sflag:s14] =	ssyncset.done $0x0  }
0x68: {  	s1 =	rddreg [dreg:$0xd];
	[sflag:s14] =	ssyncadd.s32 $0xFFFFD800  }
0x69: {  	[hbm4b:s1+s2] =	stream.linear.scatter [tilespmem:s12], [sflag:$0x5], $0x2800, $0x38;
	[tilespmem:$0xAC80] =	vst v63  }
0x6a: {  	_ =	swait.ge [sflag:s13], $0x2800  }
0x6b: {  	[sflag:s13] =	ssyncset.done $0x0  }
0x6c: {  	s1 =	rddreg [dreg:$0xe];
	[sflag:s13] =	ssyncadd.s32 $0xFFFFD800  }
0x6d: {  	[hbm4b:s1+s2] =	stream.linear.scatter [tilespmem:s10], [sflag:$0x6], $0x2800, $0x38;
	[tilespmem:$0xAC80] =	vst v63  }
0x6e: {  	_ =	swait.ge [sflag:s18], $0x400  }
0x6f: {  	[sflag:s18] =	ssyncset.done $0x0  }
0x70: {  	[sflag:s18] =	ssyncadd.s32 $0xFFFFFC00  }
0x71: {  	[hbm4b:s6+s2] =	stream.linear.scatter [tilespmem:s9], [sflag:$0xA], $0x400, $0x38;
	[tilespmem:$0xAC80] =	vst v63  }
0x72: {  	_ =	swait.ge [sflag:s5], $0x400  }
0x73: {  	[sflag:s5] =	ssyncset.done $0x0  }
0x74: {  	[sflag:s5] =	ssyncadd.s32 $0xFFFFFC00  }
0x75: {  	_ =	swait.ge [sflag:s11], $0x2800  }
0x76: {  	[sflag:s11] =	ssyncset.done $0x0  }
0x77: {  	[sflag:s11] =	ssyncadd.s32 $0xFFFFD800  }
0x78: {  	_ =	swait.ge [sflag:s4], $0x2800  }
0x79: {  	[sflag:s4] =	ssyncset.done $0x0  }
0x7a: {  	p1 =	sne.s32 s0, $0x1;
	[sflag:s4] =	ssyncadd.s32 $0xFFFFD800  }
.Ltmp1:
0x7b: {  	_ =	swait.ge [sflag:s7], $0x2800;
	(pc) =	sbr.rel @!p1 .LBB2_3-.Ltmp1, $4  }
0x7c: {  	[sflag:s7] =	ssyncset.done $0x0  }
0x7d: {  	[sflag:s7] =	ssyncadd.s32 $0xFFFFD800  }
0x7e: {  	s0 =	sadd.s32 $0xFFFFFFFF, s0;
	_ =	swait.ge [sflag:s8], $0x2800  }
0x7f: {  	p0 =	por $0x1, $0x1;
	s1 =	rddreg [dreg:$0x3];
	[sflag:s8] =	ssyncset.done $0x0  }
.LBB2_2:
0x80: {  	[sflag:s8] =	ssyncadd.s32 $0xFFFFD800  }
0x81: {  	[tilespmem:s2], [sflag:$0xA] =	stream.linear.gather [hbm4b:s1+s2], $0x500, $0x38;
	[tilespmem:$0xAC80] =	vst v63  }
0x82: {  	_ =	swait.ge [sflag:s5], $0x500  }
0x83: {  	[sflag:s5] =	ssyncset.done $0x0  }
0x84: {  	s1 =	rddreg [dreg:$0x4];
	[sflag:s5] =	ssyncadd.s32 $0xFFFFFB00  }
0x85: {  	[tilespmem:s26], [sflag:$0xA] =	stream.linear.gather [hbm4b:s1+s2], $0x80, $0x38;
	[tilespmem:$0xAC80] =	vst v63  }
0x86: {  	_ =	swait.ge [sflag:s5], $0x80  }
0x87: {  	[sflag:s5] =	ssyncset.done $0x0  }
0x88: {  	[sflag:s5] =	ssyncadd.s32 $0xFFFFFF80  }
0x89: {  	[tilespmem:s9], [sflag:$0x9] =	stream.indirect.gather [hbm4b:s3+s4], $0x80, s26, s4, $0xb8;
	[tilespmem:$0xAC80] =	vst v63  }
0x8a: {  	_ = 	snop  }
0x8b: {  	[tilespmem:s12], [sflag:$0x1] =	stream.indirect.gather [hbm4b:s3+s16], $0x80, s2, s16, $0xb8;
	[tilespmem:$0xAC80] =	vst v63  }
0x8c: {  	_ = 	snop  }
0x8d: {  	[tilespmem:s10], [sflag:$0x2] =	stream.indirect.gather [hbm4b:s3+s16], $0x80, s29, s16, $0xb8;
	[tilespmem:$0xAC80] =	vst v63  }
0x8e: {  	_ = 	snop  }
0x8f: {  	[tilespmem:s17], [sflag:$0x3] =	stream.indirect.gather [hbm4b:s3+s16], $0x80, s30, s16, $0xb8;
	[tilespmem:$0xAC80] =	vst v63  }
0x90: {  	_ = 	snop  }
0x91: {  	[tilespmem:s15], [sflag:$0x4] =	stream.indirect.gather [hbm4b:s3+s16], $0x80, s31, s16, $0xb8;
	[tilespmem:$0xAC80] =	vst v63  }
0x92: {  	_ =	swait.ge [sflag:s14], $0x2800  }
0x93: {  	[sflag:s14] =	ssyncset.done $0x0  }
0x94: {  	s1 =	rddreg [dreg:$0x5];
	[sflag:s14] =	ssyncadd.s32 $0xFFFFD800  }
0x95: {  	[hbm4b:s1+s2] =	stream.linear.scatter [tilespmem:s12], [sflag:$0x5], $0x2800, $0x38;
	[tilespmem:$0xAC80] =	vst v63  }
0x96: {  	_ =	swait.ge [sflag:s7], $0x2800  }
0x97: {  	[sflag:s7] =	ssyncset.done $0x0  }
0x98: {  	[sflag:s7] =	ssyncadd.s32 $0xFFFFD800  }
0x99: {  	[tilespmem:s12], [sflag:$0x1] =	stream.indirect.gather [hbm4b:s3+s16], $0x80, s28, s16, $0xb8;
	[tilespmem:$0xAC80] =	vst v63  }
0x9a: {  	_ =	swait.ge [sflag:s13], $0x2800  }
0x9b: {  	[sflag:s13] =	ssyncset.done $0x0  }
0x9c: {  	s1 =	rddreg [dreg:$0x6];
	[sflag:s13] =	ssyncadd.s32 $0xFFFFD800  }
0x9d: {  	[hbm4b:s1+s2] =	stream.linear.scatter [tilespmem:s10], [sflag:$0x6], $0x2800, $0x38;
	[tilespmem:$0xAC80] =	vst v63  }
0x9e: {  	_ =	swait.ge [sflag:s8], $0x2800  }
0x9f: {  	[sflag:s8] =	ssyncset.done $0x0  }
0xa0: {  	[sflag:s8] =	ssyncadd.s32 $0xFFFFD800  }
0xa1: {  	[tilespmem:s10], [sflag:$0x2] =	stream.indirect.gather [hbm4b:s3+s16], $0x80, s25, s16, $0xb8;
	[tilespmem:$0xAC80] =	vst v63  }
0xa2: {  	_ =	swait.ge [sflag:s19], $0x2800  }
0xa3: {  	[sflag:s19] =	ssyncset.done $0x0  }
0xa4: {  	s1 =	rddreg [dreg:$0x7];
	[sflag:s19] =	ssyncadd.s32 $0xFFFFD800  }
0xa5: {  	[hbm4b:s1+s2] =	stream.linear.scatter [tilespmem:s17], [sflag:$0x7], $0x2800, $0x38;
	[tilespmem:$0xAC80] =	vst v63  }
0xa6: {  	_ =	swait.ge [sflag:s11], $0x2800  }
0xa7: {  	[sflag:s11] =	ssyncset.done $0x0  }
0xa8: {  	[sflag:s11] =	ssyncadd.s32 $0xFFFFD800  }
0xa9: {  	[tilespmem:s17], [sflag:$0x3] =	stream.indirect.gather [hbm4b:s3+s16], $0x80, s24, s16, $0xb8;
	[tilespmem:$0xAC80] =	vst v63  }
0xaa: {  	_ =	swait.ge [sflag:s20], $0x2800  }
0xab: {  	[sflag:s20] =	ssyncset.done $0x0  }
0xac: {  	s1 =	rddreg [dreg:$0x8];
	[sflag:s20] =	ssyncadd.s32 $0xFFFFD800  }
0xad: {  	[hbm4b:s1+s2] =	stream.linear.scatter [tilespmem:s15], [sflag:$0x8], $0x2800, $0x38;
	[tilespmem:$0xAC80] =	vst v63  }
0xae: {  	_ =	swait.ge [sflag:s4], $0x2800  }
0xaf: {  	[sflag:s4] =	ssyncset.done $0x0  }
0xb0: {  	[sflag:s4] =	ssyncadd.s32 $0xFFFFD800  }
0xb1: {  	[tilespmem:s15], [sflag:$0x4] =	stream.indirect.gather [hbm4b:s3+s16], $0x80, s23, s16, $0xb8;
	[tilespmem:$0xAC80] =	vst v63  }
0xb2: {  	_ =	swait.ge [sflag:s14], $0x2800  }
0xb3: {  	[sflag:s14] =	ssyncset.done $0x0  }
0xb4: {  	s1 =	rddreg [dreg:$0x9];
	[sflag:s14] =	ssyncadd.s32 $0xFFFFD800  }
0xb5: {  	[hbm4b:s1+s2] =	stream.linear.scatter [tilespmem:s12], [sflag:$0x5], $0x2800, $0x38;
	[tilespmem:$0xAC80] =	vst v63  }
0xb6: {  	_ =	swait.ge [sflag:s7], $0x2800  }
0xb7: {  	[sflag:s7] =	ssyncset.done $0x0  }
0xb8: {  	[sflag:s7] =	ssyncadd.s32 $0xFFFFD800  }
0xb9: {  	[tilespmem:s12], [sflag:$0x1] =	stream.indirect.gather [hbm4b:s3+s16], $0x80, s22, s16, $0xb8;
	[tilespmem:$0xAC80] =	vst v63  }
0xba: {  	_ =	swait.ge [sflag:s13], $0x2800  }
0xbb: {  	[sflag:s13] =	ssyncset.done $0x0  }
0xbc: {  	s1 =	rddreg [dreg:$0xa];
	[sflag:s13] =	ssyncadd.s32 $0xFFFFD800  }
0xbd: {  	[hbm4b:s1+s2] =	stream.linear.scatter [tilespmem:s10], [sflag:$0x6], $0x2800, $0x38;
	[tilespmem:$0xAC80] =	vst v63  }
0xbe: {  	_ =	swait.ge [sflag:s8], $0x2800  }
0xbf: {  	[sflag:s8] =	ssyncset.done $0x0  }
0xc0: {  	[sflag:s8] =	ssyncadd.s32 $0xFFFFD800  }
0xc1: {  	[tilespmem:s10], [sflag:$0x2] =	stream.indirect.gather [hbm4b:s3+s16], $0x80, s21, s16, $0xb8;
	[tilespmem:$0xAC80] =	vst v63  }
0xc2: {  	_ =	swait.ge [sflag:s19], $0x2800  }
0xc3: {  	[sflag:s19] =	ssyncset.done $0x0  }
0xc4: {  	s1 =	rddreg [dreg:$0xb];
	[sflag:s19] =	ssyncadd.s32 $0xFFFFD800  }
0xc5: {  	[hbm4b:s1+s2] =	stream.linear.scatter [tilespmem:s17], [sflag:$0x7], $0x2800, $0x38;
	[tilespmem:$0xAC80] =	vst v63  }
0xc6: {  	_ =	swait.ge [sflag:s20], $0x2800  }
0xc7: {  	[sflag:s20] =	ssyncset.done $0x0  }
0xc8: {  	s1 =	rddreg [dreg:$0xc];
	[sflag:s20] =	ssyncadd.s32 $0xFFFFD800  }
0xc9: {  	[hbm4b:s1+s2] =	stream.linear.scatter [tilespmem:s15], [sflag:$0x8], $0x2800, $0x38;
	[tilespmem:$0xAC80] =	vst v63  }
0xca: {  	_ =	swait.ge [sflag:s14], $0x2800  }
0xcb: {  	[sflag:s14] =	ssyncset.done $0x0  }
0xcc: {  	s1 =	rddreg [dreg:$0xd];
	[sflag:s14] =	ssyncadd.s32 $0xFFFFD800  }
0xcd: {  	[hbm4b:s1+s2] =	stream.linear.scatter [tilespmem:s12], [sflag:$0x5], $0x2800, $0x38;
	[tilespmem:$0xAC80] =	vst v63  }
0xce: {  	_ =	swait.ge [sflag:s13], $0x2800  }
0xcf: {  	[sflag:s13] =	ssyncset.done $0x0  }
0xd0: {  	s1 =	rddreg [dreg:$0xe];
	[sflag:s13] =	ssyncadd.s32 $0xFFFFD800  }
0xd1: {  	[hbm4b:s1+s2] =	stream.linear.scatter [tilespmem:s10], [sflag:$0x6], $0x2800, $0x38;
	[tilespmem:$0xAC80] =	vst v63  }
0xd2: {  	_ =	swait.ge [sflag:s18], $0x400  }
0xd3: {  	[sflag:s18] =	ssyncset.done $0x0  }
0xd4: {  	[sflag:s18] =	ssyncadd.s32 $0xFFFFFC00  }
0xd5: {  	[hbm4b:s6+s2] =	stream.linear.scatter [tilespmem:s9], [sflag:$0xA], $0x400, $0x38;
	[tilespmem:$0xAC80] =	vst v63  }
0xd6: {  	_ =	swait.ge [sflag:s5], $0x400  }
0xd7: {  	[sflag:s5] =	ssyncset.done $0x0  }
0xd8: {  	[sflag:s5] =	ssyncadd.s32 $0xFFFFFC00  }
0xd9: {  	_ =	swait.ge [sflag:s11], $0x2800  }
0xda: {  	[sflag:s11] =	ssyncset.done $0x0  }
0xdb: {  	[sflag:s11] =	ssyncadd.s32 $0xFFFFD800  }
0xdc: {  	_ =	swait.ge [sflag:s4], $0x2800  }
0xdd: {  	[sflag:s4] =	ssyncset.done $0x0  }
0xde: {  	p1 =	sne.s32 s0, $0x1;
	[sflag:s4] =	ssyncadd.s32 $0xFFFFD800  }
.Ltmp2:
0xdf: {  	_ =	swait.ge [sflag:s7], $0x2800;
	(pc) =	sbr.rel @p1 .LBB2_2-.Ltmp2, $4  }
0xe0: {  	[sflag:s7] =	ssyncset.done $0x0  }
0xe1: {  	[sflag:s7] =	ssyncadd.s32 $0xFFFFD800  }
0xe2: {  	_ =	swait.ge [sflag:s8], $0x2800  }
0xe3: {  	s0 =	sadd.s32 $0xFFFFFFFF, s0;
	s1 =	rddreg [dreg:$0x3];
	[sflag:s8] =	ssyncset.done $0x0  }
.LBB2_3:
0xe4: {  	[sflag:s8] =	ssyncadd.s32 @p0 $0xFFFFD800  }
0xe5: {  	[tilespmem:s2], [sflag:$0xA] =	stream.linear.gather [hbm4b:s1+s2], $0x500, $0x38;
	[tilespmem:$0xAC80] =	vst v63  }
0xe6: {  	_ =	swait.ge [sflag:s5], $0x500  }
0xe7: {  	[sflag:s5] =	ssyncset.done $0x0  }
0xe8: {  	s0 =	rddreg [dreg:$0x4];
	[sflag:s5] =	ssyncadd.s32 $0xFFFFFB00  }
0xe9: {  	[tilespmem:s26], [sflag:$0xA] =	stream.linear.gather [hbm4b:s0+s2], $0x80, $0x38;
	[tilespmem:$0xAC80] =	vst v63  }
0xea: {  	_ =	swait.ge [sflag:s5], $0x80  }
0xeb: {  	[sflag:s5] =	ssyncset.done $0x0  }
0xec: {  	[sflag:s5] =	ssyncadd.s32 $0xFFFFFF80  }
0xed: {  	[tilespmem:s9], [sflag:$0x9] =	stream.indirect.gather [hbm4b:s3+s4], $0x80, s26, s4, $0xb8;
	[tilespmem:$0xAC80] =	vst v63  }
0xee: {  	_ = 	snop  }
0xef: {  	[tilespmem:s12], [sflag:$0x1] =	stream.indirect.gather [hbm4b:s3+s16], $0x80, s2, s16, $0xb8;
	[tilespmem:$0xAC80] =	vst v63  }
0xf0: {  	_ = 	snop  }
0xf1: {  	[tilespmem:s10], [sflag:$0x2] =	stream.indirect.gather [hbm4b:s3+s16], $0x80, s29, s16, $0xb8;
	[tilespmem:$0xAC80] =	vst v63  }
0xf2: {  	_ = 	snop  }
0xf3: {  	[tilespmem:s17], [sflag:$0x3] =	stream.indirect.gather [hbm4b:s3+s16], $0x80, s30, s16, $0xb8;
	[tilespmem:$0xAC80] =	vst v63  }
0xf4: {  	_ = 	snop  }
0xf5: {  	[tilespmem:s15], [sflag:$0x4] =	stream.indirect.gather [hbm4b:s3+s16], $0x80, s31, s16, $0xb8;
	[tilespmem:$0xAC80] =	vst v63  }
0xf6: {  	_ =	swait.ge [sflag:s14], $0x2800  }
0xf7: {  	[sflag:s14] =	ssyncset.done $0x0  }
0xf8: {  	s29 =	rddreg [dreg:$0x5];
	[sflag:s14] =	ssyncadd.s32 $0xFFFFD800  }
0xf9: {  	[hbm4b:s29+s2] =	stream.linear.scatter [tilespmem:s12], [sflag:$0x5], $0x2800, $0x38;
	[tilespmem:$0xAC80] =	vst v63  }
0xfa: {  	_ =	swait.ge [sflag:s7], $0x2800  }
0xfb: {  	[sflag:s7] =	ssyncset.done $0x0  }
0xfc: {  	[sflag:s7] =	ssyncadd.s32 $0xFFFFD800  }
0xfd: {  	[tilespmem:s12], [sflag:$0x1] =	stream.indirect.gather [hbm4b:s3+s16], $0x80, s28, s16, $0xb8;
	[tilespmem:$0xAC80] =	vst v63  }
0xfe: {  	_ =	swait.ge [sflag:s13], $0x2800  }
0xff: {  	[sflag:s13] =	ssyncset.done $0x0  }
0x100: {  	s30 =	rddreg [dreg:$0x6];
	[sflag:s13] =	ssyncadd.s32 $0xFFFFD800  }
0x101: {  	[hbm4b:s30+s2] =	stream.linear.scatter [tilespmem:s10], [sflag:$0x6], $0x2800, $0x38;
	[tilespmem:$0xAC80] =	vst v63  }
0x102: {  	_ =	swait.ge [sflag:s8], $0x2800  }
0x103: {  	[sflag:s8] =	ssyncset.done $0x0  }
0x104: {  	[sflag:s8] =	ssyncadd.s32 $0xFFFFD800  }
0x105: {  	[tilespmem:s10], [sflag:$0x2] =	stream.indirect.gather [hbm4b:s3+s16], $0x80, s25, s16, $0xb8;
	[tilespmem:$0xAC80] =	vst v63  }
0x106: {  	_ =	swait.ge [sflag:s19], $0x2800  }
0x107: {  	[sflag:s19] =	ssyncset.done $0x0  }
0x108: {  	s31 =	rddreg [dreg:$0x7];
	[sflag:s19] =	ssyncadd.s32 $0xFFFFD800  }
0x109: {  	[hbm4b:s31+s2] =	stream.linear.scatter [tilespmem:s17], [sflag:$0x7], $0x2800, $0x38;
	[tilespmem:$0xAC80] =	vst v63  }
0x10a: {  	_ =	swait.ge [sflag:s11], $0x2800  }
0x10b: {  	[sflag:s11] =	ssyncset.done $0x0  }
0x10c: {  	[sflag:s11] =	ssyncadd.s32 $0xFFFFD800  }
0x10d: {  	[tilespmem:s17], [sflag:$0x3] =	stream.indirect.gather [hbm4b:s3+s16], $0x80, s24, s16, $0xb8;
	[tilespmem:$0xAC80] =	vst v63  }
0x10e: {  	_ =	swait.ge [sflag:s20], $0x2800  }
0x10f: {  	[sflag:s20] =	ssyncset.done $0x0  }
0x110: {  	s1 =	rddreg [dreg:$0x8];
	[sflag:s20] =	ssyncadd.s32 $0xFFFFD800  }
0x111: {  	[hbm4b:s1+s2] =	stream.linear.scatter [tilespmem:s15], [sflag:$0x8], $0x2800, $0x38;
	[tilespmem:$0xAC80] =	vst v63  }
0x112: {  	_ =	swait.ge [sflag:s4], $0x2800  }
0x113: {  	[sflag:s4] =	ssyncset.done $0x0  }
0x114: {  	[sflag:s4] =	ssyncadd.s32 $0xFFFFD800  }
0x115: {  	[tilespmem:s15], [sflag:$0x4] =	stream.indirect.gather [hbm4b:s3+s16], $0x80, s23, s16, $0xb8;
	[tilespmem:$0xAC80] =	vst v63  }
0x116: {  	_ =	swait.ge [sflag:s14], $0x2800  }
0x117: {  	[sflag:s14] =	ssyncset.done $0x0  }
0x118: {  	s24 =	rddreg [dreg:$0x9];
	[sflag:s14] =	ssyncadd.s32 $0xFFFFD800  }
0x119: {  	[hbm4b:s24+s2] =	stream.linear.scatter [tilespmem:s12], [sflag:$0x5], $0x2800, $0x38;
	[tilespmem:$0xAC80] =	vst v63  }
0x11a: {  	_ =	swait.ge [sflag:s7], $0x2800  }
0x11b: {  	[sflag:s7] =	ssyncset.done $0x0  }
0x11c: {  	[sflag:s7] =	ssyncadd.s32 $0xFFFFD800  }
0x11d: {  	[tilespmem:s12], [sflag:$0x1] =	stream.indirect.gather [hbm4b:s3+s16], $0x80, s22, s16, $0xb8;
	[tilespmem:$0xAC80] =	vst v63  }
0x11e: {  	_ =	swait.ge [sflag:s13], $0x2800  }
0x11f: {  	[sflag:s13] =	ssyncset.done $0x0  }
0x120: {  	s25 =	rddreg [dreg:$0xa];
	[sflag:s13] =	ssyncadd.s32 $0xFFFFD800  }
0x121: {  	[hbm4b:s25+s2] =	stream.linear.scatter [tilespmem:s10], [sflag:$0x6], $0x2800, $0x38;
	[tilespmem:$0xAC80] =	vst v63  }
0x122: {  	_ =	swait.ge [sflag:s8], $0x2800  }
0x123: {  	[sflag:s8] =	ssyncset.done $0x0  }
0x124: {  	[sflag:s8] =	ssyncadd.s32 $0xFFFFD800  }
0x125: {  	[tilespmem:s10], [sflag:$0x2] =	stream.indirect.gather [hbm4b:s3+s16], $0x80, s21, s16, $0xb8;
	[tilespmem:$0xAC80] =	vst v63  }
0x126: {  	_ =	swait.ge [sflag:s19], $0x2800  }
0x127: {  	[sflag:s19] =	ssyncset.done $0x0  }
0x128: {  	s26 =	rddreg [dreg:$0xb];
	[sflag:s19] =	ssyncadd.s32 $0xFFFFD800  }
0x129: {  	[hbm4b:s26+s2] =	stream.linear.scatter [tilespmem:s17], [sflag:$0x7], $0x2800, $0x38;
	[tilespmem:$0xAC80] =	vst v63  }
0x12a: {  	_ =	swait.ge [sflag:s20], $0x2800  }
0x12b: {  	[sflag:s20] =	ssyncset.done $0x0  }
0x12c: {  	s28 =	rddreg [dreg:$0xc];
	[sflag:s20] =	ssyncadd.s32 $0xFFFFD800  }
0x12d: {  	[hbm4b:s28+s2] =	stream.linear.scatter [tilespmem:s15], [sflag:$0x8], $0x2800, $0x38;
	[tilespmem:$0xAC80] =	vst v63  }
0x12e: {  	_ =	swait.ge [sflag:s14], $0x2800  }
0x12f: {  	[sflag:s14] =	ssyncset.done $0x0  }
0x130: {  	s29 =	rddreg [dreg:$0xd];
	[sflag:s14] =	ssyncadd.s32 $0xFFFFD800  }
0x131: {  	[hbm4b:s29+s2] =	stream.linear.scatter [tilespmem:s12], [sflag:$0x5], $0x2800, $0x38;
	[tilespmem:$0xAC80] =	vst v63  }
0x132: {  	_ =	swait.ge [sflag:s13], $0x2800  }
0x133: {  	[sflag:s13] =	ssyncset.done $0x0  }
0x134: {  	s30 =	rddreg [dreg:$0xe];
	[sflag:s13] =	ssyncadd.s32 $0xFFFFD800  }
0x135: {  	[hbm4b:s30+s2] =	stream.linear.scatter [tilespmem:s10], [sflag:$0x6], $0x2800, $0x38;
	[tilespmem:$0xAC80] =	vst v63  }
0x136: {  	_ =	swait.ge [sflag:s18], $0x400  }
0x137: {  	[sflag:s18] =	ssyncset.done $0x0  }
0x138: {  	[sflag:s18] =	ssyncadd.s32 $0xFFFFFC00  }
0x139: {  	[hbm4b:s6+s2] =	stream.linear.scatter [tilespmem:s9], [sflag:$0xA], $0x400, $0x38;
	[tilespmem:$0xAC80] =	vst v63  }
0x13a: {  	_ =	swait.ge [sflag:s5], $0x400  }
0x13b: {  	[sflag:s5] =	ssyncset.done $0x0  }
0x13c: {  	[sflag:s5] =	ssyncadd.s32 $0xFFFFFC00  }
0x13d: {  	_ =	swait.ge [sflag:s11], $0x2800  }
0x13e: {  	[sflag:s11] =	ssyncset.done $0x0  }
0x13f: {  	[sflag:s11] =	ssyncadd.s32 $0xFFFFD800  }
0x140: {  	_ =	swait.ge [sflag:s4], $0x2800  }
0x141: {  	[sflag:s4] =	ssyncset.done $0x0  }
0x142: {  	[sflag:s4] =	ssyncadd.s32 $0xFFFFD800  }
0x143: {  	_ =	swait.ge [sflag:s7], $0x2800  }
0x144: {  	[sflag:s7] =	ssyncset.done $0x0  }
0x145: {  	[sflag:s7] =	ssyncadd.s32 $0xFFFFD800  }
0x146: {  	_ =	swait.ge [sflag:s8], $0x2800  }
0x147: {  	[sflag:s8] =	ssyncset.done $0x0  }
0x148: {  	[sflag:s8] =	ssyncadd.s32 $0xFFFFD800  }
0x149: {  	_ =	sfence.sel $0x180000  }
0x14a: {  	[bflag:$0x0] =	sbarrier.arrive $0xFFFF  }
0x14b: {  	_ =	strace $0x90000047  }
0x14c: {  	s31 =	stileid.u32;
	[bflag:$0x2] =	sbarrier.arrive $0xFFFF  }
0x14d: {  	p0 =	sne.s32 s31, $0x0;
	s0 =	rddreg [dreg:$0x2]  }
0x14e: {  	s0 =	sadd.s32 @!p0 $0x100000, s0  }
0x14f: {  	[sflag:s0] =	ssyncadd.tile.s32 @!p0 $0x1;
	_ =	shalt  }
.Lfunc_end2:
_tile_overlayer_lowered:
.L_overlay_start_2:
0x150: {  	(tag) =	ssettag $0x2  }
0x151: {  	s0 =	rddreg [dreg:$0x0];
	s2 =	stileid.u32  }
0x152: {  	s1 =	rddreg [dreg:$0x1];
	p0 =	sne.s32 s2, $0x0  }
0x153: {  	s3 =	rddreg [dreg:$0x2];
	[bflag:$0x3] =	sbarrier.arrive $0xFFFF;
	s2 =	simm.s32 @!p0 $0x1C0A  }
0x154: {  	[timem:s3], [sflag:s2] =	dma.local @!p0 [hbm:s0], s1  }
0x155: {  	s0 =	simm.s32 @!p0 $0xA  }
0x156: {  	_ =	swait.ge @!p0 [sflag:s0], s1  }
0x157: {  	s1 =	ssub.s32 @!p0 $0x0, s1;
	[sflag:s0] =	ssyncset.done @!p0 $0x0  }
0x158: {  	[sflag:s0] =	ssyncadd.s32 @!p0 s1  }
0x159: {  	[bflag:$0x3] =	sbarrier.arrive $0xFFFF  }
0x15a: {  	_ =	shalt  }

// kernel: kernel.9.cloned.1.call-start
scs
__scs_entry_jumppad:
0x0: {  	(pc) =	sbr.rel $0x88, $3  }
0x1: {  	(tag) =	ssettag $0x0;
	lr =	simm.s32 $0x1  }
0x2: {  	[smem:$0x3F96] =	sst lr;
	_ =	strace $0xD0000000  }
0x3: {  	_ = 	snop  }
0x4: {  	_ = 	snop  }
0x5: {  	_ = 	snop  }
0x6: {  	_ = 	snop  }
0x7: {  	_ = 	snop  }
__scs_overlays_trampoline_lowered:
0x8: {  	[smem:$0x3FA5] =	sst s0  }
0x9: {  	[smem:$0x3FA6] =	sst s1  }
0xa: {  	[smem:$0x3FA7] =	sst s2  }
0xb: {  	[smem:$0x3FA8] =	sst s3  }
0xc: {  	[smem:$0x3FA9] =	sst s4  }
0xd: {  	[smem:$0x3FAA] =	sst s5  }
0xe: {  	[smem:$0x3FAB] =	sst s6  }
0xf: {  	[smem:$0x3FAC] =	sst s7  }
0x10: {  	[smem:$0x3FAD] =	sst s8  }
0x11: {  	[smem:$0x3FAE] =	sst s9;
	s0 =	simm.s32 @!p0 $0x0  }
0x12: {  	s1 =	sld [smem:$0x3F94];
	s0 =	simm.s32 @p0 $0x1  }
0x13: {  	[smem:$0x3FAF] =	sst s0;
	s0 =	simm.s32 @!p1 $0x0  }
0x14: {  	s2 =	sld [smem:$0x3F93];
	s0 =	simm.s32 @p1 $0x1  }
0x15: {  	[smem:$0x3FB0] =	sst s0;
	s0 =	simm.s32 @!p2 $0x0  }
0x16: {  	s3 =	sld [smem:$0x3FDB];
	s0 =	simm.s32 @p2 $0x1  }
0x17: {  	s4 =	simm.s32 $0x1BF5;
	[smem:$0x3FB2] =	sst s0  }
0x18: {  	s0 =	sld [smem:$0x3F95];
	_ =	swait.ge [sflag:s4], $0x0  }
0x19: {  	s7 =	sld [smem:$0x3F96]  }
0x1a: {  	s8 =	sadd.s32 $0xFFFFE003, lr  }
0x1b: {  	s9 =	sadd.s32 $0xFFFFFEF7, lr;
	s5 =	simm.s32 $0xFFFFFFFF;
	p2 =	slt.u32 s8, $0xFFFFF086  }
0x1c: {  	p1 =	slt.u32 s9, $0xF7A;
	s5 =	simm.s32 @!p2 $0x0  }
0x1d: {  	s5 =	simm.s32 @p1 $0x1;
	p0 =	seq.s32 s7, s2  }
0x1e: {  	s7 =	smul.u32 @!p0 $0xF7A, s2;
	p2 =	seq.s32 @!p0 s5, $0x0  }
0x1f: {  	s9 =	smul.u32 $0xF7A, s1;
	s8 =	simm.s32 @!p0 $0x1BF5;
	p2 =	por !p2, p0  }
0x20: {  	[sflag:s8] =	ssyncset.s32 @!p0 $0xFFFFF086;
	s6 =	sadd.s32 @!p0 s3, s7;
	s7 =	simm.s32 @!p0 $0x108  }
0x21: {  	s3 =	sadd.s32 s3, s9;
	s6 =	sadd.s32 @!p0 $0x88, s6;
	s7 =	simm.s32 @p2 $0x1082  }
0x22: {  	[simem:s7], [sflag:s8] =	dma.local @!p0 [hbm:s6], $0xF7A  }
0x23: {  	s9 =	sor.u32 $0xD0000000, s2;
	s6 =	simm.s32 $0x108;
	_ =	swait.ge @!p0 [sflag:s8], $0x0  }
0x24: {  	s3 =	sadd.s32 $0x88, s3;
	s6 =	simm.s32 @!p1 $0x1082;
	[sflag:s4] =	ssyncset.s32 $0xFFFFF086  }
0x25: {  	[simem:s6], [sflag:s4] =	dma.local [hbm:s3], $0xF7A  }
0x26: {  	[smem:$0x3F96] =	sst s1;
	(tag) =	ssettag s2;
	_ =	strace s9  }
0x27: {  	s1 =	sld [smem:$0x3FA6]  }
0x28: {  	s2 =	sld [smem:$0x3FA7]  }
0x29: {  	s4 =	sld [smem:$0x3FA9]  }
0x2a: {  	p0 =	seq.s32 s5, $0x0;
	s5 =	sld [smem:$0x3FAA]  }
0x2b: {  	s6 =	sld [smem:$0x3FAB]  }
0x2c: {  	s7 =	sld [smem:$0x3FAC]  }
0x2d: {  	s3 =	simm.s32 $0x108;
	s8 =	sld [smem:$0x3FAD]  }
0x2e: {  	s3 =	simm.s32 @!p0 $0x1082;
	s9 =	sld [smem:$0x3FAE]  }
0x2f: {  	lr =	sadd.s32 s0, s3;
	s0 =	sld [smem:$0x3FA5]  }
0x30: {  	s3 =	sld [smem:$0x3FA8]  }
0x31: {  	[smem:$0x3FB1] =	sst s10  }
0x32: {  	s10 =	sld [smem:$0x3FAF];
	_ =	sdelay $0x3  }
0x33: {  	p0 =	seq.s32 s10, $0x1;
	s10 =	sld [smem:$0x3FB1];
	_ =	sdelay $0x3  }
0x34: {  	[smem:$0x3FB1] =	sst s10  }
0x35: {  	s10 =	sld [smem:$0x3FB0];
	_ =	sdelay $0x3  }
0x36: {  	p1 =	seq.s32 s10, $0x1;
	s10 =	sld [smem:$0x3FB1];
	_ =	sdelay $0x3  }
0x37: {  	[smem:$0x3FB1] =	sst s10  }
0x38: {  	s10 =	sld [smem:$0x3FB2]  }
0x39: {  	_ = 	snop;
	(pc) =	sbr.ind lr, $3  }
0x3a: {  	_ = 	snop  }
0x3b: {  	_ = 	snop  }
0x3c: {  	p2 =	seq.s32 s10, $0x1;
	s10 =	sld [smem:$0x3FB1]  }
0x3d: {  	_ =	shalt  }
0x3e: {  	_ =	shalt  }
0x3f: {  	_ =	shalt  }
0x40: {  	_ =	shalt  }
0x41: {  	_ =	shalt  }
0x42: {  	_ =	shalt  }
0x43: {  	_ =	shalt  }
0x44: {  	_ =	shalt  }
0x45: {  	_ =	shalt  }
0x46: {  	_ =	shalt  }
0x47: {  	_ =	shalt  }
0x48: {  	_ =	shalt  }
0x49: {  	_ =	shalt  }
0x4a: {  	_ =	shalt  }
0x4b: {  	_ =	shalt  }
0x4c: {  	_ =	shalt  }
0x4d: {  	_ =	shalt  }
0x4e: {  	_ =	shalt  }
0x4f: {  	_ =	shalt  }
0x50: {  	_ =	shalt  }
0x51: {  	_ =	shalt  }
0x52: {  	_ =	shalt  }
0x53: {  	_ =	shalt  }
0x54: {  	_ =	shalt  }
0x55: {  	_ =	shalt  }
0x56: {  	_ =	shalt  }
0x57: {  	_ =	shalt  }
0x58: {  	_ =	shalt  }
0x59: {  	_ =	shalt  }
0x5a: {  	_ =	shalt  }
0x5b: {  	_ =	shalt  }
0x5c: {  	_ =	shalt  }
0x5d: {  	_ =	shalt  }
0x5e: {  	_ =	shalt  }
0x5f: {  	_ =	shalt  }
0x60: {  	_ =	shalt  }
0x61: {  	_ =	shalt  }
0x62: {  	_ =	shalt  }
0x63: {  	_ =	shalt  }
0x64: {  	_ =	shalt  }
0x65: {  	_ =	shalt  }
0x66: {  	_ =	shalt  }
0x67: {  	_ =	shalt  }
0x68: {  	_ =	shalt  }
0x69: {  	_ =	shalt  }
0x6a: {  	_ =	shalt  }
0x6b: {  	_ =	shalt  }
0x6c: {  	_ =	shalt  }
0x6d: {  	_ =	shalt  }
0x6e: {  	_ =	shalt  }
0x6f: {  	_ =	shalt  }
0x70: {  	_ =	shalt  }
0x71: {  	_ =	shalt  }
0x72: {  	_ =	shalt  }
0x73: {  	_ =	shalt  }
0x74: {  	_ =	shalt  }
0x75: {  	_ =	shalt  }
0x76: {  	_ =	shalt  }
0x77: {  	_ =	shalt  }
0x78: {  	_ =	shalt  }
0x79: {  	_ =	shalt  }
0x7a: {  	_ =	shalt  }
0x7b: {  	_ =	shalt  }
0x7c: {  	_ =	shalt  }
0x7d: {  	_ =	shalt  }
0x7e: {  	_ =	shalt  }
0x7f: {  	_ =	shalt  }
0x80: {  	_ =	shalt  }
0x81: {  	_ =	shalt  }
0x82: {  	_ =	shalt  }
0x83: {  	_ =	shalt  }
0x84: {  	_ =	shalt  }
0x85: {  	_ =	shalt  }
0x86: {  	_ =	shalt  }
0x87: {  	_ =	shalt  }
.Lfunc_end0:
.L_simem_size_0:
called_computation.1_lowered:
.L_overlay_start_0:
0x88: {  	s2 =	sld [smem:$0x3FD9]  }
0x89: {  	s3 =	sld [smem:$0x3FFE];
	_ =	sdelay $0x1  }
0x8a: {  	s1 =	srdreg.scid  }
0x8b: {  	s0 =	sand.u32 $0x1, s1  }
0x8c: {  	s17 =	sshll.u32 s0, $0xA;
	s2 =	sadd.s32 s3, s2  }
0x8d: {  	s2 =	sadd.s32 s2, s17  }
0x8e: {  	[smem:$0x3FBD] =	sst s2  }
0x8f: {  	_ = 	snop  }
0x90: {  	s18 =	sld [smem:$0x3FC7];
	(tm) =	ssettm $0x1  }
0x91: {  	s19 =	sld [smem:$0x3FFB];
	_ =	sdelay $0x3  }
0x92: {  	_ =	strace s19  }
0x93: {  	s2 =	sld [smem:$0x3FFC];
	_ =	sdelay $0x3  }
0x94: {  	_ =	strace s2  }
0x95: {  	s2 =	sld [smem:$0x3FFD];
	_ =	sdelay $0x3  }
0x96: {  	_ =	strace s2  }
0x97: {  	_ =	strace $0x8FFFFFFF  }
0x98: {  	s20 =	sld [smem:$0x3FDB];
	_ =	sdelay $0x1  }
0x99: {  	s4 =	simm.s32 $_scs_section_size  }
0x9a: {  	s5 =	simm.s32 $_size__tile_overlayer_lowered;
	s6 =	simm.s32 $_tile_overlayer_lowered  }
0x9b: {  	s7 =	simm.s32 $0x1BFF;
	s21 =	sshll.u32 s6, $0x1;
	s4 =	sadd.s32 s4, s20  }
0x9c: {  	s22 =	simm.s32 $0x0;
	s5 =	sshll.u32 s5, $0x1;
	s6 =	sadd.s32 s21, s4  }
0x9d: {  	[timem:s22], [sflag:s7] =	dma.local [hbm:s6], s5  }
0x9e: {  	_ =	swait.ge [sflag:s7], s5  }
0x9f: {  	s5 =	ssub.s32 $0x0, s5;
	[sflag:s7] =	ssyncset.done $0x0  }
0xa0: {  	[sflag:s7] =	ssyncadd.s32 s5;
	_ =	sdelay $0x1  }
0xa1: {  	s23 =	simm.s32 $0x1B8B  }
0xa2: {  	_ =	swait.ge [sflag:s23], $0x1  }
0xa3: {  	[sflag:s23] =	ssyncset.done $0x0  }
0xa4: {  	[sflag:s23] =	ssyncadd.s32 $0xFFFFFFFF  }
0xa5: {  	s5 =	sld [smem:$0x0]  }
0xa6: {  	s6 =	sand.u32 $0xFFFFFFFE, s1  }
0xa7: {  	p0 =	sne.s32 s1, s6  }
0xa8: {  	s6 =	sshll.u32 @p0 s6, $0xE  }
0xa9: {  	s6 =	sadd.s32 @p0 $0x11B8D, s6;
	s7 =	sshll.u32 @p0 s5, $0x11  }
0xaa: {  	s6 =	sor.u32 @p0 s7, s6  }
0xab: {  	[sflag:s6] =	ssyncadd.remote.s32 @p0 $0x1;
	_ =	sdelay $0x1  }
0xac: {  	s6 =	simm.s32 @p0 $0x1B8D  }
0xad: {  	_ =	swait.eq @p0 [sflag:s6], $0x1  }
0xae: {  	[sflag:s6] =	ssyncadd.s32 @p0 $0xFFFFFFFF  }
0xaf: {  	s7 =	sshll.u32 @!p0 s1, $0xE  }
0xb0: {  	s7 =	sor.u32 @!p0 $0x4000, s7;
	s6 =	simm.s32 @!p0 $0x1B8D  }
0xb1: {  	s5 =	sshll.u32 @!p0 s5, $0x11;
	s7 =	sadd.s32 @!p0 $0x11B8D, s7;
	_ =	swait.eq @!p0 [sflag:s6], $0x1  }
0xb2: {  	s5 =	sor.u32 @!p0 s5, s7;
	[sflag:s6] =	ssyncadd.s32 @!p0 $0xFFFFFFFF  }
0xb3: {  	s25 =	simm.s32 $0x1B8E;
	s24 =	sld [smem:$0x3FFE];
	[sflag:s5] =	ssyncadd.remote.s32 @!p0 $0x1  }
0xb4: {  	s26 =	simm.s32 $execute0_lowered;
	[smem:$0x3FD2] =	sst s25  }
0xb5: {  	s6 =	sshll.u32 s26, $0x1;
	_ =	strace $0x80000049;
	[dreg:$0x1] =	wrdreg $0xFFFFFFFF  }
0xb6: {  	s28 =	simm.s32 $_size_execute0_lowered;
	s4 =	sadd.s32 s4, s6;
	[dreg:$0x0] =	wrdreg $0x0  }
0xb7: {  	s6 =	sshll.u32 s28, $0x1;
	[dreg:$0x2] =	wrdreg s4  }
0xb8: {  	[dreg:$0x3] =	wrdreg s6  }
0xb9: {  	[dreg:$0x4] =	wrdreg $0xC0  }
0xba: {  	_ =	task [dreg:s22], $0x5FFFF  }
0xbb: {  	[dreg:$0x1] =	wrdreg $0xFFFFFFFF  }
0xbc: {  	[dreg:$0x0] =	wrdreg $0x60  }
0xbd: {  	[dreg:$0x2] =	wrdreg s18  }
0xbe: {  	[dreg:$0x3] =	wrdreg s24  }
0xbf: {  	[dreg:$0x4] =	wrdreg $0xA  }
0xc0: {  	_ =	task.clear_ibuf [dreg:s22], $0x5FFFF;
	_ =	strace $0x90000049  }
0xc1: {  	s29 =	simm.s32 $0xA;
	_ =	strace $0x8000004B  }
0xc2: {  	_ =	swait.ge [sflag:s29], $0x1  }
0xc3: {  	[sflag:s29] =	ssyncadd.s32 $0xFFFFFFFF  }
0xc4: {  	_ =	strace $0x9000004B  }
0xc5: {  	_ =	sfence  }
0xc6: {  	s30 =	sld [smem:$0x0];
	_ =	sdelay $0x2  }
0xc7: {  	s31 =	sshll.u32 s1, $0xD;
	s1 =	sshrl.u32 s1, $0x2  }
0xc8: {  	s4 =	sand.u32 $0x4000, s31;
	s1 =	sadd.s32 s1, s30  }
0xc9: {  	s0 =	sor.u32 s4, s0;
	s1 =	sshll.u32 s1, $0x11  }
0xca: {  	s0 =	sor.u32 s1, s0  }
0xcb: {  	s0 =	sadd.s32 $0x8F2B, s0  }
0xcc: {  	[sflag:s0] =	ssyncadd.remote.s32 $0x1  }
0xcd: {  	_ =	sfence.sel $0xFFFF  }
0xce: {  	[dreg:$0x0] =	wrdreg $0xFFFFFFFF;
	(pc) =	sbr.abs _section_cstart, $3  }
0xcf: {  	[dreg:$0x1] =	wrdreg $0xFFFFFFFF  }
0xd0: {  	_ =	task.clear_ibuf [dreg:s22], $0x2FFFF;
	_ =	strace $0x9FFFFFFF  }
0xd1: {  	(tm) =	ssettm $0x7FFFFFFF  }
tec
execute0_lowered:
.L_overlay_start_1:
0x0: {  	(tag) =	ssettag $0x1  }
0x1: {  	s3 =	rddreg [dreg:$0x0]  }
0x2: {  	s0 =	rddreg [dreg:$0x1];
	s1 =	srdreg.scid  }
0x3: {  	s4 =	stileid.u32;
	s2 =	simm.s32 $0x0;
	s26 =	simm.s32 $0x800  }
0x4: {  	s29 =	simm.s32 $0x80;
	s10 =	simm.s32 $0x3480;
	s30 =	simm.s32 $0x100  }
0x5: {  	s31 =	simm.s32 $0x180;
	s28 =	simm.s32 $0x200;
	s25 =	simm.s32 $0x280  }
0x6: {  	p0 =	por $0x0, $0x0;
	s1 =	sand.u32 $0x1, s1;
	s4 =	sshll.u32 s4, $0x1  }
0x7: {  	[smem:$0x7FF] =	sst s2;
	s8 =	sadd.s32 $0x6B400, s0;
	s4 =	sor.u32 s1, s4  }
0x8: {  	_ =	strace $0x8000004A;
	s1 =	ssub.s32 $0x2, s1;
	s7 =	smul.u32 $0x19000, s4  }
0x9: {  	s5 =	sshll.u32 s4, $0x8;
	s6 =	sshll.u32 s4, $0x4;
	s9 =	smul.u32 $0x3200, s4  }
0xa: {  	s4 =	sshll.u32 s4, $0x7;
	s21 =	sshrl.u32 s1, $0x1;
	s5 =	sadd.s32 s5, s0  }
0xb: {  	s6 =	sadd.s32 s6, s0;
	s0 =	sadd.s32 s4, s0;
	s1 =	ssub.s32 s1, s21  }
0xc: {  	s4 =	simm.s32 $0x8;
	s21 =	simm.s32 $0x480;
	s5 =	sadd.s32 $0x69400, s5  }
0xd: {  	s11 =	sadd.s32 $0x69200, s6;
	s12 =	sshrl.u32 s7, $0x3;
	[dreg:$0x3] =	wrdreg s5  }
0xe: {  	s13 =	sadd.s32 s8, s9;
	s24 =	smax.u32 s1, $0x1;
	[dreg:$0x4] =	wrdreg s11  }
0xf: {  	s9 =	simm.s32 $0x880;
	s6 =	sadd.s32 s8, s12;
	[dreg:$0x5] =	wrdreg s13  }
0x10: {  	s7 =	simm.s32 $0x5;
	s14 =	sadd.s32 $0x500, s6;
	s1 =	rddreg [dreg:$0x3]  }
0x11: {  	s5 =	simm.s32 $0xA;
	s15 =	sadd.s32 $0xA00, s6;
	[dreg:$0x6] =	wrdreg s14  }
0x12: {  	s12 =	simm.s32 $0xC80;
	s16 =	sadd.s32 $0xF00, s6;
	[dreg:$0x7] =	wrdreg s15  }
0x13: {  	s13 =	simm.s32 $0x2;
	s17 =	sadd.s32 $0x1400, s6;
	[dreg:$0x8] =	wrdreg s16  }
0x14: {  	s8 =	simm.s32 $0x6;
	s18 =	sadd.s32 $0x1900, s6;
	[dreg:$0x9] =	wrdreg s17  }
0x15: {  	s11 =	simm.s32 $0x7;
	s19 =	sadd.s32 $0x1E00, s6;
	[dreg:$0xa] =	wrdreg s18  }
0x16: {  	p1 =	sne.s32 s24, $0x1;
	s20 =	sadd.s32 $0x2300, s6;
	[dreg:$0xb] =	wrdreg s19  }
0x17: {  	s22 =	sadd.s32 $0x2800, s6;
	s23 =	sadd.s32 $0x2D00, s6;
	[dreg:$0xc] =	wrdreg s20  }
.Ltmp0:
0x18: {  	s6 =	sadd.s32 $0xCF400, s0;
	[dreg:$0xd] =	wrdreg s22;
	(pc) =	sbr.rel @!p1 .LBB2_3-.Ltmp0, $4  }
0x19: {  	s0 =	sadd.s32 $0xFFFFFFFF, s24;
	s24 =	simm.s32 $0x300;
	[dreg:$0xe] =	wrdreg s23  }
0x1a: {  	s16 =	simm.s32 $0x50;
	s17 =	simm.s32 $0x5C80;
	s15 =	simm.s32 $0x8480  }
0x1b: {  	s14 =	simm.s32 $0x1;
	s19 =	simm.s32 $0x3;
	s20 =	simm.s32 $0x4  }
0x1c: {  	s23 =	simm.s32 $0x380;
	s22 =	simm.s32 $0x400;
	s18 =	simm.s32 $0x9  }
0x1d: {  	[tilespmem:s2], [sflag:$0xA] =	stream.linear.gather [hbm4b:s1+s2], $0x500, $0x38;
	[tilespmem:$0xAC80] =	vst v63  }
0x1e: {  	_ =	swait.ge [sflag:s5], $0x500  }
0x1f: {  	[sflag:s5] =	ssyncset.done $0x0  }
0x20: {  	s1 =	rddreg [dreg:$0x4];
	[sflag:s5] =	ssyncadd.s32 $0xFFFFFB00  }
0x21: {  	[tilespmem:s26], [sflag:$0xA] =	stream.linear.gather [hbm4b:s1+s2], $0x80, $0x38;
	[tilespmem:$0xAC80] =	vst v63  }
0x22: {  	_ =	swait.ge [sflag:s5], $0x80  }
0x23: {  	[sflag:s5] =	ssyncset.done $0x0  }
0x24: {  	[sflag:s5] =	ssyncadd.s32 $0xFFFFFF80  }
0x25: {  	[tilespmem:s9], [sflag:$0x9] =	stream.indirect.gather [hbm4b:s3+s4], $0x80, s26, s4, $0xb8;
	[tilespmem:$0xAC80] =	vst v63  }
0x26: {  	_ = 	snop  }
0x27: {  	[tilespmem:s12], [sflag:$0x1] =	stream.indirect.gather [hbm4b:s3+s16], $0x80, s2, s16, $0xb8;
	[tilespmem:$0xAC80] =	vst v63  }
0x28: {  	_ = 	snop  }
0x29: {  	[tilespmem:s10], [sflag:$0x2] =	stream.indirect.gather [hbm4b:s3+s16], $0x80, s29, s16, $0xb8;
	[tilespmem:$0xAC80] =	vst v63  }
0x2a: {  	_ = 	snop  }
0x2b: {  	[tilespmem:s17], [sflag:$0x3] =	stream.indirect.gather [hbm4b:s3+s16], $0x80, s30, s16, $0xb8;
	[tilespmem:$0xAC80] =	vst v63  }
0x2c: {  	_ = 	snop  }
0x2d: {  	[tilespmem:s15], [sflag:$0x4] =	stream.indirect.gather [hbm4b:s3+s16], $0x80, s31, s16, $0xb8;
	[tilespmem:$0xAC80] =	vst v63  }
0x2e: {  	_ =	swait.ge [sflag:s14], $0x2800  }
0x2f: {  	[sflag:s14] =	ssyncset.done $0x0  }
0x30: {  	s1 =	rddreg [dreg:$0x5];
	[sflag:s14] =	ssyncadd.s32 $0xFFFFD800  }
0x31: {  	[hbm4b:s1+s2] =	stream.linear.scatter [tilespmem:s12], [sflag:$0x5], $0x2800, $0x38;
	[tilespmem:$0xAC80] =	vst v63  }
0x32: {  	_ =	swait.ge [sflag:s7], $0x2800  }
0x33: {  	[sflag:s7] =	ssyncset.done $0x0  }
0x34: {  	[sflag:s7] =	ssyncadd.s32 $0xFFFFD800  }
0x35: {  	[tilespmem:s12], [sflag:$0x1] =	stream.indirect.gather [hbm4b:s3+s16], $0x80, s28, s16, $0xb8;
	[tilespmem:$0xAC80] =	vst v63  }
0x36: {  	_ =	swait.ge [sflag:s13], $0x2800  }
0x37: {  	[sflag:s13] =	ssyncset.done $0x0  }
0x38: {  	s1 =	rddreg [dreg:$0x6];
	[sflag:s13] =	ssyncadd.s32 $0xFFFFD800  }
0x39: {  	[hbm4b:s1+s2] =	stream.linear.scatter [tilespmem:s10], [sflag:$0x6], $0x2800, $0x38;
	[tilespmem:$0xAC80] =	vst v63  }
0x3a: {  	_ =	swait.ge [sflag:s8], $0x2800  }
0x3b: {  	[sflag:s8] =	ssyncset.done $0x0  }
0x3c: {  	[sflag:s8] =	ssyncadd.s32 $0xFFFFD800  }
0x3d: {  	[tilespmem:s10], [sflag:$0x2] =	stream.indirect.gather [hbm4b:s3+s16], $0x80, s25, s16, $0xb8;
	[tilespmem:$0xAC80] =	vst v63  }
0x3e: {  	_ =	swait.ge [sflag:s19], $0x2800  }
0x3f: {  	[sflag:s19] =	ssyncset.done $0x0  }
0x40: {  	s1 =	rddreg [dreg:$0x7];
	[sflag:s19] =	ssyncadd.s32 $0xFFFFD800  }
0x41: {  	[hbm4b:s1+s2] =	stream.linear.scatter [tilespmem:s17], [sflag:$0x7], $0x2800, $0x38;
	[tilespmem:$0xAC80] =	vst v63  }
0x42: {  	_ =	swait.ge [sflag:s11], $0x2800  }
0x43: {  	[sflag:s11] =	ssyncset.done $0x0  }
0x44: {  	[sflag:s11] =	ssyncadd.s32 $0xFFFFD800  }
0x45: {  	[tilespmem:s17], [sflag:$0x3] =	stream.indirect.gather [hbm4b:s3+s16], $0x80, s24, s16, $0xb8;
	[tilespmem:$0xAC80] =	vst v63  }
0x46: {  	_ =	swait.ge [sflag:s20], $0x2800  }
0x47: {  	[sflag:s20] =	ssyncset.done $0x0  }
0x48: {  	s1 =	rddreg [dreg:$0x8];
	[sflag:s20] =	ssyncadd.s32 $0xFFFFD800  }
0x49: {  	[hbm4b:s1+s2] =	stream.linear.scatter [tilespmem:s15], [sflag:$0x8], $0x2800, $0x38;
	[tilespmem:$0xAC80] =	vst v63  }
0x4a: {  	_ =	swait.ge [sflag:s4], $0x2800  }
0x4b: {  	[sflag:s4] =	ssyncset.done $0x0  }
0x4c: {  	[sflag:s4] =	ssyncadd.s32 $0xFFFFD800  }
0x4d: {  	[tilespmem:s15], [sflag:$0x4] =	stream.indirect.gather [hbm4b:s3+s16], $0x80, s23, s16, $0xb8;
	[tilespmem:$0xAC80] =	vst v63  }
0x4e: {  	_ =	swait.ge [sflag:s14], $0x2800  }
0x4f: {  	[sflag:s14] =	ssyncset.done $0x0  }
0x50: {  	s1 =	rddreg [dreg:$0x9];
	[sflag:s14] =	ssyncadd.s32 $0xFFFFD800  }
0x51: {  	[hbm4b:s1+s2] =	stream.linear.scatter [tilespmem:s12], [sflag:$0x5], $0x2800, $0x38;
	[tilespmem:$0xAC80] =	vst v63  }
0x52: {  	_ =	swait.ge [sflag:s7], $0x2800  }
0x53: {  	[sflag:s7] =	ssyncset.done $0x0  }
0x54: {  	[sflag:s7] =	ssyncadd.s32 $0xFFFFD800  }
0x55: {  	[tilespmem:s12], [sflag:$0x1] =	stream.indirect.gather [hbm4b:s3+s16], $0x80, s22, s16, $0xb8;
	[tilespmem:$0xAC80] =	vst v63  }
0x56: {  	_ =	swait.ge [sflag:s13], $0x2800  }
0x57: {  	[sflag:s13] =	ssyncset.done $0x0  }
0x58: {  	s1 =	rddreg [dreg:$0xa];
	[sflag:s13] =	ssyncadd.s32 $0xFFFFD800  }
0x59: {  	[hbm4b:s1+s2] =	stream.linear.scatter [tilespmem:s10], [sflag:$0x6], $0x2800, $0x38;
	[tilespmem:$0xAC80] =	vst v63  }
0x5a: {  	_ =	swait.ge [sflag:s8], $0x2800  }
0x5b: {  	[sflag:s8] =	ssyncset.done $0x0  }
0x5c: {  	[sflag:s8] =	ssyncadd.s32 $0xFFFFD800  }
0x5d: {  	[tilespmem:s10], [sflag:$0x2] =	stream.indirect.gather [hbm4b:s3+s16], $0x80, s21, s16, $0xb8;
	[tilespmem:$0xAC80] =	vst v63  }
0x5e: {  	_ =	swait.ge [sflag:s19], $0x2800  }
0x5f: {  	[sflag:s19] =	ssyncset.done $0x0  }
0x60: {  	s1 =	rddreg [dreg:$0xb];
	[sflag:s19] =	ssyncadd.s32 $0xFFFFD800  }
0x61: {  	[hbm4b:s1+s2] =	stream.linear.scatter [tilespmem:s17], [sflag:$0x7], $0x2800, $0x38;
	[tilespmem:$0xAC80] =	vst v63  }
0x62: {  	_ =	swait.ge [sflag:s20], $0x2800  }
0x63: {  	[sflag:s20] =	ssyncset.done $0x0  }
0x64: {  	s1 =	rddreg [dreg:$0xc];
	[sflag:s20] =	ssyncadd.s32 $0xFFFFD800  }
0x65: {  	[hbm4b:s1+s2] =	stream.linear.scatter [tilespmem:s15], [sflag:$0x8], $0x2800, $0x38;
	[tilespmem:$0xAC80] =	vst v63  }
0x66: {  	_ =	swait.ge [sflag:s14], $0x2800  }
0x67: {  	[sflag:s14] =	ssyncset.done $0x0  }
0x68: {  	s1 =	rddreg [dreg:$0xd];
	[sflag:s14] =	ssyncadd.s32 $0xFFFFD800  }
0x69: {  	[hbm4b:s1+s2] =	stream.linear.scatter [tilespmem:s12], [sflag:$0x5], $0x2800, $0x38;
	[tilespmem:$0xAC80] =	vst v63  }
0x6a: {  	_ =	swait.ge [sflag:s13], $0x2800  }
0x6b: {  	[sflag:s13] =	ssyncset.done $0x0  }
0x6c: {  	s1 =	rddreg [dreg:$0xe];
	[sflag:s13] =	ssyncadd.s32 $0xFFFFD800  }
0x6d: {  	[hbm4b:s1+s2] =	stream.linear.scatter [tilespmem:s10], [sflag:$0x6], $0x2800, $0x38;
	[tilespmem:$0xAC80] =	vst v63  }
0x6e: {  	_ =	swait.ge [sflag:s18], $0x400  }
0x6f: {  	[sflag:s18] =	ssyncset.done $0x0  }
0x70: {  	[sflag:s18] =	ssyncadd.s32 $0xFFFFFC00  }
0x71: {  	[hbm4b:s6+s2] =	stream.linear.scatter [tilespmem:s9], [sflag:$0xA], $0x400, $0x38;
	[tilespmem:$0xAC80] =	vst v63  }
0x72: {  	_ =	swait.ge [sflag:s5], $0x400  }
0x73: {  	[sflag:s5] =	ssyncset.done $0x0  }
0x74: {  	[sflag:s5] =	ssyncadd.s32 $0xFFFFFC00  }
0x75: {  	_ =	swait.ge [sflag:s11], $0x2800  }
0x76: {  	[sflag:s11] =	ssyncset.done $0x0  }
0x77: {  	[sflag:s11] =	ssyncadd.s32 $0xFFFFD800  }
0x78: {  	_ =	swait.ge [sflag:s4], $0x2800  }
0x79: {  	[sflag:s4] =	ssyncset.done $0x0  }
0x7a: {  	p1 =	sne.s32 s0, $0x1;
	[sflag:s4] =	ssyncadd.s32 $0xFFFFD800  }
.Ltmp1:
0x7b: {  	_ =	swait.ge [sflag:s7], $0x2800;
	(pc) =	sbr.rel @!p1 .LBB2_3-.Ltmp1, $4  }
0x7c: {  	[sflag:s7] =	ssyncset.done $0x0  }
0x7d: {  	[sflag:s7] =	ssyncadd.s32 $0xFFFFD800  }
0x7e: {  	s0 =	sadd.s32 $0xFFFFFFFF, s0;
	_ =	swait.ge [sflag:s8], $0x2800  }
0x7f: {  	p0 =	por $0x1, $0x1;
	s1 =	rddreg [dreg:$0x3];
	[sflag:s8] =	ssyncset.done $0x0  }
.LBB2_2:
0x80: {  	[sflag:s8] =	ssyncadd.s32 $0xFFFFD800  }
0x81: {  	[tilespmem:s2], [sflag:$0xA] =	stream.linear.gather [hbm4b:s1+s2], $0x500, $0x38;
	[tilespmem:$0xAC80] =	vst v63  }
0x82: {  	_ =	swait.ge [sflag:s5], $0x500  }
0x83: {  	[sflag:s5] =	ssyncset.done $0x0  }
0x84: {  	s1 =	rddreg [dreg:$0x4];
	[sflag:s5] =	ssyncadd.s32 $0xFFFFFB00  }
0x85: {  	[tilespmem:s26], [sflag:$0xA] =	stream.linear.gather [hbm4b:s1+s2], $0x80, $0x38;
	[tilespmem:$0xAC80] =	vst v63  }
0x86: {  	_ =	swait.ge [sflag:s5], $0x80  }
0x87: {  	[sflag:s5] =	ssyncset.done $0x0  }
0x88: {  	[sflag:s5] =	ssyncadd.s32 $0xFFFFFF80  }
0x89: {  	[tilespmem:s9], [sflag:$0x9] =	stream.indirect.gather [hbm4b:s3+s4], $0x80, s26, s4, $0xb8;
	[tilespmem:$0xAC80] =	vst v63  }
0x8a: {  	_ = 	snop  }
0x8b: {  	[tilespmem:s12], [sflag:$0x1] =	stream.indirect.gather [hbm4b:s3+s16], $0x80, s2, s16, $0xb8;
	[tilespmem:$0xAC80] =	vst v63  }
0x8c: {  	_ = 	snop  }
0x8d: {  	[tilespmem:s10], [sflag:$0x2] =	stream.indirect.gather [hbm4b:s3+s16], $0x80, s29, s16, $0xb8;
	[tilespmem:$0xAC80] =	vst v63  }
0x8e: {  	_ = 	snop  }
0x8f: {  	[tilespmem:s17], [sflag:$0x3] =	stream.indirect.gather [hbm4b:s3+s16], $0x80, s30, s16, $0xb8;
	[tilespmem:$0xAC80] =	vst v63  }
0x90: {  	_ = 	snop  }
0x91: {  	[tilespmem:s15], [sflag:$0x4] =	stream.indirect.gather [hbm4b:s3+s16], $0x80, s31, s16, $0xb8;
	[tilespmem:$0xAC80] =	vst v63  }
0x92: {  	_ =	swait.ge [sflag:s14], $0x2800  }
0x93: {  	[sflag:s14] =	ssyncset.done $0x0  }
0x94: {  	s1 =	rddreg [dreg:$0x5];
	[sflag:s14] =	ssyncadd.s32 $0xFFFFD800  }
0x95: {  	[hbm4b:s1+s2] =	stream.linear.scatter [tilespmem:s12], [sflag:$0x5], $0x2800, $0x38;
	[tilespmem:$0xAC80] =	vst v63  }
0x96: {  	_ =	swait.ge [sflag:s7], $0x2800  }
0x97: {  	[sflag:s7] =	ssyncset.done $0x0  }
0x98: {  	[sflag:s7] =	ssyncadd.s32 $0xFFFFD800  }
0x99: {  	[tilespmem:s12], [sflag:$0x1] =	stream.indirect.gather [hbm4b:s3+s16], $0x80, s28, s16, $0xb8;
	[tilespmem:$0xAC80] =	vst v63  }
0x9a: {  	_ =	swait.ge [sflag:s13], $0x2800  }
0x9b: {  	[sflag:s13] =	ssyncset.done $0x0  }
0x9c: {  	s1 =	rddreg [dreg:$0x6];
	[sflag:s13] =	ssyncadd.s32 $0xFFFFD800  }
0x9d: {  	[hbm4b:s1+s2] =	stream.linear.scatter [tilespmem:s10], [sflag:$0x6], $0x2800, $0x38;
	[tilespmem:$0xAC80] =	vst v63  }
0x9e: {  	_ =	swait.ge [sflag:s8], $0x2800  }
0x9f: {  	[sflag:s8] =	ssyncset.done $0x0  }
0xa0: {  	[sflag:s8] =	ssyncadd.s32 $0xFFFFD800  }
0xa1: {  	[tilespmem:s10], [sflag:$0x2] =	stream.indirect.gather [hbm4b:s3+s16], $0x80, s25, s16, $0xb8;
	[tilespmem:$0xAC80] =	vst v63  }
0xa2: {  	_ =	swait.ge [sflag:s19], $0x2800  }
0xa3: {  	[sflag:s19] =	ssyncset.done $0x0  }
0xa4: {  	s1 =	rddreg [dreg:$0x7];
	[sflag:s19] =	ssyncadd.s32 $0xFFFFD800  }
0xa5: {  	[hbm4b:s1+s2] =	stream.linear.scatter [tilespmem:s17], [sflag:$0x7], $0x2800, $0x38;
	[tilespmem:$0xAC80] =	vst v63  }
0xa6: {  	_ =	swait.ge [sflag:s11], $0x2800  }
0xa7: {  	[sflag:s11] =	ssyncset.done $0x0  }
0xa8: {  	[sflag:s11] =	ssyncadd.s32 $0xFFFFD800  }
0xa9: {  	[tilespmem:s17], [sflag:$0x3] =	stream.indirect.gather [hbm4b:s3+s16], $0x80, s24, s16, $0xb8;
	[tilespmem:$0xAC80] =	vst v63  }
0xaa: {  	_ =	swait.ge [sflag:s20], $0x2800  }
0xab: {  	[sflag:s20] =	ssyncset.done $0x0  }
0xac: {  	s1 =	rddreg [dreg:$0x8];
	[sflag:s20] =	ssyncadd.s32 $0xFFFFD800  }
0xad: {  	[hbm4b:s1+s2] =	stream.linear.scatter [tilespmem:s15], [sflag:$0x8], $0x2800, $0x38;
	[tilespmem:$0xAC80] =	vst v63  }
0xae: {  	_ =	swait.ge [sflag:s4], $0x2800  }
0xaf: {  	[sflag:s4] =	ssyncset.done $0x0  }
0xb0: {  	[sflag:s4] =	ssyncadd.s32 $0xFFFFD800  }
0xb1: {  	[tilespmem:s15], [sflag:$0x4] =	stream.indirect.gather [hbm4b:s3+s16], $0x80, s23, s16, $0xb8;
	[tilespmem:$0xAC80] =	vst v63  }
0xb2: {  	_ =	swait.ge [sflag:s14], $0x2800  }
0xb3: {  	[sflag:s14] =	ssyncset.done $0x0  }
0xb4: {  	s1 =	rddreg [dreg:$0x9];
	[sflag:s14] =	ssyncadd.s32 $0xFFFFD800  }
0xb5: {  	[hbm4b:s1+s2] =	stream.linear.scatter [tilespmem:s12], [sflag:$0x5], $0x2800, $0x38;
	[tilespmem:$0xAC80] =	vst v63  }
0xb6: {  	_ =	swait.ge [sflag:s7], $0x2800  }
0xb7: {  	[sflag:s7] =	ssyncset.done $0x0  }
0xb8: {  	[sflag:s7] =	ssyncadd.s32 $0xFFFFD800  }
0xb9: {  	[tilespmem:s12], [sflag:$0x1] =	stream.indirect.gather [hbm4b:s3+s16], $0x80, s22, s16, $0xb8;
	[tilespmem:$0xAC80] =	vst v63  }
0xba: {  	_ =	swait.ge [sflag:s13], $0x2800  }
0xbb: {  	[sflag:s13] =	ssyncset.done $0x0  }
0xbc: {  	s1 =	rddreg [dreg:$0xa];
	[sflag:s13] =	ssyncadd.s32 $0xFFFFD800  }
0xbd: {  	[hbm4b:s1+s2] =	stream.linear.scatter [tilespmem:s10], [sflag:$0x6], $0x2800, $0x38;
	[tilespmem:$0xAC80] =	vst v63  }
0xbe: {  	_ =	swait.ge [sflag:s8], $0x2800  }
0xbf: {  	[sflag:s8] =	ssyncset.done $0x0  }
0xc0: {  	[sflag:s8] =	ssyncadd.s32 $0xFFFFD800  }
0xc1: {  	[tilespmem:s10], [sflag:$0x2] =	stream.indirect.gather [hbm4b:s3+s16], $0x80, s21, s16, $0xb8;
	[tilespmem:$0xAC80] =	vst v63  }
0xc2: {  	_ =	swait.ge [sflag:s19], $0x2800  }
0xc3: {  	[sflag:s19] =	ssyncset.done $0x0  }
0xc4: {  	s1 =	rddreg [dreg:$0xb];
	[sflag:s19] =	ssyncadd.s32 $0xFFFFD800  }
0xc5: {  	[hbm4b:s1+s2] =	stream.linear.scatter [tilespmem:s17], [sflag:$0x7], $0x2800, $0x38;
	[tilespmem:$0xAC80] =	vst v63  }
0xc6: {  	_ =	swait.ge [sflag:s20], $0x2800  }
0xc7: {  	[sflag:s20] =	ssyncset.done $0x0  }
0xc8: {  	s1 =	rddreg [dreg:$0xc];
	[sflag:s20] =	ssyncadd.s32 $0xFFFFD800  }
0xc9: {  	[hbm4b:s1+s2] =	stream.linear.scatter [tilespmem:s15], [sflag:$0x8], $0x2800, $0x38;
	[tilespmem:$0xAC80] =	vst v63  }
0xca: {  	_ =	swait.ge [sflag:s14], $0x2800  }
0xcb: {  	[sflag:s14] =	ssyncset.done $0x0  }
0xcc: {  	s1 =	rddreg [dreg:$0xd];
	[sflag:s14] =	ssyncadd.s32 $0xFFFFD800  }
0xcd: {  	[hbm4b:s1+s2] =	stream.linear.scatter [tilespmem:s12], [sflag:$0x5], $0x2800, $0x38;
	[tilespmem:$0xAC80] =	vst v63  }
0xce: {  	_ =	swait.ge [sflag:s13], $0x2800  }
0xcf: {  	[sflag:s13] =	ssyncset.done $0x0  }
0xd0: {  	s1 =	rddreg [dreg:$0xe];
	[sflag:s13] =	ssyncadd.s32 $0xFFFFD800  }
0xd1: {  	[hbm4b:s1+s2] =	stream.linear.scatter [tilespmem:s10], [sflag:$0x6], $0x2800, $0x38;
	[tilespmem:$0xAC80] =	vst v63  }
0xd2: {  	_ =	swait.ge [sflag:s18], $0x400  }
0xd3: {  	[sflag:s18] =	ssyncset.done $0x0  }
0xd4: {  	[sflag:s18] =	ssyncadd.s32 $0xFFFFFC00  }
0xd5: {  	[hbm4b:s6+s2] =	stream.linear.scatter [tilespmem:s9], [sflag:$0xA], $0x400, $0x38;
	[tilespmem:$0xAC80] =	vst v63  }
0xd6: {  	_ =	swait.ge [sflag:s5], $0x400  }
0xd7: {  	[sflag:s5] =	ssyncset.done $0x0  }
0xd8: {  	[sflag:s5] =	ssyncadd.s32 $0xFFFFFC00  }
0xd9: {  	_ =	swait.ge [sflag:s11], $0x2800  }
0xda: {  	[sflag:s11] =	ssyncset.done $0x0  }
0xdb: {  	[sflag:s11] =	ssyncadd.s32 $0xFFFFD800  }
0xdc: {  	_ =	swait.ge [sflag:s4], $0x2800  }
0xdd: {  	[sflag:s4] =	ssyncset.done $0x0  }
0xde: {  	p1 =	sne.s32 s0, $0x1;
	[sflag:s4] =	ssyncadd.s32 $0xFFFFD800  }
.Ltmp2:
0xdf: {  	_ =	swait.ge [sflag:s7], $0x2800;
	(pc) =	sbr.rel @p1 .LBB2_2-.Ltmp2, $4  }
0xe0: {  	[sflag:s7] =	ssyncset.done $0x0  }
0xe1: {  	[sflag:s7] =	ssyncadd.s32 $0xFFFFD800  }
0xe2: {  	_ =	swait.ge [sflag:s8], $0x2800  }
0xe3: {  	s0 =	sadd.s32 $0xFFFFFFFF, s0;
	s1 =	rddreg [dreg:$0x3];
	[sflag:s8] =	ssyncset.done $0x0  }
.LBB2_3:
0xe4: {  	[sflag:s8] =	ssyncadd.s32 @p0 $0xFFFFD800  }
0xe5: {  	[tilespmem:s2], [sflag:$0xA] =	stream.linear.gather [hbm4b:s1+s2], $0x500, $0x38;
	[tilespmem:$0xAC80] =	vst v63  }
0xe6: {  	_ =	swait.ge [sflag:s5], $0x500  }
0xe7: {  	[sflag:s5] =	ssyncset.done $0x0  }
0xe8: {  	s0 =	rddreg [dreg:$0x4];
	[sflag:s5] =	ssyncadd.s32 $0xFFFFFB00  }
0xe9: {  	[tilespmem:s26], [sflag:$0xA] =	stream.linear.gather [hbm4b:s0+s2], $0x80, $0x38;
	[tilespmem:$0xAC80] =	vst v63  }
0xea: {  	_ =	swait.ge [sflag:s5], $0x80  }
0xeb: {  	[sflag:s5] =	ssyncset.done $0x0  }
0xec: {  	[sflag:s5] =	ssyncadd.s32 $0xFFFFFF80  }
0xed: {  	[tilespmem:s9], [sflag:$0x9] =	stream.indirect.gather [hbm4b:s3+s4], $0x80, s26, s4, $0xb8;
	[tilespmem:$0xAC80] =	vst v63  }
0xee: {  	_ = 	snop  }
0xef: {  	[tilespmem:s12], [sflag:$0x1] =	stream.indirect.gather [hbm4b:s3+s16], $0x80, s2, s16, $0xb8;
	[tilespmem:$0xAC80] =	vst v63  }
0xf0: {  	_ = 	snop  }
0xf1: {  	[tilespmem:s10], [sflag:$0x2] =	stream.indirect.gather [hbm4b:s3+s16], $0x80, s29, s16, $0xb8;
	[tilespmem:$0xAC80] =	vst v63  }
0xf2: {  	_ = 	snop  }
0xf3: {  	[tilespmem:s17], [sflag:$0x3] =	stream.indirect.gather [hbm4b:s3+s16], $0x80, s30, s16, $0xb8;
	[tilespmem:$0xAC80] =	vst v63  }
0xf4: {  	_ = 	snop  }
0xf5: {  	[tilespmem:s15], [sflag:$0x4] =	stream.indirect.gather [hbm4b:s3+s16], $0x80, s31, s16, $0xb8;
	[tilespmem:$0xAC80] =	vst v63  }
0xf6: {  	_ =	swait.ge [sflag:s14], $0x2800  }
0xf7: {  	[sflag:s14] =	ssyncset.done $0x0  }
0xf8: {  	s29 =	rddreg [dreg:$0x5];
	[sflag:s14] =	ssyncadd.s32 $0xFFFFD800  }
0xf9: {  	[hbm4b:s29+s2] =	stream.linear.scatter [tilespmem:s12], [sflag:$0x5], $0x2800, $0x38;
	[tilespmem:$0xAC80] =	vst v63  }
0xfa: {  	_ =	swait.ge [sflag:s7], $0x2800  }
0xfb: {  	[sflag:s7] =	ssyncset.done $0x0  }
0xfc: {  	[sflag:s7] =	ssyncadd.s32 $0xFFFFD800  }
0xfd: {  	[tilespmem:s12], [sflag:$0x1] =	stream.indirect.gather [hbm4b:s3+s16], $0x80, s28, s16, $0xb8;
	[tilespmem:$0xAC80] =	vst v63  }
0xfe: {  	_ =	swait.ge [sflag:s13], $0x2800  }
0xff: {  	[sflag:s13] =	ssyncset.done $0x0  }
0x100: {  	s30 =	rddreg [dreg:$0x6];
	[sflag:s13] =	ssyncadd.s32 $0xFFFFD800  }
0x101: {  	[hbm4b:s30+s2] =	stream.linear.scatter [tilespmem:s10], [sflag:$0x6], $0x2800, $0x38;
	[tilespmem:$0xAC80] =	vst v63  }
0x102: {  	_ =	swait.ge [sflag:s8], $0x2800  }
0x103: {  	[sflag:s8] =	ssyncset.done $0x0  }
0x104: {  	[sflag:s8] =	ssyncadd.s32 $0xFFFFD800  }
0x105: {  	[tilespmem:s10], [sflag:$0x2] =	stream.indirect.gather [hbm4b:s3+s16], $0x80, s25, s16, $0xb8;
	[tilespmem:$0xAC80] =	vst v63  }
0x106: {  	_ =	swait.ge [sflag:s19], $0x2800  }
0x107: {  	[sflag:s19] =	ssyncset.done $0x0  }
0x108: {  	s31 =	rddreg [dreg:$0x7];
	[sflag:s19] =	ssyncadd.s32 $0xFFFFD800  }
0x109: {  	[hbm4b:s31+s2] =	stream.linear.scatter [tilespmem:s17], [sflag:$0x7], $0x2800, $0x38;
	[tilespmem:$0xAC80] =	vst v63  }
0x10a: {  	_ =	swait.ge [sflag:s11], $0x2800  }
0x10b: {  	[sflag:s11] =	ssyncset.done $0x0  }
0x10c: {  	[sflag:s11] =	ssyncadd.s32 $0xFFFFD800  }
0x10d: {  	[tilespmem:s17], [sflag:$0x3] =	stream.indirect.gather [hbm4b:s3+s16], $0x80, s24, s16, $0xb8;
	[tilespmem:$0xAC80] =	vst v63  }
0x10e: {  	_ =	swait.ge [sflag:s20], $0x2800  }
0x10f: {  	[sflag:s20] =	ssyncset.done $0x0  }
0x110: {  	s1 =	rddreg [dreg:$0x8];
	[sflag:s20] =	ssyncadd.s32 $0xFFFFD800  }
0x111: {  	[hbm4b:s1+s2] =	stream.linear.scatter [tilespmem:s15], [sflag:$0x8], $0x2800, $0x38;
	[tilespmem:$0xAC80] =	vst v63  }
0x112: {  	_ =	swait.ge [sflag:s4], $0x2800  }
0x113: {  	[sflag:s4] =	ssyncset.done $0x0  }
0x114: {  	[sflag:s4] =	ssyncadd.s32 $0xFFFFD800  }
0x115: {  	[tilespmem:s15], [sflag:$0x4] =	stream.indirect.gather [hbm4b:s3+s16], $0x80, s23, s16, $0xb8;
	[tilespmem:$0xAC80] =	vst v63  }
0x116: {  	_ =	swait.ge [sflag:s14], $0x2800  }
0x117: {  	[sflag:s14] =	ssyncset.done $0x0  }
0x118: {  	s24 =	rddreg [dreg:$0x9];
	[sflag:s14] =	ssyncadd.s32 $0xFFFFD800  }
0x119: {  	[hbm4b:s24+s2] =	stream.linear.scatter [tilespmem:s12], [sflag:$0x5], $0x2800, $0x38;
	[tilespmem:$0xAC80] =	vst v63  }
0x11a: {  	_ =	swait.ge [sflag:s7], $0x2800  }
0x11b: {  	[sflag:s7] =	ssyncset.done $0x0  }
0x11c: {  	[sflag:s7] =	ssyncadd.s32 $0xFFFFD800  }
0x11d: {  	[tilespmem:s12], [sflag:$0x1] =	stream.indirect.gather [hbm4b:s3+s16], $0x80, s22, s16, $0xb8;
	[tilespmem:$0xAC80] =	vst v63  }
0x11e: {  	_ =	swait.ge [sflag:s13], $0x2800  }
0x11f: {  	[sflag:s13] =	ssyncset.done $0x0  }
0x120: {  	s25 =	rddreg [dreg:$0xa];
	[sflag:s13] =	ssyncadd.s32 $0xFFFFD800  }
0x121: {  	[hbm4b:s25+s2] =	stream.linear.scatter [tilespmem:s10], [sflag:$0x6], $0x2800, $0x38;
	[tilespmem:$0xAC80] =	vst v63  }
0x122: {  	_ =	swait.ge [sflag:s8], $0x2800  }
0x123: {  	[sflag:s8] =	ssyncset.done $0x0  }
0x124: {  	[sflag:s8] =	ssyncadd.s32 $0xFFFFD800  }
0x125: {  	[tilespmem:s10], [sflag:$0x2] =	stream.indirect.gather [hbm4b:s3+s16], $0x80, s21, s16, $0xb8;
	[tilespmem:$0xAC80] =	vst v63  }
0x126: {  	_ =	swait.ge [sflag:s19], $0x2800  }
0x127: {  	[sflag:s19] =	ssyncset.done $0x0  }
0x128: {  	s26 =	rddreg [dreg:$0xb];
	[sflag:s19] =	ssyncadd.s32 $0xFFFFD800  }
0x129: {  	[hbm4b:s26+s2] =	stream.linear.scatter [tilespmem:s17], [sflag:$0x7], $0x2800, $0x38;
	[tilespmem:$0xAC80] =	vst v63  }
0x12a: {  	_ =	swait.ge [sflag:s20], $0x2800  }
0x12b: {  	[sflag:s20] =	ssyncset.done $0x0  }
0x12c: {  	s28 =	rddreg [dreg:$0xc];
	[sflag:s20] =	ssyncadd.s32 $0xFFFFD800  }
0x12d: {  	[hbm4b:s28+s2] =	stream.linear.scatter [tilespmem:s15], [sflag:$0x8], $0x2800, $0x38;
	[tilespmem:$0xAC80] =	vst v63  }
0x12e: {  	_ =	swait.ge [sflag:s14], $0x2800  }
0x12f: {  	[sflag:s14] =	ssyncset.done $0x0  }
0x130: {  	s29 =	rddreg [dreg:$0xd];
	[sflag:s14] =	ssyncadd.s32 $0xFFFFD800  }
0x131: {  	[hbm4b:s29+s2] =	stream.linear.scatter [tilespmem:s12], [sflag:$0x5], $0x2800, $0x38;
	[tilespmem:$0xAC80] =	vst v63  }
0x132: {  	_ =	swait.ge [sflag:s13], $0x2800  }
0x133: {  	[sflag:s13] =	ssyncset.done $0x0  }
0x134: {  	s30 =	rddreg [dreg:$0xe];
	[sflag:s13] =	ssyncadd.s32 $0xFFFFD800  }
0x135: {  	[hbm4b:s30+s2] =	stream.linear.scatter [tilespmem:s10], [sflag:$0x6], $0x2800, $0x38;
	[tilespmem:$0xAC80] =	vst v63  }
0x136: {  	_ =	swait.ge [sflag:s18], $0x400  }
0x137: {  	[sflag:s18] =	ssyncset.done $0x0  }
0x138: {  	[sflag:s18] =	ssyncadd.s32 $0xFFFFFC00  }
0x139: {  	[hbm4b:s6+s2] =	stream.linear.scatter [tilespmem:s9], [sflag:$0xA], $0x400, $0x38;
	[tilespmem:$0xAC80] =	vst v63  }
0x13a: {  	_ =	swait.ge [sflag:s5], $0x400  }
0x13b: {  	[sflag:s5] =	ssyncset.done $0x0  }
0x13c: {  	[sflag:s5] =	ssyncadd.s32 $0xFFFFFC00  }
0x13d: {  	_ =	swait.ge [sflag:s11], $0x2800  }
0x13e: {  	[sflag:s11] =	ssyncset.done $0x0  }
0x13f: {  	[sflag:s11] =	ssyncadd.s32 $0xFFFFD800  }
0x140: {  	_ =	swait.ge [sflag:s4], $0x2800  }
0x141: {  	[sflag:s4] =	ssyncset.done $0x0  }
0x142: {  	[sflag:s4] =	ssyncadd.s32 $0xFFFFD800  }
0x143: {  	_ =	swait.ge [sflag:s7], $0x2800  }
0x144: {  	[sflag:s7] =	ssyncset.done $0x0  }
0x145: {  	[sflag:s7] =	ssyncadd.s32 $0xFFFFD800  }
0x146: {  	_ =	swait.ge [sflag:s8], $0x2800  }
0x147: {  	[sflag:s8] =	ssyncset.done $0x0  }
0x148: {  	[sflag:s8] =	ssyncadd.s32 $0xFFFFD800  }
0x149: {  	_ =	sfence.sel $0x180000  }
0x14a: {  	[bflag:$0x0] =	sbarrier.arrive $0xFFFF  }
0x14b: {  	_ =	strace $0x9000004A  }
0x14c: {  	s31 =	stileid.u32;
	[bflag:$0x2] =	sbarrier.arrive $0xFFFF  }
0x14d: {  	p0 =	sne.s32 s31, $0x0;
	s0 =	rddreg [dreg:$0x2]  }
0x14e: {  	s0 =	sadd.s32 @!p0 $0x100000, s0  }
0x14f: {  	[sflag:s0] =	ssyncadd.tile.s32 @!p0 $0x1;
	_ =	shalt  }
.Lfunc_end2:
_tile_overlayer_lowered:
.L_overlay_start_2:
0x150: {  	(tag) =	ssettag $0x2  }
0x151: {  	s0 =	rddreg [dreg:$0x0];
	s2 =	stileid.u32  }
0x152: {  	s1 =	rddreg [dreg:$0x1];
	p0 =	sne.s32 s2, $0x0  }
0x153: {  	s3 =	rddreg [dreg:$0x2];
	[bflag:$0x3] =	sbarrier.arrive $0xFFFF;
	s2 =	simm.s32 @!p0 $0x1C0A  }
0x154: {  	[timem:s3], [sflag:s2] =	dma.local @!p0 [hbm:s0], s1  }
0x155: {  	s0 =	simm.s32 @!p0 $0xA  }
0x156: {  	_ =	swait.ge @!p0 [sflag:s0], s1  }
0x157: {  	s1 =	ssub.s32 @!p0 $0x0, s1;
	[sflag:s0] =	ssyncset.done @!p0 $0x0  }
0x158: {  	[sflag:s0] =	ssyncadd.s32 @!p0 s1  }
0x159: {  	[bflag:$0x3] =	sbarrier.arrive $0xFFFF  }
0x15a: {  	_ =	shalt  }

</sc_bundles>
